<compile_context>
chip_gen: v7x
topology: tpu7x:2x2x1
jax: 0.10.2.dev20260603
libtpu: 0.0.44.dev20260713+nightly
codegen_flags: <defaults>
</compile_context>

<pallas_src>
import functools

import numpy as np

import jax
import jax.numpy as jnp
from jax import lax
from jax.experimental import pallas as pl
from jax.experimental.pallas import tpu as pltpu
from jax.experimental.pallas import tpu_sc as plsc


def _sq_threshold(c=np.float32(0.1)):
    lo, hi = np.float32(c * c * 0.5), np.float32(c * c * 2.0)
    for _ in range(64):
        mid = np.float32((lo.astype(np.float64) + hi.astype(np.float64)) / 2)
        if np.sqrt(mid, dtype=np.float32) >= c:
            hi = mid
        else:
            lo = mid
    return float(hi)


_THR2 = _sq_threshold()
_BR = 1024
_BT = 1024



def _nn_body(nrb, br, n, pts_i_ref, pts_jT_ref, nn_i_ref, minsq_ref,
             colmin_out_ref, colmin_ref):
    rb = pl.program_id(1)
    pi = pts_i_ref[0]
    pj = pts_jT_ref[0]
    xi, yi, zi = pi[:, 0:1], pi[:, 1:2], pi[:, 2:3]
    xj, yj, zj = pj[0:1, :], pj[1:2, :], pj[2:3, :]
    a2 = xi * xi + yi * yi + zi * zi
    b2 = xj * xj + yj * yj + zj * zj
    ab = xi * xj + yi * yj + zi * zj
    sq = (a2 + b2) - 2.0 * ab

    rowmin = jnp.min(sq, axis=1, keepdims=True)
    colix = lax.broadcasted_iota(jnp.int32, sq.shape, 1)
    rowarg = jnp.min(jnp.where(sq == rowmin, colix, n), axis=1, keepdims=True)
    nn_i_ref[0] = rowarg.astype(jnp.int32)
    minsq_ref[0] = rowmin

    cmin = jnp.min(sq, axis=0, keepdims=True)

    @pl.when(rb == 0)
    def _():
        colmin_ref[...] = jnp.full(colmin_ref.shape, 1e30, jnp.float32)

    colmin_ref[...] = jnp.minimum(cmin, colmin_ref[...])

    @pl.when(rb == nrb - 1)
    def _():
        colmin_out_ref[0] = colmin_ref[...]


def _mutual_nn(pts_i, pts_jT):
    bsz, n, _ = pts_i.shape
    br = _BR
    nrb = n // br
    return pl.pallas_call(
        functools.partial(_nn_body, nrb, br, n),
        grid=(bsz, nrb),
        in_specs=[
            pl.BlockSpec((1, br, 3), lambda b, r: (b, r, 0)),
            pl.BlockSpec((1, 3, n), lambda b, r: (b, 0, 0)),
        ],
        out_specs=[
            pl.BlockSpec((1, br, 1), lambda b, r: (b, r, 0)),
            pl.BlockSpec((1, br, 1), lambda b, r: (b, r, 0)),
            pl.BlockSpec((1, 1, n), lambda b, r: (b, 0, 0)),
        ],
        out_shape=[
            jax.ShapeDtypeStruct((bsz, n, 1), jnp.int32),
            jax.ShapeDtypeStruct((bsz, n, 1), jnp.float32),
            jax.ShapeDtypeStruct((bsz, 1, n), jnp.float32),
        ],
        scratch_shapes=[
            pltpu.VMEM((1, n), jnp.float32),
        ],
        compiler_params=pltpu.CompilerParams(
            dimension_semantics=("arbitrary", "arbitrary")),
    )(pts_i, pts_jT)



def _sc_corr(nni, minsq, colmin, ptsf, validf, embf, n, bsz, v, vi_ix, vj_ix):
    bn = bsz * n
    d = embf.shape[-1]
    info = plsc.get_sparse_core_info()
    ncores, nsub = info.num_cores, info.num_subcores
    nw = ncores * nsub
    r = bn // nw
    half = r // 2
    mesh = plsc.VectorSubcoreMesh(core_axis_name="c", subcore_axis_name="s")

    @functools.partial(
        pl.kernel,
        mesh=mesh,
        compiler_params=pltpu.CompilerParams(needs_layout_passes=False),
        out_type=[jax.ShapeDtypeStruct((bn, d), jnp.float32),
                  jax.ShapeDtypeStruct((bn * 8,), jnp.float32)],
        name="sc_corr",
        scratch_types=[
            pltpu.VMEM((r,), jnp.int32),
            pltpu.VMEM((r,), jnp.float32),
            pltpu.VMEM((r * 3,), jnp.float32),
            pltpu.VMEM((r,), jnp.float32),
            pltpu.VMEM((half,), jnp.int32),
            pltpu.VMEM((half,), jnp.int32),
            pltpu.VMEM((n,), jnp.float32),
            pltpu.VMEM((n * 3,), jnp.float32),
            pltpu.VMEM((n,), jnp.float32),
            pltpu.VMEM((half, d), jnp.float32),
            pltpu.VMEM((half, d), jnp.float32),
            pltpu.VMEM((r * 8,), jnp.float32),
            pltpu.SemaphoreType.DMA,
        ],
    )
    def k(nni_h, minsq_h, colmin_h, ptsf_h, validf_h,
          emb_h, embg_h, relm_h,
          nni_v, minsq_v, ptsi_v, vi_v, idx_a, idx_b,
          colmin_t, ptsj_t, vj_t, rows_a, rows_b, relbuf, sem):
        wid = lax.axis_index("c") * nsub + lax.axis_index("s")
        base = wid * r
        b = base // n
        lbase = base - b * n
        goffi = (b * v + vi_ix) * n
        goffj = (b * v + vj_ix) * n
        ii = lax.iota(jnp.int32, 16)

        pltpu.sync_copy(nni_h.at[pl.ds(base, r)], nni_v)
        for g in range(r // 16):
            v_ = nni_v[pl.ds(g * 16, 16)] + goffj
            if g < half // 16:
                idx_a[pl.ds(g * 16, 16)] = v_
            else:
                idx_b[pl.ds(g * 16 - half, 16)] = v_
        cp0 = pltpu.async_copy(emb_h.at[idx_a], rows_a, sem)
        cp1 = pltpu.async_copy(emb_h.at[idx_b], rows_b, sem)

        pltpu.sync_copy(colmin_h.at[pl.ds(b * n, n)], colmin_t)
        pltpu.sync_copy(ptsf_h.at[pl.ds(goffj * 3, n * 3)], ptsj_t)
        pltpu.sync_copy(validf_h.at[pl.ds(goffj, n)], vj_t)
        pltpu.sync_copy(minsq_h.at[pl.ds(base, r)], minsq_v)
        pltpu.sync_copy(ptsf_h.at[pl.ds((goffi + lbase) * 3, r * 3)], ptsi_v)
        pltpu.sync_copy(validf_h.at[pl.ds(goffi + lbase, r)], vi_v)

        zeros16 = jnp.zeros((16,), jnp.float32)
        for g in range(r // 16):
            sl = pl.ds(g * 16, 16)
            idxv = nni_v[sl]
            msq = minsq_v[sl]
            mutual = plsc.load_gather(colmin_t, [idxv]) == msq
            close = msq < _THR2
            vi_ok = vi_v[sl] > 0.5
            vj_ok = plsc.load_gather(vj_t, [idxv]) > 0.5
            vcf = jnp.where(mutual & close & vi_ok & vj_ok,
                            jnp.float32(1.0), jnp.float32(0.0))
            i3 = idxv * 3
            c3 = (g * 16 + ii) * 3
            rx = plsc.load_gather(ptsj_t, [i3]) - plsc.load_gather(ptsi_v, [c3])
            ry = (plsc.load_gather(ptsj_t, [i3 + 1])
                  - plsc.load_gather(ptsi_v, [c3 + 1]))
            rz = (plsc.load_gather(ptsj_t, [i3 + 2])
                  - plsc.load_gather(ptsi_v, [c3 + 2]))
            pos = (g * 16 + ii) * 8
            plsc.store_scatter(relbuf, [pos], rx)
            plsc.store_scatter(relbuf, [pos + 1], ry)
            plsc.store_scatter(relbuf, [pos + 2], rz)
            plsc.store_scatter(relbuf, [pos + 3], vcf)
            plsc.store_scatter(relbuf, [pos + 4], zeros16)
            plsc.store_scatter(relbuf, [pos + 5], zeros16)
            plsc.store_scatter(relbuf, [pos + 6], zeros16)
            plsc.store_scatter(relbuf, [pos + 7], zeros16)

        cp0.wait()
        cp1.wait()
        pltpu.sync_copy(rows_a, embg_h.at[pl.ds(base, half)])
        pltpu.sync_copy(rows_b, embg_h.at[pl.ds(base + half, half)])
        pltpu.sync_copy(relbuf, relm_h.at[pl.ds(base * 8, r * 8)])

    return k(nni, minsq, colmin, ptsf, validf, embf)



def _loss_body(d, emb_i_ref, embg_ref, relm_ref, w1_ref, b1_ref, g_ref,
               beta_ref, w2_ref, b2_ref, sd_ref, sm_ref):
    first = (pl.program_id(0) == 0) & (pl.program_id(1) == 0)
    x = emb_i_ref[0, 0]
    eg = embg_ref[0]
    rel = relm_ref[0]
    w1 = w1_ref[...]
    rel3 = rel[:, 0:3]
    m = rel[:, 3:4]
    norm = jnp.sqrt(jnp.sum(rel3 * rel3, axis=1, keepdims=True))
    dir3 = rel3 / jnp.maximum(norm, 1e-6)
    h = (jnp.dot(x, w1[0:d], preferred_element_type=jnp.float32)
         + jnp.dot(rel3, w1[d:d + 3], preferred_element_type=jnp.float32)
         + jnp.dot(dir3, w1[d + 3:d + 6], preferred_element_type=jnp.float32)
         + b1_ref[...])
    mu = jnp.mean(h, axis=1, keepdims=True)
    var = jnp.mean((h - mu) ** 2, axis=1, keepdims=True)
    hn = (h - mu) / jnp.sqrt(var + 1e-5) * g_ref[...] + beta_ref[...]
    ge = 0.5 * hn * (1.0 + lax.erf(hn / np.float32(np.sqrt(2.0))))
    t = jnp.dot(ge, w2_ref[...], preferred_element_type=jnp.float32) + b2_ref[...]
    dsq = (t - eg) ** 2
    sd = jnp.sum(dsq * m)
    sm = jnp.sum(m)
    sd_ref[...] = jnp.where(first, 0.0, sd_ref[...]) + sd
    sm_ref[...] = jnp.where(first, 0.0, sm_ref[...]) + sm


def _transform_loss(emb4, vi_ix, embg, relm, w1, b1r, gr, betar, w2, b2r):
    bsz, _, n, d = emb4.shape
    bt = _BT
    nt = n // bt
    return pl.pallas_call(
        functools.partial(_loss_body, d),
        grid=(bsz, nt),
        in_specs=[
            pl.BlockSpec((1, 1, bt, d), lambda b, t: (b, vi_ix, t, 0)),
            pl.BlockSpec((1, bt, d), lambda b, t: (b, t, 0)),
            pl.BlockSpec((1, bt, 8), lambda b, t: (b, t, 0)),
            pl.BlockSpec((d + 6, d), lambda b, t: (0, 0)),
            pl.BlockSpec((1, d), lambda b, t: (0, 0)),
            pl.BlockSpec((1, d), lambda b, t: (0, 0)),
            pl.BlockSpec((1, d), lambda b, t: (0, 0)),
            pl.BlockSpec((d, d), lambda b, t: (0, 0)),
            pl.BlockSpec((1, d), lambda b, t: (0, 0)),
        ],
        out_specs=[
            pl.BlockSpec((1, 1), lambda b, t: (0, 0)),
            pl.BlockSpec((1, 1), lambda b, t: (0, 0)),
        ],
        out_shape=[
            jax.ShapeDtypeStruct((1, 1), jnp.float32),
            jax.ShapeDtypeStruct((1, 1), jnp.float32),
        ],
        compiler_params=pltpu.CompilerParams(
            dimension_semantics=("arbitrary", "arbitrary")),
    )(emb4, embg, relm, w1, b1r, gr, betar, w2, b2r)



def kernel(embeddings, pointmaps, valid_masks, W1, b1, ln_g, ln_b, W2, b2):
    bsz, v, n, d = embeddings.shape
    f32 = jnp.float32
    pts = pointmaps.astype(f32)
    valid_f = valid_masks.astype(f32)
    b1r = b1.reshape(1, d)
    gr = ln_g.reshape(1, d)
    betar = ln_b.reshape(1, d)
    b2r = b2.reshape(1, d)

    bn = bsz * n
    total = jnp.float32(0.0)
    npairs = 0
    for i in range(v):
        for j in range(i + 1, v):
            nni3, minsq3, colmin2 = _mutual_nn(
                pts[:, i], jnp.swapaxes(pts[:, j], 1, 2))
            embg, relm = _sc_corr(
                nni3.reshape(bn), minsq3.reshape(bn), colmin2.reshape(bn),
                pts.reshape(bsz * v * n * 3), valid_f.reshape(bsz * v * n),
                embeddings.reshape(bsz * v * n, d), n, bsz, v, i, j)
            sdb, smb = _transform_loss(
                embeddings, i, embg.reshape(bsz, n, d),
                relm.reshape(bsz, n, 8), W1, b1r, gr, betar, W2, b2r)
            total = total + sdb[0, 0] / (smb[0, 0] * d + 1e-6)
            npairs += 1
    return total / npairs

# --- scband reference (transcript-rebuilt; emitter-appended) ---
"""Pipeline reference for scband-consistent-embedding-loss-26173530701952 (READ-ONLY COPY).

The authoritative reference and input builder live on the scoring server;
editing this copy changes nothing except your own understanding.
"""

import jax, jax.numpy as jnp
import numpy as np

B, V, N, D = 2, 2, 4096, 256
THR = 0.1

def setup_inputs(seed: int = 0) -> dict:
    key = jax.random.key(seed)
    ks = jax.random.split(key, 8)
    embeddings = jax.random.normal(ks[0], (B, V, N, D), dtype=jnp.float32)
    pointmaps = jax.random.uniform(ks[1], (B, V, N, 3), dtype=jnp.float32)
    valid_masks = jnp.ones((B, V, N), dtype=bool)
    W1 = jax.random.normal(ks[2], (D + 6, D), dtype=jnp.float32) * 0.02
    b1 = jnp.zeros((D,), dtype=jnp.float32)
    ln_g = jnp.ones((D,), dtype=jnp.float32)
    ln_b = jnp.zeros((D,), dtype=jnp.float32)
    W2 = jax.random.normal(ks[3], (D, D), dtype=jnp.float32) * 0.02
    b2 = jnp.zeros((D,), dtype=jnp.float32)
    return {"embeddings": embeddings, "pointmaps": pointmaps, "valid_masks": valid_masks,
            "W1": W1, "b1": b1, "ln_g": ln_g, "ln_b": ln_b, "W2": W2, "b2": b2}

def _cdist(a, b):
    # a: [B, N, 3], b: [B, M, 3] -> [B, N, M], euclidean (p=2)
    a2 = jnp.sum(a * a, axis=-1)[:, :, None]
    b2 = jnp.sum(b * b, axis=-1)[:, None, :]
    ab = jnp.einsum('bnd,bmd->bnm', a, b)
    sq = jnp.maximum(a2 + b2 - 2.0 * ab, 0.0)
    return jnp.sqrt(sq)

def _find_correspondences(pts_i, pts_j, valid_i, valid_j, thr):
    n = pts_i.shape[1]
    dists = _cdist(pts_i, pts_j)
    nn_i_to_j = jnp.argmin(dists, axis=-1)   # [B, N]
    nn_j_to_i = jnp.argmin(dists, axis=-2)   # [B, N]
    idx_i = jnp.arange(n)[None, :]
    mutual = jnp.take_along_axis(nn_j_to_i, nn_i_to_j, axis=1) == idx_i
    min_dists = jnp.take_along_axis(dists, nn_i_to_j[..., None], axis=-1)[..., 0]
    close_enough = min_dists < thr
    valid_j_corr = jnp.take_along_axis(valid_j, nn_i_to_j, axis=1)
    valid_corr = mutual & close_enough & valid_i & valid_j_corr
    return nn_i_to_j, valid_corr, min_dists

def _layernorm(x, g, b):
    m = jnp.mean(x, axis=-1, keepdims=True)
    v = jnp.var(x, axis=-1, keepdims=True)
    return (x - m) / jnp.sqrt(v + 1e-5) * g + b

def _transform(x, W1, b1, ln_g, ln_b, W2, b2):
    h = x @ W1 + b1
    h = _layernorm(h, ln_g, ln_b)
    h = jax.nn.gelu(h, approximate=False)
    return h @ W2 + b2

def reference(embeddings, pointmaps, valid_masks, W1, b1, ln_g, ln_b, W2, b2):
    b_, v_, n_, d_ = embeddings.shape
    emb_flat = embeddings
    pts_flat = pointmaps
    valid_flat = valid_masks
    total_loss = jnp.float32(0.0)
    n_pairs = 0
    for i in range(v_):
        for j in range(i + 1, v_):
            nn_idx, valid_corr, _ = _find_correspondences(
                pts_flat[:, i], pts_flat[:, j], valid_flat[:, i], valid_flat[:, j], THR)
            emb_i = emb_flat[:, i]
            emb_j = jnp.take_along_axis(emb_flat[:, j], nn_idx[..., None], axis=1)
            pts_j_corr = jnp.take_along_axis(pts_flat[:, j], nn_idx[..., None], axis=1)
            rel_pos = pts_j_corr - pts_flat[:, i]
            norm = jnp.linalg.norm(rel_pos, axis=-1, keepdims=True)
            rel_dir = rel_pos / jnp.maximum(norm, 1e-6)
            rel_geom = jnp.concatenate([rel_pos, rel_dir], axis=-1)
            emb_i_transformed = _transform(
                jnp.concatenate([emb_i, rel_geom], axis=-1), W1, b1, ln_g, ln_b, W2, b2)
            diff = (emb_i_transformed - emb_j) ** 2
            vcf = valid_corr.astype(jnp.float32)
            pair_loss = jnp.sum(diff * vcf[..., None])
            pair_loss = pair_loss / (jnp.sum(vcf) * d_ + 1e-6)
            total_loss = total_loss + pair_loss
            n_pairs += 1
    return total_loss / n_pairs

if __name__ == "__main__":
    import jax
    _d = setup_inputs()
    print(jax.jit(kernel)(*tuple(_d.values())))

</pallas_src>

<mosaic_0001>
#map = affine_map<(d0, d1) -> (0)>
#map1 = affine_map<(d0, d1) -> (0, 0)>
module attributes {stable_mosaic.version = 14 : i64} {
  func.func @sc_corr(%arg0: i32, %arg1: i32, %arg2: memref<8192xi32, #tpu.memory_space<hbm>>, %arg3: memref<8192xf32, #tpu.memory_space<hbm>>, %arg4: memref<8192xf32, #tpu.memory_space<hbm>>, %arg5: memref<49152xf32, #tpu.memory_space<hbm>>, %arg6: memref<16384xf32, #tpu.memory_space<hbm>>, %arg7: memref<16384x256xf32, #tpu.memory_space<hbm>>, %arg8: memref<8192x256xf32, #tpu.memory_space<hbm>>, %arg9: memref<65536xf32, #tpu.memory_space<hbm>>, %arg10: memref<256xi32, #tpu.memory_space<vmem>>, %arg11: memref<256xf32, #tpu.memory_space<vmem>>, %arg12: memref<768xf32, #tpu.memory_space<vmem>>, %arg13: memref<256xf32, #tpu.memory_space<vmem>>, %arg14: memref<128xi32, #tpu.memory_space<vmem>>, %arg15: memref<128xi32, #tpu.memory_space<vmem>>, %arg16: memref<4096xf32, #tpu.memory_space<vmem>>, %arg17: memref<12288xf32, #tpu.memory_space<vmem>>, %arg18: memref<4096xf32, #tpu.memory_space<vmem>>, %arg19: memref<128x256xf32, #tpu.memory_space<vmem>>, %arg20: memref<128x256xf32, #tpu.memory_space<vmem>>, %arg21: memref<2048xf32, #tpu.memory_space<vmem>>, %arg22: memref<!tpu.dma_semaphore, #tpu.memory_space<semaphore_mem>>) attributes {dimension_semantics = [#tpu.dimension_semantics<core_parallel>, #tpu.dimension_semantics<subcore_parallel>], iteration_bounds = array<i64: 2, 16>, scalar_prefetch = 0 : i64, scratch_operands = 13 : i64, tpu.core_type = #tpu.core_type<sc_vector_subcore>, window_params = [{transform_indices = #map}, {transform_indices = #map}, {transform_indices = #map}, {transform_indices = #map}, {transform_indices = #map}, {transform_indices = #map1}, {transform_indices = #map1}, {transform_indices = #map}]} {
    %mul3A = arith.constant 16 : i32
    %mul3A_0 = arith.muli %arg0, %mul3A : i32
    %add3A = arith.addi %mul3A_0, %arg1 : i32
    %mul3A_1 = arith.constant 256 : i32
    %mul3A_2 = arith.muli %add3A, %mul3A_1 : i32
    %jit3A = arith.constant 4096 : i32
    %div3A = arith.divsi %mul3A_2, %jit3A : i32
    %sign3A = arith.constant 0 : i32
    %sign3A_3 = arith.cmpi sgt, %mul3A_2, %sign3A : i32
    %sign3A_4 = arith.extui %sign3A_3 : i1 to i32
    %sign3A_5 = arith.constant 0 : i32
    %sign3A_6 = arith.cmpi slt, %mul3A_2, %sign3A_5 : i32
    %sign3A_7 = arith.extui %sign3A_6 : i1 to i32
    %sign3A_8 = arith.subi %sign3A_4, %sign3A_7 : i32
    %sign3A_9 = arith.constant 0 : i32
    %sign3A_10 = arith.cmpi sgt, %jit3A, %sign3A_9 : i32
    %sign3A_11 = arith.extui %sign3A_10 : i1 to i32
    %sign3A_12 = arith.constant 0 : i32
    %sign3A_13 = arith.cmpi slt, %jit3A, %sign3A_12 : i32
    %sign3A_14 = arith.extui %sign3A_13 : i1 to i32
    %sign3A_15 = arith.subi %sign3A_11, %sign3A_14 : i32
    %ne3A = arith.cmpi ne, %sign3A_8, %sign3A_15 : i32
    %rem3A = arith.remsi %mul3A_2, %jit3A : i32
    %ne3A_16 = arith.constant 0 : i32
    %ne3A_17 = arith.cmpi ne, %rem3A, %ne3A_16 : i32
    %and3A = arith.andi %ne3A, %ne3A_17 : i1
    %sub3A = arith.constant 1 : i32
    %sub3A_18 = arith.subi %div3A, %sub3A : i32
    %select_n3A = arith.select %and3A, %sub3A_18, %div3A : i32
    %mul3A_19 = arith.constant 4096 : i32
    %mul3A_20 = arith.muli %select_n3A, %mul3A_19 : i32
    %sub3A_21 = arith.subi %mul3A_2, %mul3A_20 : i32
    %mul3A_22 = arith.constant 2 : i32
    %mul3A_23 = arith.muli %select_n3A, %mul3A_22 : i32
    %add3A_24 = arith.constant 0 : i32
    %add3A_25 = arith.addi %mul3A_23, %add3A_24 : i32
    %mul3A_26 = arith.constant 4096 : i32
    %mul3A_27 = arith.muli %add3A_25, %mul3A_26 : i32
    %mul3A_28 = arith.constant 2 : i32
    %mul3A_29 = arith.muli %select_n3A, %mul3A_28 : i32
    %add3A_30 = arith.constant 1 : i32
    %add3A_31 = arith.addi %mul3A_29, %add3A_30 : i32
    %mul3A_32 = arith.constant 4096 : i32
    %mul3A_33 = arith.muli %add3A_31, %mul3A_32 : i32
    %iota3A = tpu.iota {dimensions = array<i32: 0>} : vector<16xi32>
    "tpu.region"() ({
      %run_scoped3A = tpu.sem_alloc : memref<!tpu.dma_semaphore, #tpu.memory_space<semaphore_mem>>
      %dma_start3A_1475 = tpu.memref_slice %arg2[%mul3A_2] : memref<8192xi32, #tpu.memory_space<hbm>> -> memref<256xi32, #tpu.memory_space<hbm>>
      %dma_start3A_1476 = tpu.memref_slice %arg2[%mul3A_2] : memref<8192xi32, #tpu.memory_space<hbm>> -> memref<256xi32, #tpu.memory_space<hbm>>
      tpu.enqueue_dma source(%dma_start3A_1476 : memref<256xi32, #tpu.memory_space<hbm>>) target(%arg10 : memref<256xi32, #tpu.memory_space<vmem>>) target_semaphore(%run_scoped3A : memref<!tpu.dma_semaphore, #tpu.memory_space<semaphore_mem>>)
      %dma_wait3A_1477 = tpu.memref_slice %arg2[%mul3A_2] : memref<8192xi32, #tpu.memory_space<hbm>> -> memref<256xi32, #tpu.memory_space<hbm>>
      %dma_wait3A_1478 = tpu.memref_slice %arg2[%mul3A_2] : memref<8192xi32, #tpu.memory_space<hbm>> -> memref<256xi32, #tpu.memory_space<hbm>>
      tpu.wait_dma2 semaphore(%run_scoped3A : memref<!tpu.dma_semaphore, #tpu.memory_space<semaphore_mem>>) src(%dma_wait3A_1478 : memref<256xi32, #tpu.memory_space<hbm>>) dst(%arg10 : memref<256xi32, #tpu.memory_space<vmem>>)
      tpu.yield
    }) : () -> ()
    %get3A = arith.constant 0 : index
    %get3A_34 = tpu.vector_load %arg10[%get3A] {strides = array<i32>} : memref<256xi32, #tpu.memory_space<vmem>>, vector<16xi32>,
    %add3A_35 = vector.broadcast %mul3A_33 : i32 to vector<16xi32>
    %add3A_36 = arith.addi %get3A_34, %add3A_35 : vector<16xi32>
    %swap3A = arith.constant 0 : index
    %swap3A_37 = tpu.vector_load %arg14[%swap3A] {strides = array<i32>} : memref<128xi32, #tpu.memory_space<vmem>>, vector<16xi32>,
    tpu.vector_store %arg14[%swap3A], %add3A_36 {strides = array<i32>} : memref<128xi32, #tpu.memory_space<vmem>>, vector<16xi32>,
    %get3A_38 = arith.constant 16 : index
    %get3A_39 = tpu.vector_load %arg10[%get3A_38] {strides = array<i32>} : memref<256xi32, #tpu.memory_space<vmem>>, vector<16xi32>,
    %add3A_40 = vector.broadcast %mul3A_33 : i32 to vector<16xi32>
    %add3A_41 = arith.addi %get3A_39, %add3A_40 : vector<16xi32>
    %swap3A_42 = arith.constant 16 : index
    %swap3A_43 = tpu.vector_load %arg14[%swap3A_42] {strides = array<i32>} : memref<128xi32, #tpu.memory_space<vmem>>, vector<16xi32>,
    tpu.vector_store %arg14[%swap3A_42], %add3A_41 {strides = array<i32>} : memref<128xi32, #tpu.memory_space<vmem>>, vector<16xi32>,
    %get3A_44 = arith.constant 32 : index
    %get3A_45 = tpu.vector_load %arg10[%get3A_44] {strides = array<i32>} : memref<256xi32, #tpu.memory_space<vmem>>, vector<16xi32>,
    %add3A_46 = vector.broadcast %mul3A_33 : i32 to vector<16xi32>
    %add3A_47 = arith.addi %get3A_45, %add3A_46 : vector<16xi32>
    %swap3A_48 = arith.constant 32 : index
    %swap3A_49 = tpu.vector_load %arg14[%swap3A_48] {strides = array<i32>} : memref<128xi32, #tpu.memory_space<vmem>>, vector<16xi32>,
    tpu.vector_store %arg14[%swap3A_48], %add3A_47 {strides = array<i32>} : memref<128xi32, #tpu.memory_space<vmem>>, vector<16xi32>,
    %get3A_50 = arith.constant 48 : index
    %get3A_51 = tpu.vector_load %arg10[%get3A_50] {strides = array<i32>} : memref<256xi32, #tpu.memory_space<vmem>>, vector<16xi32>,
    %add3A_52 = vector.broadcast %mul3A_33 : i32 to vector<16xi32>
    %add3A_53 = arith.addi %get3A_51, %add3A_52 : vector<16xi32>
    %swap3A_54 = arith.constant 48 : index
    %swap3A_55 = tpu.vector_load %arg14[%swap3A_54] {strides = array<i32>} : memref<128xi32, #tpu.memory_space<vmem>>, vector<16xi32>,
    tpu.vector_store %arg14[%swap3A_54], %add3A_53 {strides = array<i32>} : memref<128xi32, #tpu.memory_space<vmem>>, vector<16xi32>,
    %get3A_56 = arith.constant 64 : index
    %get3A_57 = tpu.vector_load %arg10[%get3A_56] {strides = array<i32>} : memref<256xi32, #tpu.memory_space<vmem>>, vector<16xi32>,
    %add3A_58 = vector.broadcast %mul3A_33 : i32 to vector<16xi32>
    %add3A_59 = arith.addi %get3A_57, %add3A_58 : vector<16xi32>
    %swap3A_60 = arith.constant 64 : index
    %swap3A_61 = tpu.vector_load %arg14[%swap3A_60] {strides = array<i32>} : memref<128xi32, #tpu.memory_space<vmem>>, vector<16xi32>,
    tpu.vector_store %arg14[%swap3A_60], %add3A_59 {strides = array<i32>} : memref<128xi32, #tpu.memory_space<vmem>>, vector<16xi32>,
    %get3A_62 = arith.constant 80 : index
    %get3A_63 = tpu.vector_load %arg10[%get3A_62] {strides = array<i32>} : memref<256xi32, #tpu.memory_space<vmem>>, vector<16xi32>,
    %add3A_64 = vector.broadcast %mul3A_33 : i32 to vector<16xi32>
    %add3A_65 = arith.addi %get3A_63, %add3A_64 : vector<16xi32>
    %swap3A_66 = arith.constant 80 : index
    %swap3A_67 = tpu.vector_load %arg14[%swap3A_66] {strides = array<i32>} : memref<128xi32, #tpu.memory_space<vmem>>, vector<16xi32>,
    tpu.vector_store %arg14[%swap3A_66], %add3A_65 {strides = array<i32>} : memref<128xi32, #tpu.memory_space<vmem>>, vector<16xi32>,
    %get3A_68 = arith.constant 96 : index
    %get3A_69 = tpu.vector_load %arg10[%get3A_68] {strides = array<i32>} : memref<256xi32, #tpu.memory_space<vmem>>, vector<16xi32>,
    %add3A_70 = vector.broadcast %mul3A_33 : i32 to vector<16xi32>
    %add3A_71 = arith.addi %get3A_69, %add3A_70 : vector<16xi32>
    %swap3A_72 = arith.constant 96 : index
    %swap3A_73 = tpu.vector_load %arg14[%swap3A_72] {strides = array<i32>} : memref<128xi32, #tpu.memory_space<vmem>>, vector<16xi32>,
    tpu.vector_store %arg14[%swap3A_72], %add3A_71 {strides = array<i32>} : memref<128xi32, #tpu.memory_space<vmem>>, vector<16xi32>,
    %get3A_74 = arith.constant 112 : index
    %get3A_75 = tpu.vector_load %arg10[%get3A_74] {strides = array<i32>} : memref<256xi32, #tpu.memory_space<vmem>>, vector<16xi32>,
    %add3A_76 = vector.broadcast %mul3A_33 : i32 to vector<16xi32>
    %add3A_77 = arith.addi %get3A_75, %add3A_76 : vector<16xi32>
    %swap3A_78 = arith.constant 112 : index
    %swap3A_79 = tpu.vector_load %arg14[%swap3A_78] {strides = array<i32>} : memref<128xi32, #tpu.memory_space<vmem>>, vector<16xi32>,
    tpu.vector_store %arg14[%swap3A_78], %add3A_77 {strides = array<i32>} : memref<128xi32, #tpu.memory_space<vmem>>, vector<16xi32>,
    %get3A_80 = arith.constant 128 : index
    %get3A_81 = tpu.vector_load %arg10[%get3A_80] {strides = array<i32>} : memref<256xi32, #tpu.memory_space<vmem>>, vector<16xi32>,
    %add3A_82 = vector.broadcast %mul3A_33 : i32 to vector<16xi32>
    %add3A_83 = arith.addi %get3A_81, %add3A_82 : vector<16xi32>
    %swap3A_84 = arith.constant 0 : index
    %swap3A_85 = tpu.vector_load %arg15[%swap3A_84] {strides = array<i32>} : memref<128xi32, #tpu.memory_space<vmem>>, vector<16xi32>,
    tpu.vector_store %arg15[%swap3A_84], %add3A_83 {strides = array<i32>} : memref<128xi32, #tpu.memory_space<vmem>>, vector<16xi32>,
    %get3A_86 = arith.constant 144 : index
    %get3A_87 = tpu.vector_load %arg10[%get3A_86] {strides = array<i32>} : memref<256xi32, #tpu.memory_space<vmem>>, vector<16xi32>,
    %add3A_88 = vector.broadcast %mul3A_33 : i32 to vector<16xi32>
    %add3A_89 = arith.addi %get3A_87, %add3A_88 : vector<16xi32>
    %swap3A_90 = arith.constant 16 : index
    %swap3A_91 = tpu.vector_load %arg15[%swap3A_90] {strides = array<i32>} : memref<128xi32, #tpu.memory_space<vmem>>, vector<16xi32>,
    tpu.vector_store %arg15[%swap3A_90], %add3A_89 {strides = array<i32>} : memref<128xi32, #tpu.memory_space<vmem>>, vector<16xi32>,
    %get3A_92 = arith.constant 160 : index
    %get3A_93 = tpu.vector_load %arg10[%get3A_92] {strides = array<i32>} : memref<256xi32, #tpu.memory_space<vmem>>, vector<16xi32>,
    %add3A_94 = vector.broadcast %mul3A_33 : i32 to vector<16xi32>
    %add3A_95 = arith.addi %get3A_93, %add3A_94 : vector<16xi32>
    %swap3A_96 = arith.constant 32 : index
    %swap3A_97 = tpu.vector_load %arg15[%swap3A_96] {strides = array<i32>} : memref<128xi32, #tpu.memory_space<vmem>>, vector<16xi32>,
    tpu.vector_store %arg15[%swap3A_96], %add3A_95 {strides = array<i32>} : memref<128xi32, #tpu.memory_space<vmem>>, vector<16xi32>,
    %get3A_98 = arith.constant 176 : index
    %get3A_99 = tpu.vector_load %arg10[%get3A_98] {strides = array<i32>} : memref<256xi32, #tpu.memory_space<vmem>>, vector<16xi32>,
    %add3A_100 = vector.broadcast %mul3A_33 : i32 to vector<16xi32>
    %add3A_101 = arith.addi %get3A_99, %add3A_100 : vector<16xi32>
    %swap3A_102 = arith.constant 48 : index
    %swap3A_103 = tpu.vector_load %arg15[%swap3A_102] {strides = array<i32>} : memref<128xi32, #tpu.memory_space<vmem>>, vector<16xi32>,
    tpu.vector_store %arg15[%swap3A_102], %add3A_101 {strides = array<i32>} : memref<128xi32, #tpu.memory_space<vmem>>, vector<16xi32>,
    %get3A_104 = arith.constant 192 : index
    %get3A_105 = tpu.vector_load %arg10[%get3A_104] {strides = array<i32>} : memref<256xi32, #tpu.memory_space<vmem>>, vector<16xi32>,
    %add3A_106 = vector.broadcast %mul3A_33 : i32 to vector<16xi32>
    %add3A_107 = arith.addi %get3A_105, %add3A_106 : vector<16xi32>
    %swap3A_108 = arith.constant 64 : index
    %swap3A_109 = tpu.vector_load %arg15[%swap3A_108] {strides = array<i32>} : memref<128xi32, #tpu.memory_space<vmem>>, vector<16xi32>,
    tpu.vector_store %arg15[%swap3A_108], %add3A_107 {strides = array<i32>} : memref<128xi32, #tpu.memory_space<vmem>>, vector<16xi32>,
    %get3A_110 = arith.constant 208 : index
    %get3A_111 = tpu.vector_load %arg10[%get3A_110] {strides = array<i32>} : memref<256xi32, #tpu.memory_space<vmem>>, vector<16xi32>,
    %add3A_112 = vector.broadcast %mul3A_33 : i32 to vector<16xi32>
    %add3A_113 = arith.addi %get3A_111, %add3A_112 : vector<16xi32>
    %swap3A_114 = arith.constant 80 : index
    %swap3A_115 = tpu.vector_load %arg15[%swap3A_114] {strides = array<i32>} : memref<128xi32, #tpu.memory_space<vmem>>, vector<16xi32>,
    tpu.vector_store %arg15[%swap3A_114], %add3A_113 {strides = array<i32>} : memref<128xi32, #tpu.memory_space<vmem>>, vector<16xi32>,
    %get3A_116 = arith.constant 224 : index
    %get3A_117 = tpu.vector_load %arg10[%get3A_116] {strides = array<i32>} : memref<256xi32, #tpu.memory_space<vmem>>, vector<16xi32>,
    %add3A_118 = vector.broadcast %mul3A_33 : i32 to vector<16xi32>
    %add3A_119 = arith.addi %get3A_117, %add3A_118 : vector<16xi32>
    %swap3A_120 = arith.constant 96 : index
    %swap3A_121 = tpu.vector_load %arg15[%swap3A_120] {strides = array<i32>} : memref<128xi32, #tpu.memory_space<vmem>>, vector<16xi32>,
    tpu.vector_store %arg15[%swap3A_120], %add3A_119 {strides = array<i32>} : memref<128xi32, #tpu.memory_space<vmem>>, vector<16xi32>,
    %get3A_122 = arith.constant 240 : index
    %get3A_123 = tpu.vector_load %arg10[%get3A_122] {strides = array<i32>} : memref<256xi32, #tpu.memory_space<vmem>>, vector<16xi32>,
    %add3A_124 = vector.broadcast %mul3A_33 : i32 to vector<16xi32>
    %add3A_125 = arith.addi %get3A_123, %add3A_124 : vector<16xi32>
    %swap3A_126 = arith.constant 112 : index
    %swap3A_127 = tpu.vector_load %arg15[%swap3A_126] {strides = array<i32>} : memref<128xi32, #tpu.memory_space<vmem>>, vector<16xi32>,
    tpu.vector_store %arg15[%swap3A_126], %add3A_125 {strides = array<i32>} : memref<128xi32, #tpu.memory_space<vmem>>, vector<16xi32>,
    %dma_start3A = arith.constant 0 : i32
    %dma_start3A_128 = arith.constant 0 : i32
    %dma_start3A_129 = tpu.memref_slice %arg7[%dma_start3A, %dma_start3A_128] : memref<16384x256xf32, #tpu.memory_space<hbm>> -> memref<16384x256xf32, #tpu.memory_space<hbm>>
    tpu.enqueue_indirect_dma source(%dma_start3A_129 : memref<16384x256xf32, #tpu.memory_space<hbm>>) target(%arg19 : memref<128x256xf32, #tpu.memory_space<vmem>>) offsets(%arg14 : memref<128xi32, #tpu.memory_space<vmem>>) semaphore(%arg22 : memref<!tpu.dma_semaphore, #tpu.memory_space<semaphore_mem>>)
    %dma_start3A_130 = arith.constant 0 : i32
    %dma_start3A_131 = arith.constant 0 : i32
    %dma_start3A_132 = tpu.memref_slice %arg7[%dma_start3A_130, %dma_start3A_131] : memref<16384x256xf32, #tpu.memory_space<hbm>> -> memref<16384x256xf32, #tpu.memory_space<hbm>>
    tpu.enqueue_indirect_dma source(%dma_start3A_132 : memref<16384x256xf32, #tpu.memory_space<hbm>>) target(%arg20 : memref<128x256xf32, #tpu.memory_space<vmem>>) offsets(%arg15 : memref<128xi32, #tpu.memory_space<vmem>>) semaphore(%arg22 : memref<!tpu.dma_semaphore, #tpu.memory_space<semaphore_mem>>)
    %mul3A_133 = arith.constant 4096 : i32
    %mul3A_134 = arith.muli %select_n3A, %mul3A_133 : i32
    "tpu.region"() ({
      %run_scoped3A = tpu.sem_alloc : memref<!tpu.dma_semaphore, #tpu.memory_space<semaphore_mem>>
      %dma_start3A_1475 = tpu.memref_slice %arg4[%mul3A_134] : memref<8192xf32, #tpu.memory_space<hbm>> -> memref<4096xf32, #tpu.memory_space<hbm>>
      %dma_start3A_1476 = tpu.memref_slice %arg4[%mul3A_134] : memref<8192xf32, #tpu.memory_space<hbm>> -> memref<4096xf32, #tpu.memory_space<hbm>>
      tpu.enqueue_dma source(%dma_start3A_1476 : memref<4096xf32, #tpu.memory_space<hbm>>) target(%arg16 : memref<4096xf32, #tpu.memory_space<vmem>>) target_semaphore(%run_scoped3A : memref<!tpu.dma_semaphore, #tpu.memory_space<semaphore_mem>>)
      %dma_wait3A_1477 = tpu.memref_slice %arg4[%mul3A_134] : memref<8192xf32, #tpu.memory_space<hbm>> -> memref<4096xf32, #tpu.memory_space<hbm>>
      %dma_wait3A_1478 = tpu.memref_slice %arg4[%mul3A_134] : memref<8192xf32, #tpu.memory_space<hbm>> -> memref<4096xf32, #tpu.memory_space<hbm>>
      tpu.wait_dma2 semaphore(%run_scoped3A : memref<!tpu.dma_semaphore, #tpu.memory_space<semaphore_mem>>) src(%dma_wait3A_1478 : memref<4096xf32, #tpu.memory_space<hbm>>) dst(%arg16 : memref<4096xf32, #tpu.memory_space<vmem>>)
      tpu.yield
    }) : () -> ()
    %mul3A_135 = arith.constant 3 : i32
    %mul3A_136 = arith.muli %mul3A_33, %mul3A_135 : i32
    "tpu.region"() ({
      %run_scoped3A = tpu.sem_alloc : memref<!tpu.dma_semaphore, #tpu.memory_space<semaphore_mem>>
      %dma_start3A_1475 = tpu.memref_slice %arg5[%mul3A_136] : memref<49152xf32, #tpu.memory_space<hbm>> -> memref<12288xf32, #tpu.memory_space<hbm>>
      %dma_start3A_1476 = tpu.memref_slice %arg5[%mul3A_136] : memref<49152xf32, #tpu.memory_space<hbm>> -> memref<12288xf32, #tpu.memory_space<hbm>>
      tpu.enqueue_dma source(%dma_start3A_1476 : memref<12288xf32, #tpu.memory_space<hbm>>) target(%arg17 : memref<12288xf32, #tpu.memory_space<vmem>>) target_semaphore(%run_scoped3A : memref<!tpu.dma_semaphore, #tpu.memory_space<semaphore_mem>>)
      %dma_wait3A_1477 = tpu.memref_slice %arg5[%mul3A_136] : memref<49152xf32, #tpu.memory_space<hbm>> -> memref<12288xf32, #tpu.memory_space<hbm>>
      %dma_wait3A_1478 = tpu.memref_slice %arg5[%mul3A_136] : memref<49152xf32, #tpu.memory_space<hbm>> -> memref<12288xf32, #tpu.memory_space<hbm>>
      tpu.wait_dma2 semaphore(%run_scoped3A : memref<!tpu.dma_semaphore, #tpu.memory_space<semaphore_mem>>) src(%dma_wait3A_1478 : memref<12288xf32, #tpu.memory_space<hbm>>) dst(%arg17 : memref<12288xf32, #tpu.memory_space<vmem>>)
      tpu.yield
    }) : () -> ()
    "tpu.region"() ({
      %run_scoped3A = tpu.sem_alloc : memref<!tpu.dma_semaphore, #tpu.memory_space<semaphore_mem>>
      %dma_start3A_1475 = tpu.memref_slice %arg6[%mul3A_33] : memref<16384xf32, #tpu.memory_space<hbm>> -> memref<4096xf32, #tpu.memory_space<hbm>>
      %dma_start3A_1476 = tpu.memref_slice %arg6[%mul3A_33] : memref<16384xf32, #tpu.memory_space<hbm>> -> memref<4096xf32, #tpu.memory_space<hbm>>
      tpu.enqueue_dma source(%dma_start3A_1476 : memref<4096xf32, #tpu.memory_space<hbm>>) target(%arg18 : memref<4096xf32, #tpu.memory_space<vmem>>) target_semaphore(%run_scoped3A : memref<!tpu.dma_semaphore, #tpu.memory_space<semaphore_mem>>)
      %dma_wait3A_1477 = tpu.memref_slice %arg6[%mul3A_33] : memref<16384xf32, #tpu.memory_space<hbm>> -> memref<4096xf32, #tpu.memory_space<hbm>>
      %dma_wait3A_1478 = tpu.memref_slice %arg6[%mul3A_33] : memref<16384xf32, #tpu.memory_space<hbm>> -> memref<4096xf32, #tpu.memory_space<hbm>>
      tpu.wait_dma2 semaphore(%run_scoped3A : memref<!tpu.dma_semaphore, #tpu.memory_space<semaphore_mem>>) src(%dma_wait3A_1478 : memref<4096xf32, #tpu.memory_space<hbm>>) dst(%arg18 : memref<4096xf32, #tpu.memory_space<vmem>>)
      tpu.yield
    }) : () -> ()
    "tpu.region"() ({
      %run_scoped3A = tpu.sem_alloc : memref<!tpu.dma_semaphore, #tpu.memory_space<semaphore_mem>>
      %dma_start3A_1475 = tpu.memref_slice %arg3[%mul3A_2] : memref<8192xf32, #tpu.memory_space<hbm>> -> memref<256xf32, #tpu.memory_space<hbm>>
      %dma_start3A_1476 = tpu.memref_slice %arg3[%mul3A_2] : memref<8192xf32, #tpu.memory_space<hbm>> -> memref<256xf32, #tpu.memory_space<hbm>>
      tpu.enqueue_dma source(%dma_start3A_1476 : memref<256xf32, #tpu.memory_space<hbm>>) target(%arg11 : memref<256xf32, #tpu.memory_space<vmem>>) target_semaphore(%run_scoped3A : memref<!tpu.dma_semaphore, #tpu.memory_space<semaphore_mem>>)
      %dma_wait3A_1477 = tpu.memref_slice %arg3[%mul3A_2] : memref<8192xf32, #tpu.memory_space<hbm>> -> memref<256xf32, #tpu.memory_space<hbm>>
      %dma_wait3A_1478 = tpu.memref_slice %arg3[%mul3A_2] : memref<8192xf32, #tpu.memory_space<hbm>> -> memref<256xf32, #tpu.memory_space<hbm>>
      tpu.wait_dma2 semaphore(%run_scoped3A : memref<!tpu.dma_semaphore, #tpu.memory_space<semaphore_mem>>) src(%dma_wait3A_1478 : memref<256xf32, #tpu.memory_space<hbm>>) dst(%arg11 : memref<256xf32, #tpu.memory_space<vmem>>)
      tpu.yield
    }) : () -> ()
    %add3A_137 = arith.addi %mul3A_27, %sub3A_21 : i32
    %mul3A_138 = arith.constant 3 : i32
    %mul3A_139 = arith.muli %add3A_137, %mul3A_138 : i32
    "tpu.region"() ({
      %run_scoped3A = tpu.sem_alloc : memref<!tpu.dma_semaphore, #tpu.memory_space<semaphore_mem>>
      %dma_start3A_1475 = tpu.memref_slice %arg5[%mul3A_139] : memref<49152xf32, #tpu.memory_space<hbm>> -> memref<768xf32, #tpu.memory_space<hbm>>
      %dma_start3A_1476 = tpu.memref_slice %arg5[%mul3A_139] : memref<49152xf32, #tpu.memory_space<hbm>> -> memref<768xf32, #tpu.memory_space<hbm>>
      tpu.enqueue_dma source(%dma_start3A_1476 : memref<768xf32, #tpu.memory_space<hbm>>) target(%arg12 : memref<768xf32, #tpu.memory_space<vmem>>) target_semaphore(%run_scoped3A : memref<!tpu.dma_semaphore, #tpu.memory_space<semaphore_mem>>)
      %dma_wait3A_1477 = tpu.memref_slice %arg5[%mul3A_139] : memref<49152xf32, #tpu.memory_space<hbm>> -> memref<768xf32, #tpu.memory_space<hbm>>
      %dma_wait3A_1478 = tpu.memref_slice %arg5[%mul3A_139] : memref<49152xf32, #tpu.memory_space<hbm>> -> memref<768xf32, #tpu.memory_space<hbm>>
      tpu.wait_dma2 semaphore(%run_scoped3A : memref<!tpu.dma_semaphore, #tpu.memory_space<semaphore_mem>>) src(%dma_wait3A_1478 : memref<768xf32, #tpu.memory_space<hbm>>) dst(%arg12 : memref<768xf32, #tpu.memory_space<vmem>>)
      tpu.yield
    }) : () -> ()
    %add3A_140 = arith.addi %mul3A_27, %sub3A_21 : i32
    "tpu.region"() ({
      %run_scoped3A = tpu.sem_alloc : memref<!tpu.dma_semaphore, #tpu.memory_space<semaphore_mem>>
      %dma_start3A_1475 = tpu.memref_slice %arg6[%add3A_140] : memref<16384xf32, #tpu.memory_space<hbm>> -> memref<256xf32, #tpu.memory_space<hbm>>
      %dma_start3A_1476 = tpu.memref_slice %arg6[%add3A_140] : memref<16384xf32, #tpu.memory_space<hbm>> -> memref<256xf32, #tpu.memory_space<hbm>>
      tpu.enqueue_dma source(%dma_start3A_1476 : memref<256xf32, #tpu.memory_space<hbm>>) target(%arg13 : memref<256xf32, #tpu.memory_space<vmem>>) target_semaphore(%run_scoped3A : memref<!tpu.dma_semaphore, #tpu.memory_space<semaphore_mem>>)
      %dma_wait3A_1477 = tpu.memref_slice %arg6[%add3A_140] : memref<16384xf32, #tpu.memory_space<hbm>> -> memref<256xf32, #tpu.memory_space<hbm>>
      %dma_wait3A_1478 = tpu.memref_slice %arg6[%add3A_140] : memref<16384xf32, #tpu.memory_space<hbm>> -> memref<256xf32, #tpu.memory_space<hbm>>
      tpu.wait_dma2 semaphore(%run_scoped3A : memref<!tpu.dma_semaphore, #tpu.memory_space<semaphore_mem>>) src(%dma_wait3A_1478 : memref<256xf32, #tpu.memory_space<hbm>>) dst(%arg13 : memref<256xf32, #tpu.memory_space<vmem>>)
      tpu.yield
    }) : () -> ()
    %broadcast_in_dim3A = arith.constant 0.000000e+00 : f32
    %broadcast_in_dim3A_141 = vector.broadcast %broadcast_in_dim3A : f32 to vector<16xf32>
    %get3A_142 = arith.constant 0 : index
    %get3A_143 = tpu.vector_load %arg10[%get3A_142] {strides = array<i32>} : memref<256xi32, #tpu.memory_space<vmem>>, vector<16xi32>,
    %get3A_144 = arith.constant 0 : index
    %get3A_145 = tpu.vector_load %arg11[%get3A_144] {strides = array<i32>} : memref<256xf32, #tpu.memory_space<vmem>>, vector<16xf32>,
    %gather3A = tpu.vector_load_idx %arg16[%get3A_143] : memref<4096xf32, #tpu.memory_space<vmem>>[vector<16xi32>], vector<16xf32>,
    %eq3A = arith.cmpf oeq, %gather3A, %get3A_145 : vector<16xf32>
    %lt3A = arith.constant 0.00999999977 : f32
    %lt3A_146 = vector.broadcast %lt3A : f32 to vector<16xf32>
    %lt3A_147 = arith.cmpf olt, %get3A_145, %lt3A_146 : vector<16xf32>
    %get3A_148 = arith.constant 0 : index
    %get3A_149 = tpu.vector_load %arg13[%get3A_148] {strides = array<i32>} : memref<256xf32, #tpu.memory_space<vmem>>, vector<16xf32>,
    %gt3A = arith.constant 5.000000e-01 : f32
    %gt3A_150 = vector.broadcast %gt3A : f32 to vector<16xf32>
    %gt3A_151 = arith.cmpf ogt, %get3A_149, %gt3A_150 : vector<16xf32>
    %gather3A_152 = tpu.vector_load_idx %arg18[%get3A_143] : memref<4096xf32, #tpu.memory_space<vmem>>[vector<16xi32>], vector<16xf32>,
    %gt3A_153 = arith.constant 5.000000e-01 : f32
    %gt3A_154 = vector.broadcast %gt3A_153 : f32 to vector<16xf32>
    %gt3A_155 = arith.cmpf ogt, %gather3A_152, %gt3A_154 : vector<16xf32>
    %and3A_156 = arith.andi %eq3A, %lt3A_147 : vector<16xi1>
    %and3A_157 = arith.andi %and3A_156, %gt3A_151 : vector<16xi1>
    %and3A_158 = arith.andi %and3A_157, %gt3A_155 : vector<16xi1>
    %jit3A_159 = arith.constant 1.000000e+00 : f32
    %jit3A_160 = arith.constant 0.000000e+00 : f32
    %broadcast_in_dim3A_161 = vector.broadcast %jit3A_159 : f32 to vector<16xf32>
    %broadcast_in_dim3A_162 = vector.broadcast %jit3A_160 : f32 to vector<16xf32>
    %select_n3A_163 = arith.select %and3A_158, %broadcast_in_dim3A_161, %broadcast_in_dim3A_162 : vector<16xi1>, vector<16xf32>
    %mul3A_164 = arith.constant 3 : i32
    %mul3A_165 = vector.broadcast %mul3A_164 : i32 to vector<16xi32>
    %mul3A_166 = arith.muli %get3A_143, %mul3A_165 : vector<16xi32>
    %add3A_167 = arith.constant 0 : i32
    %add3A_168 = vector.broadcast %add3A_167 : i32 to vector<16xi32>
    %add3A_169 = arith.addi %add3A_168, %iota3A : vector<16xi32>
    %mul3A_170 = arith.constant 3 : i32
    %mul3A_171 = vector.broadcast %mul3A_170 : i32 to vector<16xi32>
    %mul3A_172 = arith.muli %add3A_169, %mul3A_171 : vector<16xi32>
    %gather3A_173 = tpu.vector_load_idx %arg17[%mul3A_166] : memref<12288xf32, #tpu.memory_space<vmem>>[vector<16xi32>], vector<16xf32>,
    %gather3A_174 = tpu.vector_load_idx %arg12[%mul3A_172] : memref<768xf32, #tpu.memory_space<vmem>>[vector<16xi32>], vector<16xf32>,
    %sub3A_175 = arith.subf %gather3A_173, %gather3A_174 : vector<16xf32>
    %add3A_176 = arith.constant 1 : i32
    %add3A_177 = vector.broadcast %add3A_176 : i32 to vector<16xi32>
    %add3A_178 = arith.addi %mul3A_166, %add3A_177 : vector<16xi32>
    %gather3A_179 = tpu.vector_load_idx %arg17[%add3A_178] : memref<12288xf32, #tpu.memory_space<vmem>>[vector<16xi32>], vector<16xf32>,
    %add3A_180 = arith.constant 1 : i32
    %add3A_181 = vector.broadcast %add3A_180 : i32 to vector<16xi32>
    %add3A_182 = arith.addi %mul3A_172, %add3A_181 : vector<16xi32>
    %gather3A_183 = tpu.vector_load_idx %arg12[%add3A_182] : memref<768xf32, #tpu.memory_space<vmem>>[vector<16xi32>], vector<16xf32>,
    %sub3A_184 = arith.subf %gather3A_179, %gather3A_183 : vector<16xf32>
    %add3A_185 = arith.constant 2 : i32
    %add3A_186 = vector.broadcast %add3A_185 : i32 to vector<16xi32>
    %add3A_187 = arith.addi %mul3A_166, %add3A_186 : vector<16xi32>
    %gather3A_188 = tpu.vector_load_idx %arg17[%add3A_187] : memref<12288xf32, #tpu.memory_space<vmem>>[vector<16xi32>], vector<16xf32>,
    %add3A_189 = arith.constant 2 : i32
    %add3A_190 = vector.broadcast %add3A_189 : i32 to vector<16xi32>
    %add3A_191 = arith.addi %mul3A_172, %add3A_190 : vector<16xi32>
    %gather3A_192 = tpu.vector_load_idx %arg12[%add3A_191] : memref<768xf32, #tpu.memory_space<vmem>>[vector<16xi32>], vector<16xf32>,
    %sub3A_193 = arith.subf %gather3A_188, %gather3A_192 : vector<16xf32>
    %add3A_194 = arith.constant 0 : i32
    %add3A_195 = vector.broadcast %add3A_194 : i32 to vector<16xi32>
    %add3A_196 = arith.addi %add3A_195, %iota3A : vector<16xi32>
    %mul3A_197 = arith.constant 8 : i32
    %mul3A_198 = vector.broadcast %mul3A_197 : i32 to vector<16xi32>
    %mul3A_199 = arith.muli %add3A_196, %mul3A_198 : vector<16xi32>
    tpu.vector_store_idx %arg21[%mul3A_199], %sub3A_175 : memref<2048xf32, #tpu.memory_space<vmem>>[vector<16xi32>], vector<16xf32>,
    %add3A_200 = arith.constant 1 : i32
    %add3A_201 = vector.broadcast %add3A_200 : i32 to vector<16xi32>
    %add3A_202 = arith.addi %mul3A_199, %add3A_201 : vector<16xi32>
    tpu.vector_store_idx %arg21[%add3A_202], %sub3A_184 : memref<2048xf32, #tpu.memory_space<vmem>>[vector<16xi32>], vector<16xf32>,
    %add3A_203 = arith.constant 2 : i32
    %add3A_204 = vector.broadcast %add3A_203 : i32 to vector<16xi32>
    %add3A_205 = arith.addi %mul3A_199, %add3A_204 : vector<16xi32>
    tpu.vector_store_idx %arg21[%add3A_205], %sub3A_193 : memref<2048xf32, #tpu.memory_space<vmem>>[vector<16xi32>], vector<16xf32>,
    %add3A_206 = arith.constant 3 : i32
    %add3A_207 = vector.broadcast %add3A_206 : i32 to vector<16xi32>
    %add3A_208 = arith.addi %mul3A_199, %add3A_207 : vector<16xi32>
    tpu.vector_store_idx %arg21[%add3A_208], %select_n3A_163 : memref<2048xf32, #tpu.memory_space<vmem>>[vector<16xi32>], vector<16xf32>,
    %add3A_209 = arith.constant 4 : i32
    %add3A_210 = vector.broadcast %add3A_209 : i32 to vector<16xi32>
    %add3A_211 = arith.addi %mul3A_199, %add3A_210 : vector<16xi32>
    tpu.vector_store_idx %arg21[%add3A_211], %broadcast_in_dim3A_141 : memref<2048xf32, #tpu.memory_space<vmem>>[vector<16xi32>], vector<16xf32>,
    %add3A_212 = arith.constant 5 : i32
    %add3A_213 = vector.broadcast %add3A_212 : i32 to vector<16xi32>
    %add3A_214 = arith.addi %mul3A_199, %add3A_213 : vector<16xi32>
    tpu.vector_store_idx %arg21[%add3A_214], %broadcast_in_dim3A_141 : memref<2048xf32, #tpu.memory_space<vmem>>[vector<16xi32>], vector<16xf32>,
    %add3A_215 = arith.constant 6 : i32
    %add3A_216 = vector.broadcast %add3A_215 : i32 to vector<16xi32>
    %add3A_217 = arith.addi %mul3A_199, %add3A_216 : vector<16xi32>
    tpu.vector_store_idx %arg21[%add3A_217], %broadcast_in_dim3A_141 : memref<2048xf32, #tpu.memory_space<vmem>>[vector<16xi32>], vector<16xf32>,
    %add3A_218 = arith.constant 7 : i32
    %add3A_219 = vector.broadcast %add3A_218 : i32 to vector<16xi32>
    %add3A_220 = arith.addi %mul3A_199, %add3A_219 : vector<16xi32>
    tpu.vector_store_idx %arg21[%add3A_220], %broadcast_in_dim3A_141 : memref<2048xf32, #tpu.memory_space<vmem>>[vector<16xi32>], vector<16xf32>,
    %get3A_221 = arith.constant 16 : index
    %get3A_222 = tpu.vector_load %arg10[%get3A_221] {strides = array<i32>} : memref<256xi32, #tpu.memory_space<vmem>>, vector<16xi32>,
    %get3A_223 = arith.constant 16 : index
    %get3A_224 = tpu.vector_load %arg11[%get3A_223] {strides = array<i32>} : memref<256xf32, #tpu.memory_space<vmem>>, vector<16xf32>,
    %gather3A_225 = tpu.vector_load_idx %arg16[%get3A_222] : memref<4096xf32, #tpu.memory_space<vmem>>[vector<16xi32>], vector<16xf32>,
    %eq3A_226 = arith.cmpf oeq, %gather3A_225, %get3A_224 : vector<16xf32>
    %lt3A_227 = arith.constant 0.00999999977 : f32
    %lt3A_228 = vector.broadcast %lt3A_227 : f32 to vector<16xf32>
    %lt3A_229 = arith.cmpf olt, %get3A_224, %lt3A_228 : vector<16xf32>
    %get3A_230 = arith.constant 16 : index
    %get3A_231 = tpu.vector_load %arg13[%get3A_230] {strides = array<i32>} : memref<256xf32, #tpu.memory_space<vmem>>, vector<16xf32>,
    %gt3A_232 = arith.constant 5.000000e-01 : f32
    %gt3A_233 = vector.broadcast %gt3A_232 : f32 to vector<16xf32>
    %gt3A_234 = arith.cmpf ogt, %get3A_231, %gt3A_233 : vector<16xf32>
    %gather3A_235 = tpu.vector_load_idx %arg18[%get3A_222] : memref<4096xf32, #tpu.memory_space<vmem>>[vector<16xi32>], vector<16xf32>,
    %gt3A_236 = arith.constant 5.000000e-01 : f32
    %gt3A_237 = vector.broadcast %gt3A_236 : f32 to vector<16xf32>
    %gt3A_238 = arith.cmpf ogt, %gather3A_235, %gt3A_237 : vector<16xf32>
    %and3A_239 = arith.andi %eq3A_226, %lt3A_229 : vector<16xi1>
    %and3A_240 = arith.andi %and3A_239, %gt3A_234 : vector<16xi1>
    %and3A_241 = arith.andi %and3A_240, %gt3A_238 : vector<16xi1>
    %jit3A_242 = arith.constant 1.000000e+00 : f32
    %jit3A_243 = arith.constant 0.000000e+00 : f32
    %broadcast_in_dim3A_244 = vector.broadcast %jit3A_242 : f32 to vector<16xf32>
    %broadcast_in_dim3A_245 = vector.broadcast %jit3A_243 : f32 to vector<16xf32>
    %select_n3A_246 = arith.select %and3A_241, %broadcast_in_dim3A_244, %broadcast_in_dim3A_245 : vector<16xi1>, vector<16xf32>
    %mul3A_247 = arith.constant 3 : i32
    %mul3A_248 = vector.broadcast %mul3A_247 : i32 to vector<16xi32>
    %mul3A_249 = arith.muli %get3A_222, %mul3A_248 : vector<16xi32>
    %add3A_250 = arith.constant 16 : i32
    %add3A_251 = vector.broadcast %add3A_250 : i32 to vector<16xi32>
    %add3A_252 = arith.addi %add3A_251, %iota3A : vector<16xi32>
    %mul3A_253 = arith.constant 3 : i32
    %mul3A_254 = vector.broadcast %mul3A_253 : i32 to vector<16xi32>
    %mul3A_255 = arith.muli %add3A_252, %mul3A_254 : vector<16xi32>
    %gather3A_256 = tpu.vector_load_idx %arg17[%mul3A_249] : memref<12288xf32, #tpu.memory_space<vmem>>[vector<16xi32>], vector<16xf32>,
    %gather3A_257 = tpu.vector_load_idx %arg12[%mul3A_255] : memref<768xf32, #tpu.memory_space<vmem>>[vector<16xi32>], vector<16xf32>,
    %sub3A_258 = arith.subf %gather3A_256, %gather3A_257 : vector<16xf32>
    %add3A_259 = arith.constant 1 : i32
    %add3A_260 = vector.broadcast %add3A_259 : i32 to vector<16xi32>
    %add3A_261 = arith.addi %mul3A_249, %add3A_260 : vector<16xi32>
    %gather3A_262 = tpu.vector_load_idx %arg17[%add3A_261] : memref<12288xf32, #tpu.memory_space<vmem>>[vector<16xi32>], vector<16xf32>,
    %add3A_263 = arith.constant 1 : i32
    %add3A_264 = vector.broadcast %add3A_263 : i32 to vector<16xi32>
    %add3A_265 = arith.addi %mul3A_255, %add3A_264 : vector<16xi32>
    %gather3A_266 = tpu.vector_load_idx %arg12[%add3A_265] : memref<768xf32, #tpu.memory_space<vmem>>[vector<16xi32>], vector<16xf32>,
    %sub3A_267 = arith.subf %gather3A_262, %gather3A_266 : vector<16xf32>
    %add3A_268 = arith.constant 2 : i32
    %add3A_269 = vector.broadcast %add3A_268 : i32 to vector<16xi32>
    %add3A_270 = arith.addi %mul3A_249, %add3A_269 : vector<16xi32>
    %gather3A_271 = tpu.vector_load_idx %arg17[%add3A_270] : memref<12288xf32, #tpu.memory_space<vmem>>[vector<16xi32>], vector<16xf32>,
    %add3A_272 = arith.constant 2 : i32
    %add3A_273 = vector.broadcast %add3A_272 : i32 to vector<16xi32>
    %add3A_274 = arith.addi %mul3A_255, %add3A_273 : vector<16xi32>
    %gather3A_275 = tpu.vector_load_idx %arg12[%add3A_274] : memref<768xf32, #tpu.memory_space<vmem>>[vector<16xi32>], vector<16xf32>,
    %sub3A_276 = arith.subf %gather3A_271, %gather3A_275 : vector<16xf32>
    %add3A_277 = arith.constant 16 : i32
    %add3A_278 = vector.broadcast %add3A_277 : i32 to vector<16xi32>
    %add3A_279 = arith.addi %add3A_278, %iota3A : vector<16xi32>
    %mul3A_280 = arith.constant 8 : i32
    %mul3A_281 = vector.broadcast %mul3A_280 : i32 to vector<16xi32>
    %mul3A_282 = arith.muli %add3A_279, %mul3A_281 : vector<16xi32>
    tpu.vector_store_idx %arg21[%mul3A_282], %sub3A_258 : memref<2048xf32, #tpu.memory_space<vmem>>[vector<16xi32>], vector<16xf32>,
    %add3A_283 = arith.constant 1 : i32
    %add3A_284 = vector.broadcast %add3A_283 : i32 to vector<16xi32>
    %add3A_285 = arith.addi %mul3A_282, %add3A_284 : vector<16xi32>
    tpu.vector_store_idx %arg21[%add3A_285], %sub3A_267 : memref<2048xf32, #tpu.memory_space<vmem>>[vector<16xi32>], vector<16xf32>,
    %add3A_286 = arith.constant 2 : i32
    %add3A_287 = vector.broadcast %add3A_286 : i32 to vector<16xi32>
    %add3A_288 = arith.addi %mul3A_282, %add3A_287 : vector<16xi32>
    tpu.vector_store_idx %arg21[%add3A_288], %sub3A_276 : memref<2048xf32, #tpu.memory_space<vmem>>[vector<16xi32>], vector<16xf32>,
    %add3A_289 = arith.constant 3 : i32
    %add3A_290 = vector.broadcast %add3A_289 : i32 to vector<16xi32>
    %add3A_291 = arith.addi %mul3A_282, %add3A_290 : vector<16xi32>
    tpu.vector_store_idx %arg21[%add3A_291], %select_n3A_246 : memref<2048xf32, #tpu.memory_space<vmem>>[vector<16xi32>], vector<16xf32>,
    %add3A_292 = arith.constant 4 : i32
    %add3A_293 = vector.broadcast %add3A_292 : i32 to vector<16xi32>
    %add3A_294 = arith.addi %mul3A_282, %add3A_293 : vector<16xi32>
    tpu.vector_store_idx %arg21[%add3A_294], %broadcast_in_dim3A_141 : memref<2048xf32, #tpu.memory_space<vmem>>[vector<16xi32>], vector<16xf32>,
    %add3A_295 = arith.constant 5 : i32
    %add3A_296 = vector.broadcast %add3A_295 : i32 to vector<16xi32>
    %add3A_297 = arith.addi %mul3A_282, %add3A_296 : vector<16xi32>
    tpu.vector_store_idx %arg21[%add3A_297], %broadcast_in_dim3A_141 : memref<2048xf32, #tpu.memory_space<vmem>>[vector<16xi32>], vector<16xf32>,
    %add3A_298 = arith.constant 6 : i32
    %add3A_299 = vector.broadcast %add3A_298 : i32 to vector<16xi32>
    %add3A_300 = arith.addi %mul3A_282, %add3A_299 : vector<16xi32>
    tpu.vector_store_idx %arg21[%add3A_300], %broadcast_in_dim3A_141 : memref<2048xf32, #tpu.memory_space<vmem>>[vector<16xi32>], vector<16xf32>,
    %add3A_301 = arith.constant 7 : i32
    %add3A_302 = vector.broadcast %add3A_301 : i32 to vector<16xi32>
    %add3A_303 = arith.addi %mul3A_282, %add3A_302 : vector<16xi32>
    tpu.vector_store_idx %arg21[%add3A_303], %broadcast_in_dim3A_141 : memref<2048xf32, #tpu.memory_space<vmem>>[vector<16xi32>], vector<16xf32>,
    %get3A_304 = arith.constant 32 : index
    %get3A_305 = tpu.vector_load %arg10[%get3A_304] {strides = array<i32>} : memref<256xi32, #tpu.memory_space<vmem>>, vector<16xi32>,
    %get3A_306 = arith.constant 32 : index
    %get3A_307 = tpu.vector_load %arg11[%get3A_306] {strides = array<i32>} : memref<256xf32, #tpu.memory_space<vmem>>, vector<16xf32>,
    %gather3A_308 = tpu.vector_load_idx %arg16[%get3A_305] : memref<4096xf32, #tpu.memory_space<vmem>>[vector<16xi32>], vector<16xf32>,
    %eq3A_309 = arith.cmpf oeq, %gather3A_308, %get3A_307 : vector<16xf32>
    %lt3A_310 = arith.constant 0.00999999977 : f32
    %lt3A_311 = vector.broadcast %lt3A_310 : f32 to vector<16xf32>
    %lt3A_312 = arith.cmpf olt, %get3A_307, %lt3A_311 : vector<16xf32>
    %get3A_313 = arith.constant 32 : index
    %get3A_314 = tpu.vector_load %arg13[%get3A_313] {strides = array<i32>} : memref<256xf32, #tpu.memory_space<vmem>>, vector<16xf32>,
    %gt3A_315 = arith.constant 5.000000e-01 : f32
    %gt3A_316 = vector.broadcast %gt3A_315 : f32 to vector<16xf32>
    %gt3A_317 = arith.cmpf ogt, %get3A_314, %gt3A_316 : vector<16xf32>
    %gather3A_318 = tpu.vector_load_idx %arg18[%get3A_305] : memref<4096xf32, #tpu.memory_space<vmem>>[vector<16xi32>], vector<16xf32>,
    %gt3A_319 = arith.constant 5.000000e-01 : f32
    %gt3A_320 = vector.broadcast %gt3A_319 : f32 to vector<16xf32>
    %gt3A_321 = arith.cmpf ogt, %gather3A_318, %gt3A_320 : vector<16xf32>
    %and3A_322 = arith.andi %eq3A_309, %lt3A_312 : vector<16xi1>
    %and3A_323 = arith.andi %and3A_322, %gt3A_317 : vector<16xi1>
    %and3A_324 = arith.andi %and3A_323, %gt3A_321 : vector<16xi1>
    %jit3A_325 = arith.constant 1.000000e+00 : f32
    %jit3A_326 = arith.constant 0.000000e+00 : f32
    %broadcast_in_dim3A_327 = vector.broadcast %jit3A_325 : f32 to vector<16xf32>
    %broadcast_in_dim3A_328 = vector.broadcast %jit3A_326 : f32 to vector<16xf32>
    %select_n3A_329 = arith.select %and3A_324, %broadcast_in_dim3A_327, %broadcast_in_dim3A_328 : vector<16xi1>, vector<16xf32>
    %mul3A_330 = arith.constant 3 : i32
    %mul3A_331 = vector.broadcast %mul3A_330 : i32 to vector<16xi32>
    %mul3A_332 = arith.muli %get3A_305, %mul3A_331 : vector<16xi32>
    %add3A_333 = arith.constant 32 : i32
    %add3A_334 = vector.broadcast %add3A_333 : i32 to vector<16xi32>
    %add3A_335 = arith.addi %add3A_334, %iota3A : vector<16xi32>
    %mul3A_336 = arith.constant 3 : i32
    %mul3A_337 = vector.broadcast %mul3A_336 : i32 to vector<16xi32>
    %mul3A_338 = arith.muli %add3A_335, %mul3A_337 : vector<16xi32>
    %gather3A_339 = tpu.vector_load_idx %arg17[%mul3A_332] : memref<12288xf32, #tpu.memory_space<vmem>>[vector<16xi32>], vector<16xf32>,
    %gather3A_340 = tpu.vector_load_idx %arg12[%mul3A_338] : memref<768xf32, #tpu.memory_space<vmem>>[vector<16xi32>], vector<16xf32>,
    %sub3A_341 = arith.subf %gather3A_339, %gather3A_340 : vector<16xf32>
    %add3A_342 = arith.constant 1 : i32
    %add3A_343 = vector.broadcast %add3A_342 : i32 to vector<16xi32>
    %add3A_344 = arith.addi %mul3A_332, %add3A_343 : vector<16xi32>
    %gather3A_345 = tpu.vector_load_idx %arg17[%add3A_344] : memref<12288xf32, #tpu.memory_space<vmem>>[vector<16xi32>], vector<16xf32>,
    %add3A_346 = arith.constant 1 : i32
    %add3A_347 = vector.broadcast %add3A_346 : i32 to vector<16xi32>
    %add3A_348 = arith.addi %mul3A_338, %add3A_347 : vector<16xi32>
    %gather3A_349 = tpu.vector_load_idx %arg12[%add3A_348] : memref<768xf32, #tpu.memory_space<vmem>>[vector<16xi32>], vector<16xf32>,
    %sub3A_350 = arith.subf %gather3A_345, %gather3A_349 : vector<16xf32>
    %add3A_351 = arith.constant 2 : i32
    %add3A_352 = vector.broadcast %add3A_351 : i32 to vector<16xi32>
    %add3A_353 = arith.addi %mul3A_332, %add3A_352 : vector<16xi32>
    %gather3A_354 = tpu.vector_load_idx %arg17[%add3A_353] : memref<12288xf32, #tpu.memory_space<vmem>>[vector<16xi32>], vector<16xf32>,
    %add3A_355 = arith.constant 2 : i32
    %add3A_356 = vector.broadcast %add3A_355 : i32 to vector<16xi32>
    %add3A_357 = arith.addi %mul3A_338, %add3A_356 : vector<16xi32>
    %gather3A_358 = tpu.vector_load_idx %arg12[%add3A_357] : memref<768xf32, #tpu.memory_space<vmem>>[vector<16xi32>], vector<16xf32>,
    %sub3A_359 = arith.subf %gather3A_354, %gather3A_358 : vector<16xf32>
    %add3A_360 = arith.constant 32 : i32
    %add3A_361 = vector.broadcast %add3A_360 : i32 to vector<16xi32>
    %add3A_362 = arith.addi %add3A_361, %iota3A : vector<16xi32>
    %mul3A_363 = arith.constant 8 : i32
    %mul3A_364 = vector.broadcast %mul3A_363 : i32 to vector<16xi32>
    %mul3A_365 = arith.muli %add3A_362, %mul3A_364 : vector<16xi32>
    tpu.vector_store_idx %arg21[%mul3A_365], %sub3A_341 : memref<2048xf32, #tpu.memory_space<vmem>>[vector<16xi32>], vector<16xf32>,
    %add3A_366 = arith.constant 1 : i32
    %add3A_367 = vector.broadcast %add3A_366 : i32 to vector<16xi32>
    %add3A_368 = arith.addi %mul3A_365, %add3A_367 : vector<16xi32>
    tpu.vector_store_idx %arg21[%add3A_368], %sub3A_350 : memref<2048xf32, #tpu.memory_space<vmem>>[vector<16xi32>], vector<16xf32>,
    %add3A_369 = arith.constant 2 : i32
    %add3A_370 = vector.broadcast %add3A_369 : i32 to vector<16xi32>
    %add3A_371 = arith.addi %mul3A_365, %add3A_370 : vector<16xi32>
    tpu.vector_store_idx %arg21[%add3A_371], %sub3A_359 : memref<2048xf32, #tpu.memory_space<vmem>>[vector<16xi32>], vector<16xf32>,
    %add3A_372 = arith.constant 3 : i32
    %add3A_373 = vector.broadcast %add3A_372 : i32 to vector<16xi32>
    %add3A_374 = arith.addi %mul3A_365, %add3A_373 : vector<16xi32>
    tpu.vector_store_idx %arg21[%add3A_374], %select_n3A_329 : memref<2048xf32, #tpu.memory_space<vmem>>[vector<16xi32>], vector<16xf32>,
    %add3A_375 = arith.constant 4 : i32
    %add3A_376 = vector.broadcast %add3A_375 : i32 to vector<16xi32>
    %add3A_377 = arith.addi %mul3A_365, %add3A_376 : vector<16xi32>
    tpu.vector_store_idx %arg21[%add3A_377], %broadcast_in_dim3A_141 : memref<2048xf32, #tpu.memory_space<vmem>>[vector<16xi32>], vector<16xf32>,
    %add3A_378 = arith.constant 5 : i32
    %add3A_379 = vector.broadcast %add3A_378 : i32 to vector<16xi32>
    %add3A_380 = arith.addi %mul3A_365, %add3A_379 : vector<16xi32>
    tpu.vector_store_idx %arg21[%add3A_380], %broadcast_in_dim3A_141 : memref<2048xf32, #tpu.memory_space<vmem>>[vector<16xi32>], vector<16xf32>,
    %add3A_381 = arith.constant 6 : i32
    %add3A_382 = vector.broadcast %add3A_381 : i32 to vector<16xi32>
    %add3A_383 = arith.addi %mul3A_365, %add3A_382 : vector<16xi32>
    tpu.vector_store_idx %arg21[%add3A_383], %broadcast_in_dim3A_141 : memref<2048xf32, #tpu.memory_space<vmem>>[vector<16xi32>], vector<16xf32>,
    %add3A_384 = arith.constant 7 : i32
    %add3A_385 = vector.broadcast %add3A_384 : i32 to vector<16xi32>
    %add3A_386 = arith.addi %mul3A_365, %add3A_385 : vector<16xi32>
    tpu.vector_store_idx %arg21[%add3A_386], %broadcast_in_dim3A_141 : memref<2048xf32, #tpu.memory_space<vmem>>[vector<16xi32>], vector<16xf32>,
    %get3A_387 = arith.constant 48 : index
    %get3A_388 = tpu.vector_load %arg10[%get3A_387] {strides = array<i32>} : memref<256xi32, #tpu.memory_space<vmem>>, vector<16xi32>,
    %get3A_389 = arith.constant 48 : index
    %get3A_390 = tpu.vector_load %arg11[%get3A_389] {strides = array<i32>} : memref<256xf32, #tpu.memory_space<vmem>>, vector<16xf32>,
    %gather3A_391 = tpu.vector_load_idx %arg16[%get3A_388] : memref<4096xf32, #tpu.memory_space<vmem>>[vector<16xi32>], vector<16xf32>,
    %eq3A_392 = arith.cmpf oeq, %gather3A_391, %get3A_390 : vector<16xf32>
    %lt3A_393 = arith.constant 0.00999999977 : f32
    %lt3A_394 = vector.broadcast %lt3A_393 : f32 to vector<16xf32>
    %lt3A_395 = arith.cmpf olt, %get3A_390, %lt3A_394 : vector<16xf32>
    %get3A_396 = arith.constant 48 : index
    %get3A_397 = tpu.vector_load %arg13[%get3A_396] {strides = array<i32>} : memref<256xf32, #tpu.memory_space<vmem>>, vector<16xf32>,
    %gt3A_398 = arith.constant 5.000000e-01 : f32
    %gt3A_399 = vector.broadcast %gt3A_398 : f32 to vector<16xf32>
    %gt3A_400 = arith.cmpf ogt, %get3A_397, %gt3A_399 : vector<16xf32>
    %gather3A_401 = tpu.vector_load_idx %arg18[%get3A_388] : memref<4096xf32, #tpu.memory_space<vmem>>[vector<16xi32>], vector<16xf32>,
    %gt3A_402 = arith.constant 5.000000e-01 : f32
    %gt3A_403 = vector.broadcast %gt3A_402 : f32 to vector<16xf32>
    %gt3A_404 = arith.cmpf ogt, %gather3A_401, %gt3A_403 : vector<16xf32>
    %and3A_405 = arith.andi %eq3A_392, %lt3A_395 : vector<16xi1>
    %and3A_406 = arith.andi %and3A_405, %gt3A_400 : vector<16xi1>
    %and3A_407 = arith.andi %and3A_406, %gt3A_404 : vector<16xi1>
    %jit3A_408 = arith.constant 1.000000e+00 : f32
    %jit3A_409 = arith.constant 0.000000e+00 : f32
    %broadcast_in_dim3A_410 = vector.broadcast %jit3A_408 : f32 to vector<16xf32>
    %broadcast_in_dim3A_411 = vector.broadcast %jit3A_409 : f32 to vector<16xf32>
    %select_n3A_412 = arith.select %and3A_407, %broadcast_in_dim3A_410, %broadcast_in_dim3A_411 : vector<16xi1>, vector<16xf32>
    %mul3A_413 = arith.constant 3 : i32
    %mul3A_414 = vector.broadcast %mul3A_413 : i32 to vector<16xi32>
    %mul3A_415 = arith.muli %get3A_388, %mul3A_414 : vector<16xi32>
    %add3A_416 = arith.constant 48 : i32
    %add3A_417 = vector.broadcast %add3A_416 : i32 to vector<16xi32>
    %add3A_418 = arith.addi %add3A_417, %iota3A : vector<16xi32>
    %mul3A_419 = arith.constant 3 : i32
    %mul3A_420 = vector.broadcast %mul3A_419 : i32 to vector<16xi32>
    %mul3A_421 = arith.muli %add3A_418, %mul3A_420 : vector<16xi32>
    %gather3A_422 = tpu.vector_load_idx %arg17[%mul3A_415] : memref<12288xf32, #tpu.memory_space<vmem>>[vector<16xi32>], vector<16xf32>,
    %gather3A_423 = tpu.vector_load_idx %arg12[%mul3A_421] : memref<768xf32, #tpu.memory_space<vmem>>[vector<16xi32>], vector<16xf32>,
    %sub3A_424 = arith.subf %gather3A_422, %gather3A_423 : vector<16xf32>
    %add3A_425 = arith.constant 1 : i32
    %add3A_426 = vector.broadcast %add3A_425 : i32 to vector<16xi32>
    %add3A_427 = arith.addi %mul3A_415, %add3A_426 : vector<16xi32>
    %gather3A_428 = tpu.vector_load_idx %arg17[%add3A_427] : memref<12288xf32, #tpu.memory_space<vmem>>[vector<16xi32>], vector<16xf32>,
    %add3A_429 = arith.constant 1 : i32
    %add3A_430 = vector.broadcast %add3A_429 : i32 to vector<16xi32>
    %add3A_431 = arith.addi %mul3A_421, %add3A_430 : vector<16xi32>
    %gather3A_432 = tpu.vector_load_idx %arg12[%add3A_431] : memref<768xf32, #tpu.memory_space<vmem>>[vector<16xi32>], vector<16xf32>,
    %sub3A_433 = arith.subf %gather3A_428, %gather3A_432 : vector<16xf32>
    %add3A_434 = arith.constant 2 : i32
    %add3A_435 = vector.broadcast %add3A_434 : i32 to vector<16xi32>
    %add3A_436 = arith.addi %mul3A_415, %add3A_435 : vector<16xi32>
    %gather3A_437 = tpu.vector_load_idx %arg17[%add3A_436] : memref<12288xf32, #tpu.memory_space<vmem>>[vector<16xi32>], vector<16xf32>,
    %add3A_438 = arith.constant 2 : i32
    %add3A_439 = vector.broadcast %add3A_438 : i32 to vector<16xi32>
    %add3A_440 = arith.addi %mul3A_421, %add3A_439 : vector<16xi32>
    %gather3A_441 = tpu.vector_load_idx %arg12[%add3A_440] : memref<768xf32, #tpu.memory_space<vmem>>[vector<16xi32>], vector<16xf32>,
    %sub3A_442 = arith.subf %gather3A_437, %gather3A_441 : vector<16xf32>
    %add3A_443 = arith.constant 48 : i32
    %add3A_444 = vector.broadcast %add3A_443 : i32 to vector<16xi32>
    %add3A_445 = arith.addi %add3A_444, %iota3A : vector<16xi32>
    %mul3A_446 = arith.constant 8 : i32
    %mul3A_447 = vector.broadcast %mul3A_446 : i32 to vector<16xi32>
    %mul3A_448 = arith.muli %add3A_445, %mul3A_447 : vector<16xi32>
    tpu.vector_store_idx %arg21[%mul3A_448], %sub3A_424 : memref<2048xf32, #tpu.memory_space<vmem>>[vector<16xi32>], vector<16xf32>,
    %add3A_449 = arith.constant 1 : i32
    %add3A_450 = vector.broadcast %add3A_449 : i32 to vector<16xi32>
    %add3A_451 = arith.addi %mul3A_448, %add3A_450 : vector<16xi32>
    tpu.vector_store_idx %arg21[%add3A_451], %sub3A_433 : memref<2048xf32, #tpu.memory_space<vmem>>[vector<16xi32>], vector<16xf32>,
    %add3A_452 = arith.constant 2 : i32
    %add3A_453 = vector.broadcast %add3A_452 : i32 to vector<16xi32>
    %add3A_454 = arith.addi %mul3A_448, %add3A_453 : vector<16xi32>
    tpu.vector_store_idx %arg21[%add3A_454], %sub3A_442 : memref<2048xf32, #tpu.memory_space<vmem>>[vector<16xi32>], vector<16xf32>,
    %add3A_455 = arith.constant 3 : i32
    %add3A_456 = vector.broadcast %add3A_455 : i32 to vector<16xi32>
    %add3A_457 = arith.addi %mul3A_448, %add3A_456 : vector<16xi32>
    tpu.vector_store_idx %arg21[%add3A_457], %select_n3A_412 : memref<2048xf32, #tpu.memory_space<vmem>>[vector<16xi32>], vector<16xf32>,
    %add3A_458 = arith.constant 4 : i32
    %add3A_459 = vector.broadcast %add3A_458 : i32 to vector<16xi32>
    %add3A_460 = arith.addi %mul3A_448, %add3A_459 : vector<16xi32>
    tpu.vector_store_idx %arg21[%add3A_460], %broadcast_in_dim3A_141 : memref<2048xf32, #tpu.memory_space<vmem>>[vector<16xi32>], vector<16xf32>,
    %add3A_461 = arith.constant 5 : i32
    %add3A_462 = vector.broadcast %add3A_461 : i32 to vector<16xi32>
    %add3A_463 = arith.addi %mul3A_448, %add3A_462 : vector<16xi32>
    tpu.vector_store_idx %arg21[%add3A_463], %broadcast_in_dim3A_141 : memref<2048xf32, #tpu.memory_space<vmem>>[vector<16xi32>], vector<16xf32>,
    %add3A_464 = arith.constant 6 : i32
    %add3A_465 = vector.broadcast %add3A_464 : i32 to vector<16xi32>
    %add3A_466 = arith.addi %mul3A_448, %add3A_465 : vector<16xi32>
    tpu.vector_store_idx %arg21[%add3A_466], %broadcast_in_dim3A_141 : memref<2048xf32, #tpu.memory_space<vmem>>[vector<16xi32>], vector<16xf32>,
    %add3A_467 = arith.constant 7 : i32
    %add3A_468 = vector.broadcast %add3A_467 : i32 to vector<16xi32>
    %add3A_469 = arith.addi %mul3A_448, %add3A_468 : vector<16xi32>
    tpu.vector_store_idx %arg21[%add3A_469], %broadcast_in_dim3A_141 : memref<2048xf32, #tpu.memory_space<vmem>>[vector<16xi32>], vector<16xf32>,
    %get3A_470 = arith.constant 64 : index
    %get3A_471 = tpu.vector_load %arg10[%get3A_470] {strides = array<i32>} : memref<256xi32, #tpu.memory_space<vmem>>, vector<16xi32>,
    %get3A_472 = arith.constant 64 : index
    %get3A_473 = tpu.vector_load %arg11[%get3A_472] {strides = array<i32>} : memref<256xf32, #tpu.memory_space<vmem>>, vector<16xf32>,
    %gather3A_474 = tpu.vector_load_idx %arg16[%get3A_471] : memref<4096xf32, #tpu.memory_space<vmem>>[vector<16xi32>], vector<16xf32>,
    %eq3A_475 = arith.cmpf oeq, %gather3A_474, %get3A_473 : vector<16xf32>
    %lt3A_476 = arith.constant 0.00999999977 : f32
    %lt3A_477 = vector.broadcast %lt3A_476 : f32 to vector<16xf32>
    %lt3A_478 = arith.cmpf olt, %get3A_473, %lt3A_477 : vector<16xf32>
    %get3A_479 = arith.constant 64 : index
    %get3A_480 = tpu.vector_load %arg13[%get3A_479] {strides = array<i32>} : memref<256xf32, #tpu.memory_space<vmem>>, vector<16xf32>,
    %gt3A_481 = arith.constant 5.000000e-01 : f32
    %gt3A_482 = vector.broadcast %gt3A_481 : f32 to vector<16xf32>
    %gt3A_483 = arith.cmpf ogt, %get3A_480, %gt3A_482 : vector<16xf32>
    %gather3A_484 = tpu.vector_load_idx %arg18[%get3A_471] : memref<4096xf32, #tpu.memory_space<vmem>>[vector<16xi32>], vector<16xf32>,
    %gt3A_485 = arith.constant 5.000000e-01 : f32
    %gt3A_486 = vector.broadcast %gt3A_485 : f32 to vector<16xf32>
    %gt3A_487 = arith.cmpf ogt, %gather3A_484, %gt3A_486 : vector<16xf32>
    %and3A_488 = arith.andi %eq3A_475, %lt3A_478 : vector<16xi1>
    %and3A_489 = arith.andi %and3A_488, %gt3A_483 : vector<16xi1>
    %and3A_490 = arith.andi %and3A_489, %gt3A_487 : vector<16xi1>
    %jit3A_491 = arith.constant 1.000000e+00 : f32
    %jit3A_492 = arith.constant 0.000000e+00 : f32
    %broadcast_in_dim3A_493 = vector.broadcast %jit3A_491 : f32 to vector<16xf32>
    %broadcast_in_dim3A_494 = vector.broadcast %jit3A_492 : f32 to vector<16xf32>
    %select_n3A_495 = arith.select %and3A_490, %broadcast_in_dim3A_493, %broadcast_in_dim3A_494 : vector<16xi1>, vector<16xf32>
    %mul3A_496 = arith.constant 3 : i32
    %mul3A_497 = vector.broadcast %mul3A_496 : i32 to vector<16xi32>
    %mul3A_498 = arith.muli %get3A_471, %mul3A_497 : vector<16xi32>
    %add3A_499 = arith.constant 64 : i32
    %add3A_500 = vector.broadcast %add3A_499 : i32 to vector<16xi32>
    %add3A_501 = arith.addi %add3A_500, %iota3A : vector<16xi32>
    %mul3A_502 = arith.constant 3 : i32
    %mul3A_503 = vector.broadcast %mul3A_502 : i32 to vector<16xi32>
    %mul3A_504 = arith.muli %add3A_501, %mul3A_503 : vector<16xi32>
    %gather3A_505 = tpu.vector_load_idx %arg17[%mul3A_498] : memref<12288xf32, #tpu.memory_space<vmem>>[vector<16xi32>], vector<16xf32>,
    %gather3A_506 = tpu.vector_load_idx %arg12[%mul3A_504] : memref<768xf32, #tpu.memory_space<vmem>>[vector<16xi32>], vector<16xf32>,
    %sub3A_507 = arith.subf %gather3A_505, %gather3A_506 : vector<16xf32>
    %add3A_508 = arith.constant 1 : i32
    %add3A_509 = vector.broadcast %add3A_508 : i32 to vector<16xi32>
    %add3A_510 = arith.addi %mul3A_498, %add3A_509 : vector<16xi32>
    %gather3A_511 = tpu.vector_load_idx %arg17[%add3A_510] : memref<12288xf32, #tpu.memory_space<vmem>>[vector<16xi32>], vector<16xf32>,
    %add3A_512 = arith.constant 1 : i32
    %add3A_513 = vector.broadcast %add3A_512 : i32 to vector<16xi32>
    %add3A_514 = arith.addi %mul3A_504, %add3A_513 : vector<16xi32>
    %gather3A_515 = tpu.vector_load_idx %arg12[%add3A_514] : memref<768xf32, #tpu.memory_space<vmem>>[vector<16xi32>], vector<16xf32>,
    %sub3A_516 = arith.subf %gather3A_511, %gather3A_515 : vector<16xf32>
    %add3A_517 = arith.constant 2 : i32
    %add3A_518 = vector.broadcast %add3A_517 : i32 to vector<16xi32>
    %add3A_519 = arith.addi %mul3A_498, %add3A_518 : vector<16xi32>
    %gather3A_520 = tpu.vector_load_idx %arg17[%add3A_519] : memref<12288xf32, #tpu.memory_space<vmem>>[vector<16xi32>], vector<16xf32>,
    %add3A_521 = arith.constant 2 : i32
    %add3A_522 = vector.broadcast %add3A_521 : i32 to vector<16xi32>
    %add3A_523 = arith.addi %mul3A_504, %add3A_522 : vector<16xi32>
    %gather3A_524 = tpu.vector_load_idx %arg12[%add3A_523] : memref<768xf32, #tpu.memory_space<vmem>>[vector<16xi32>], vector<16xf32>,
    %sub3A_525 = arith.subf %gather3A_520, %gather3A_524 : vector<16xf32>
    %add3A_526 = arith.constant 64 : i32
    %add3A_527 = vector.broadcast %add3A_526 : i32 to vector<16xi32>
    %add3A_528 = arith.addi %add3A_527, %iota3A : vector<16xi32>
    %mul3A_529 = arith.constant 8 : i32
    %mul3A_530 = vector.broadcast %mul3A_529 : i32 to vector<16xi32>
    %mul3A_531 = arith.muli %add3A_528, %mul3A_530 : vector<16xi32>
    tpu.vector_store_idx %arg21[%mul3A_531], %sub3A_507 : memref<2048xf32, #tpu.memory_space<vmem>>[vector<16xi32>], vector<16xf32>,
    %add3A_532 = arith.constant 1 : i32
    %add3A_533 = vector.broadcast %add3A_532 : i32 to vector<16xi32>
    %add3A_534 = arith.addi %mul3A_531, %add3A_533 : vector<16xi32>
    tpu.vector_store_idx %arg21[%add3A_534], %sub3A_516 : memref<2048xf32, #tpu.memory_space<vmem>>[vector<16xi32>], vector<16xf32>,
    %add3A_535 = arith.constant 2 : i32
    %add3A_536 = vector.broadcast %add3A_535 : i32 to vector<16xi32>
    %add3A_537 = arith.addi %mul3A_531, %add3A_536 : vector<16xi32>
    tpu.vector_store_idx %arg21[%add3A_537], %sub3A_525 : memref<2048xf32, #tpu.memory_space<vmem>>[vector<16xi32>], vector<16xf32>,
    %add3A_538 = arith.constant 3 : i32
    %add3A_539 = vector.broadcast %add3A_538 : i32 to vector<16xi32>
    %add3A_540 = arith.addi %mul3A_531, %add3A_539 : vector<16xi32>
    tpu.vector_store_idx %arg21[%add3A_540], %select_n3A_495 : memref<2048xf32, #tpu.memory_space<vmem>>[vector<16xi32>], vector<16xf32>,
    %add3A_541 = arith.constant 4 : i32
    %add3A_542 = vector.broadcast %add3A_541 : i32 to vector<16xi32>
    %add3A_543 = arith.addi %mul3A_531, %add3A_542 : vector<16xi32>
    tpu.vector_store_idx %arg21[%add3A_543], %broadcast_in_dim3A_141 : memref<2048xf32, #tpu.memory_space<vmem>>[vector<16xi32>], vector<16xf32>,
    %add3A_544 = arith.constant 5 : i32
    %add3A_545 = vector.broadcast %add3A_544 : i32 to vector<16xi32>
    %add3A_546 = arith.addi %mul3A_531, %add3A_545 : vector<16xi32>
    tpu.vector_store_idx %arg21[%add3A_546], %broadcast_in_dim3A_141 : memref<2048xf32, #tpu.memory_space<vmem>>[vector<16xi32>], vector<16xf32>,
    %add3A_547 = arith.constant 6 : i32
    %add3A_548 = vector.broadcast %add3A_547 : i32 to vector<16xi32>
    %add3A_549 = arith.addi %mul3A_531, %add3A_548 : vector<16xi32>
    tpu.vector_store_idx %arg21[%add3A_549], %broadcast_in_dim3A_141 : memref<2048xf32, #tpu.memory_space<vmem>>[vector<16xi32>], vector<16xf32>,
    %add3A_550 = arith.constant 7 : i32
    %add3A_551 = vector.broadcast %add3A_550 : i32 to vector<16xi32>
    %add3A_552 = arith.addi %mul3A_531, %add3A_551 : vector<16xi32>
    tpu.vector_store_idx %arg21[%add3A_552], %broadcast_in_dim3A_141 : memref<2048xf32, #tpu.memory_space<vmem>>[vector<16xi32>], vector<16xf32>,
    %get3A_553 = arith.constant 80 : index
    %get3A_554 = tpu.vector_load %arg10[%get3A_553] {strides = array<i32>} : memref<256xi32, #tpu.memory_space<vmem>>, vector<16xi32>,
    %get3A_555 = arith.constant 80 : index
    %get3A_556 = tpu.vector_load %arg11[%get3A_555] {strides = array<i32>} : memref<256xf32, #tpu.memory_space<vmem>>, vector<16xf32>,
    %gather3A_557 = tpu.vector_load_idx %arg16[%get3A_554] : memref<4096xf32, #tpu.memory_space<vmem>>[vector<16xi32>], vector<16xf32>,
    %eq3A_558 = arith.cmpf oeq, %gather3A_557, %get3A_556 : vector<16xf32>
    %lt3A_559 = arith.constant 0.00999999977 : f32
    %lt3A_560 = vector.broadcast %lt3A_559 : f32 to vector<16xf32>
    %lt3A_561 = arith.cmpf olt, %get3A_556, %lt3A_560 : vector<16xf32>
    %get3A_562 = arith.constant 80 : index
    %get3A_563 = tpu.vector_load %arg13[%get3A_562] {strides = array<i32>} : memref<256xf32, #tpu.memory_space<vmem>>, vector<16xf32>,
    %gt3A_564 = arith.constant 5.000000e-01 : f32
    %gt3A_565 = vector.broadcast %gt3A_564 : f32 to vector<16xf32>
    %gt3A_566 = arith.cmpf ogt, %get3A_563, %gt3A_565 : vector<16xf32>
    %gather3A_567 = tpu.vector_load_idx %arg18[%get3A_554] : memref<4096xf32, #tpu.memory_space<vmem>>[vector<16xi32>], vector<16xf32>,
    %gt3A_568 = arith.constant 5.000000e-01 : f32
    %gt3A_569 = vector.broadcast %gt3A_568 : f32 to vector<16xf32>
    %gt3A_570 = arith.cmpf ogt, %gather3A_567, %gt3A_569 : vector<16xf32>
    %and3A_571 = arith.andi %eq3A_558, %lt3A_561 : vector<16xi1>
    %and3A_572 = arith.andi %and3A_571, %gt3A_566 : vector<16xi1>
    %and3A_573 = arith.andi %and3A_572, %gt3A_570 : vector<16xi1>
    %jit3A_574 = arith.constant 1.000000e+00 : f32
    %jit3A_575 = arith.constant 0.000000e+00 : f32
    %broadcast_in_dim3A_576 = vector.broadcast %jit3A_574 : f32 to vector<16xf32>
    %broadcast_in_dim3A_577 = vector.broadcast %jit3A_575 : f32 to vector<16xf32>
    %select_n3A_578 = arith.select %and3A_573, %broadcast_in_dim3A_576, %broadcast_in_dim3A_577 : vector<16xi1>, vector<16xf32>
    %mul3A_579 = arith.constant 3 : i32
    %mul3A_580 = vector.broadcast %mul3A_579 : i32 to vector<16xi32>
    %mul3A_581 = arith.muli %get3A_554, %mul3A_580 : vector<16xi32>
    %add3A_582 = arith.constant 80 : i32
    %add3A_583 = vector.broadcast %add3A_582 : i32 to vector<16xi32>
    %add3A_584 = arith.addi %add3A_583, %iota3A : vector<16xi32>
    %mul3A_585 = arith.constant 3 : i32
    %mul3A_586 = vector.broadcast %mul3A_585 : i32 to vector<16xi32>
    %mul3A_587 = arith.muli %add3A_584, %mul3A_586 : vector<16xi32>
    %gather3A_588 = tpu.vector_load_idx %arg17[%mul3A_581] : memref<12288xf32, #tpu.memory_space<vmem>>[vector<16xi32>], vector<16xf32>,
    %gather3A_589 = tpu.vector_load_idx %arg12[%mul3A_587] : memref<768xf32, #tpu.memory_space<vmem>>[vector<16xi32>], vector<16xf32>,
    %sub3A_590 = arith.subf %gather3A_588, %gather3A_589 : vector<16xf32>
    %add3A_591 = arith.constant 1 : i32
    %add3A_592 = vector.broadcast %add3A_591 : i32 to vector<16xi32>
    %add3A_593 = arith.addi %mul3A_581, %add3A_592 : vector<16xi32>
    %gather3A_594 = tpu.vector_load_idx %arg17[%add3A_593] : memref<12288xf32, #tpu.memory_space<vmem>>[vector<16xi32>], vector<16xf32>,
    %add3A_595 = arith.constant 1 : i32
    %add3A_596 = vector.broadcast %add3A_595 : i32 to vector<16xi32>
    %add3A_597 = arith.addi %mul3A_587, %add3A_596 : vector<16xi32>
    %gather3A_598 = tpu.vector_load_idx %arg12[%add3A_597] : memref<768xf32, #tpu.memory_space<vmem>>[vector<16xi32>], vector<16xf32>,
    %sub3A_599 = arith.subf %gather3A_594, %gather3A_598 : vector<16xf32>
    %add3A_600 = arith.constant 2 : i32
    %add3A_601 = vector.broadcast %add3A_600 : i32 to vector<16xi32>
    %add3A_602 = arith.addi %mul3A_581, %add3A_601 : vector<16xi32>
    %gather3A_603 = tpu.vector_load_idx %arg17[%add3A_602] : memref<12288xf32, #tpu.memory_space<vmem>>[vector<16xi32>], vector<16xf32>,
    %add3A_604 = arith.constant 2 : i32
    %add3A_605 = vector.broadcast %add3A_604 : i32 to vector<16xi32>
    %add3A_606 = arith.addi %mul3A_587, %add3A_605 : vector<16xi32>
    %gather3A_607 = tpu.vector_load_idx %arg12[%add3A_606] : memref<768xf32, #tpu.memory_space<vmem>>[vector<16xi32>], vector<16xf32>,
    %sub3A_608 = arith.subf %gather3A_603, %gather3A_607 : vector<16xf32>
    %add3A_609 = arith.constant 80 : i32
    %add3A_610 = vector.broadcast %add3A_609 : i32 to vector<16xi32>
    %add3A_611 = arith.addi %add3A_610, %iota3A : vector<16xi32>
    %mul3A_612 = arith.constant 8 : i32
    %mul3A_613 = vector.broadcast %mul3A_612 : i32 to vector<16xi32>
    %mul3A_614 = arith.muli %add3A_611, %mul3A_613 : vector<16xi32>
    tpu.vector_store_idx %arg21[%mul3A_614], %sub3A_590 : memref<2048xf32, #tpu.memory_space<vmem>>[vector<16xi32>], vector<16xf32>,
    %add3A_615 = arith.constant 1 : i32
    %add3A_616 = vector.broadcast %add3A_615 : i32 to vector<16xi32>
    %add3A_617 = arith.addi %mul3A_614, %add3A_616 : vector<16xi32>
    tpu.vector_store_idx %arg21[%add3A_617], %sub3A_599 : memref<2048xf32, #tpu.memory_space<vmem>>[vector<16xi32>], vector<16xf32>,
    %add3A_618 = arith.constant 2 : i32
    %add3A_619 = vector.broadcast %add3A_618 : i32 to vector<16xi32>
    %add3A_620 = arith.addi %mul3A_614, %add3A_619 : vector<16xi32>
    tpu.vector_store_idx %arg21[%add3A_620], %sub3A_608 : memref<2048xf32, #tpu.memory_space<vmem>>[vector<16xi32>], vector<16xf32>,
    %add3A_621 = arith.constant 3 : i32
    %add3A_622 = vector.broadcast %add3A_621 : i32 to vector<16xi32>
    %add3A_623 = arith.addi %mul3A_614, %add3A_622 : vector<16xi32>
    tpu.vector_store_idx %arg21[%add3A_623], %select_n3A_578 : memref<2048xf32, #tpu.memory_space<vmem>>[vector<16xi32>], vector<16xf32>,
    %add3A_624 = arith.constant 4 : i32
    %add3A_625 = vector.broadcast %add3A_624 : i32 to vector<16xi32>
    %add3A_626 = arith.addi %mul3A_614, %add3A_625 : vector<16xi32>
    tpu.vector_store_idx %arg21[%add3A_626], %broadcast_in_dim3A_141 : memref<2048xf32, #tpu.memory_space<vmem>>[vector<16xi32>], vector<16xf32>,
    %add3A_627 = arith.constant 5 : i32
    %add3A_628 = vector.broadcast %add3A_627 : i32 to vector<16xi32>
    %add3A_629 = arith.addi %mul3A_614, %add3A_628 : vector<16xi32>
    tpu.vector_store_idx %arg21[%add3A_629], %broadcast_in_dim3A_141 : memref<2048xf32, #tpu.memory_space<vmem>>[vector<16xi32>], vector<16xf32>,
    %add3A_630 = arith.constant 6 : i32
    %add3A_631 = vector.broadcast %add3A_630 : i32 to vector<16xi32>
    %add3A_632 = arith.addi %mul3A_614, %add3A_631 : vector<16xi32>
    tpu.vector_store_idx %arg21[%add3A_632], %broadcast_in_dim3A_141 : memref<2048xf32, #tpu.memory_space<vmem>>[vector<16xi32>], vector<16xf32>,
    %add3A_633 = arith.constant 7 : i32
    %add3A_634 = vector.broadcast %add3A_633 : i32 to vector<16xi32>
    %add3A_635 = arith.addi %mul3A_614, %add3A_634 : vector<16xi32>
    tpu.vector_store_idx %arg21[%add3A_635], %broadcast_in_dim3A_141 : memref<2048xf32, #tpu.memory_space<vmem>>[vector<16xi32>], vector<16xf32>,
    %get3A_636 = arith.constant 96 : index
    %get3A_637 = tpu.vector_load %arg10[%get3A_636] {strides = array<i32>} : memref<256xi32, #tpu.memory_space<vmem>>, vector<16xi32>,
    %get3A_638 = arith.constant 96 : index
    %get3A_639 = tpu.vector_load %arg11[%get3A_638] {strides = array<i32>} : memref<256xf32, #tpu.memory_space<vmem>>, vector<16xf32>,
    %gather3A_640 = tpu.vector_load_idx %arg16[%get3A_637] : memref<4096xf32, #tpu.memory_space<vmem>>[vector<16xi32>], vector<16xf32>,
    %eq3A_641 = arith.cmpf oeq, %gather3A_640, %get3A_639 : vector<16xf32>
    %lt3A_642 = arith.constant 0.00999999977 : f32
    %lt3A_643 = vector.broadcast %lt3A_642 : f32 to vector<16xf32>
    %lt3A_644 = arith.cmpf olt, %get3A_639, %lt3A_643 : vector<16xf32>
    %get3A_645 = arith.constant 96 : index
    %get3A_646 = tpu.vector_load %arg13[%get3A_645] {strides = array<i32>} : memref<256xf32, #tpu.memory_space<vmem>>, vector<16xf32>,
    %gt3A_647 = arith.constant 5.000000e-01 : f32
    %gt3A_648 = vector.broadcast %gt3A_647 : f32 to vector<16xf32>
    %gt3A_649 = arith.cmpf ogt, %get3A_646, %gt3A_648 : vector<16xf32>
    %gather3A_650 = tpu.vector_load_idx %arg18[%get3A_637] : memref<4096xf32, #tpu.memory_space<vmem>>[vector<16xi32>], vector<16xf32>,
    %gt3A_651 = arith.constant 5.000000e-01 : f32
    %gt3A_652 = vector.broadcast %gt3A_651 : f32 to vector<16xf32>
    %gt3A_653 = arith.cmpf ogt, %gather3A_650, %gt3A_652 : vector<16xf32>
    %and3A_654 = arith.andi %eq3A_641, %lt3A_644 : vector<16xi1>
    %and3A_655 = arith.andi %and3A_654, %gt3A_649 : vector<16xi1>
    %and3A_656 = arith.andi %and3A_655, %gt3A_653 : vector<16xi1>
    %jit3A_657 = arith.constant 1.000000e+00 : f32
    %jit3A_658 = arith.constant 0.000000e+00 : f32
    %broadcast_in_dim3A_659 = vector.broadcast %jit3A_657 : f32 to vector<16xf32>
    %broadcast_in_dim3A_660 = vector.broadcast %jit3A_658 : f32 to vector<16xf32>
    %select_n3A_661 = arith.select %and3A_656, %broadcast_in_dim3A_659, %broadcast_in_dim3A_660 : vector<16xi1>, vector<16xf32>
    %mul3A_662 = arith.constant 3 : i32
    %mul3A_663 = vector.broadcast %mul3A_662 : i32 to vector<16xi32>
    %mul3A_664 = arith.muli %get3A_637, %mul3A_663 : vector<16xi32>
    %add3A_665 = arith.constant 96 : i32
    %add3A_666 = vector.broadcast %add3A_665 : i32 to vector<16xi32>
    %add3A_667 = arith.addi %add3A_666, %iota3A : vector<16xi32>
    %mul3A_668 = arith.constant 3 : i32
    %mul3A_669 = vector.broadcast %mul3A_668 : i32 to vector<16xi32>
    %mul3A_670 = arith.muli %add3A_667, %mul3A_669 : vector<16xi32>
    %gather3A_671 = tpu.vector_load_idx %arg17[%mul3A_664] : memref<12288xf32, #tpu.memory_space<vmem>>[vector<16xi32>], vector<16xf32>,
    %gather3A_672 = tpu.vector_load_idx %arg12[%mul3A_670] : memref<768xf32, #tpu.memory_space<vmem>>[vector<16xi32>], vector<16xf32>,
    %sub3A_673 = arith.subf %gather3A_671, %gather3A_672 : vector<16xf32>
    %add3A_674 = arith.constant 1 : i32
    %add3A_675 = vector.broadcast %add3A_674 : i32 to vector<16xi32>
    %add3A_676 = arith.addi %mul3A_664, %add3A_675 : vector<16xi32>
    %gather3A_677 = tpu.vector_load_idx %arg17[%add3A_676] : memref<12288xf32, #tpu.memory_space<vmem>>[vector<16xi32>], vector<16xf32>,
    %add3A_678 = arith.constant 1 : i32
    %add3A_679 = vector.broadcast %add3A_678 : i32 to vector<16xi32>
    %add3A_680 = arith.addi %mul3A_670, %add3A_679 : vector<16xi32>
    %gather3A_681 = tpu.vector_load_idx %arg12[%add3A_680] : memref<768xf32, #tpu.memory_space<vmem>>[vector<16xi32>], vector<16xf32>,
    %sub3A_682 = arith.subf %gather3A_677, %gather3A_681 : vector<16xf32>
    %add3A_683 = arith.constant 2 : i32
    %add3A_684 = vector.broadcast %add3A_683 : i32 to vector<16xi32>
    %add3A_685 = arith.addi %mul3A_664, %add3A_684 : vector<16xi32>
    %gather3A_686 = tpu.vector_load_idx %arg17[%add3A_685] : memref<12288xf32, #tpu.memory_space<vmem>>[vector<16xi32>], vector<16xf32>,
    %add3A_687 = arith.constant 2 : i32
    %add3A_688 = vector.broadcast %add3A_687 : i32 to vector<16xi32>
    %add3A_689 = arith.addi %mul3A_670, %add3A_688 : vector<16xi32>
    %gather3A_690 = tpu.vector_load_idx %arg12[%add3A_689] : memref<768xf32, #tpu.memory_space<vmem>>[vector<16xi32>], vector<16xf32>,
    %sub3A_691 = arith.subf %gather3A_686, %gather3A_690 : vector<16xf32>
    %add3A_692 = arith.constant 96 : i32
    %add3A_693 = vector.broadcast %add3A_692 : i32 to vector<16xi32>
    %add3A_694 = arith.addi %add3A_693, %iota3A : vector<16xi32>
    %mul3A_695 = arith.constant 8 : i32
    %mul3A_696 = vector.broadcast %mul3A_695 : i32 to vector<16xi32>
    %mul3A_697 = arith.muli %add3A_694, %mul3A_696 : vector<16xi32>
    tpu.vector_store_idx %arg21[%mul3A_697], %sub3A_673 : memref<2048xf32, #tpu.memory_space<vmem>>[vector<16xi32>], vector<16xf32>,
    %add3A_698 = arith.constant 1 : i32
    %add3A_699 = vector.broadcast %add3A_698 : i32 to vector<16xi32>
    %add3A_700 = arith.addi %mul3A_697, %add3A_699 : vector<16xi32>
    tpu.vector_store_idx %arg21[%add3A_700], %sub3A_682 : memref<2048xf32, #tpu.memory_space<vmem>>[vector<16xi32>], vector<16xf32>,
    %add3A_701 = arith.constant 2 : i32
    %add3A_702 = vector.broadcast %add3A_701 : i32 to vector<16xi32>
    %add3A_703 = arith.addi %mul3A_697, %add3A_702 : vector<16xi32>
    tpu.vector_store_idx %arg21[%add3A_703], %sub3A_691 : memref<2048xf32, #tpu.memory_space<vmem>>[vector<16xi32>], vector<16xf32>,
    %add3A_704 = arith.constant 3 : i32
    %add3A_705 = vector.broadcast %add3A_704 : i32 to vector<16xi32>
    %add3A_706 = arith.addi %mul3A_697, %add3A_705 : vector<16xi32>
    tpu.vector_store_idx %arg21[%add3A_706], %select_n3A_661 : memref<2048xf32, #tpu.memory_space<vmem>>[vector<16xi32>], vector<16xf32>,
    %add3A_707 = arith.constant 4 : i32
    %add3A_708 = vector.broadcast %add3A_707 : i32 to vector<16xi32>
    %add3A_709 = arith.addi %mul3A_697, %add3A_708 : vector<16xi32>
    tpu.vector_store_idx %arg21[%add3A_709], %broadcast_in_dim3A_141 : memref<2048xf32, #tpu.memory_space<vmem>>[vector<16xi32>], vector<16xf32>,
    %add3A_710 = arith.constant 5 : i32
    %add3A_711 = vector.broadcast %add3A_710 : i32 to vector<16xi32>
    %add3A_712 = arith.addi %mul3A_697, %add3A_711 : vector<16xi32>
    tpu.vector_store_idx %arg21[%add3A_712], %broadcast_in_dim3A_141 : memref<2048xf32, #tpu.memory_space<vmem>>[vector<16xi32>], vector<16xf32>,
    %add3A_713 = arith.constant 6 : i32
    %add3A_714 = vector.broadcast %add3A_713 : i32 to vector<16xi32>
    %add3A_715 = arith.addi %mul3A_697, %add3A_714 : vector<16xi32>
    tpu.vector_store_idx %arg21[%add3A_715], %broadcast_in_dim3A_141 : memref<2048xf32, #tpu.memory_space<vmem>>[vector<16xi32>], vector<16xf32>,
    %add3A_716 = arith.constant 7 : i32
    %add3A_717 = vector.broadcast %add3A_716 : i32 to vector<16xi32>
    %add3A_718 = arith.addi %mul3A_697, %add3A_717 : vector<16xi32>
    tpu.vector_store_idx %arg21[%add3A_718], %broadcast_in_dim3A_141 : memref<2048xf32, #tpu.memory_space<vmem>>[vector<16xi32>], vector<16xf32>,
    %get3A_719 = arith.constant 112 : index
    %get3A_720 = tpu.vector_load %arg10[%get3A_719] {strides = array<i32>} : memref<256xi32, #tpu.memory_space<vmem>>, vector<16xi32>,
    %get3A_721 = arith.constant 112 : index
    %get3A_722 = tpu.vector_load %arg11[%get3A_721] {strides = array<i32>} : memref<256xf32, #tpu.memory_space<vmem>>, vector<16xf32>,
    %gather3A_723 = tpu.vector_load_idx %arg16[%get3A_720] : memref<4096xf32, #tpu.memory_space<vmem>>[vector<16xi32>], vector<16xf32>,
    %eq3A_724 = arith.cmpf oeq, %gather3A_723, %get3A_722 : vector<16xf32>
    %lt3A_725 = arith.constant 0.00999999977 : f32
    %lt3A_726 = vector.broadcast %lt3A_725 : f32 to vector<16xf32>
    %lt3A_727 = arith.cmpf olt, %get3A_722, %lt3A_726 : vector<16xf32>
    %get3A_728 = arith.constant 112 : index
    %get3A_729 = tpu.vector_load %arg13[%get3A_728] {strides = array<i32>} : memref<256xf32, #tpu.memory_space<vmem>>, vector<16xf32>,
    %gt3A_730 = arith.constant 5.000000e-01 : f32
    %gt3A_731 = vector.broadcast %gt3A_730 : f32 to vector<16xf32>
    %gt3A_732 = arith.cmpf ogt, %get3A_729, %gt3A_731 : vector<16xf32>
    %gather3A_733 = tpu.vector_load_idx %arg18[%get3A_720] : memref<4096xf32, #tpu.memory_space<vmem>>[vector<16xi32>], vector<16xf32>,
    %gt3A_734 = arith.constant 5.000000e-01 : f32
    %gt3A_735 = vector.broadcast %gt3A_734 : f32 to vector<16xf32>
    %gt3A_736 = arith.cmpf ogt, %gather3A_733, %gt3A_735 : vector<16xf32>
    %and3A_737 = arith.andi %eq3A_724, %lt3A_727 : vector<16xi1>
    %and3A_738 = arith.andi %and3A_737, %gt3A_732 : vector<16xi1>
    %and3A_739 = arith.andi %and3A_738, %gt3A_736 : vector<16xi1>
    %jit3A_740 = arith.constant 1.000000e+00 : f32
    %jit3A_741 = arith.constant 0.000000e+00 : f32
    %broadcast_in_dim3A_742 = vector.broadcast %jit3A_740 : f32 to vector<16xf32>
    %broadcast_in_dim3A_743 = vector.broadcast %jit3A_741 : f32 to vector<16xf32>
    %select_n3A_744 = arith.select %and3A_739, %broadcast_in_dim3A_742, %broadcast_in_dim3A_743 : vector<16xi1>, vector<16xf32>
    %mul3A_745 = arith.constant 3 : i32
    %mul3A_746 = vector.broadcast %mul3A_745 : i32 to vector<16xi32>
    %mul3A_747 = arith.muli %get3A_720, %mul3A_746 : vector<16xi32>
    %add3A_748 = arith.constant 112 : i32
    %add3A_749 = vector.broadcast %add3A_748 : i32 to vector<16xi32>
    %add3A_750 = arith.addi %add3A_749, %iota3A : vector<16xi32>
    %mul3A_751 = arith.constant 3 : i32
    %mul3A_752 = vector.broadcast %mul3A_751 : i32 to vector<16xi32>
    %mul3A_753 = arith.muli %add3A_750, %mul3A_752 : vector<16xi32>
    %gather3A_754 = tpu.vector_load_idx %arg17[%mul3A_747] : memref<12288xf32, #tpu.memory_space<vmem>>[vector<16xi32>], vector<16xf32>,
    %gather3A_755 = tpu.vector_load_idx %arg12[%mul3A_753] : memref<768xf32, #tpu.memory_space<vmem>>[vector<16xi32>], vector<16xf32>,
    %sub3A_756 = arith.subf %gather3A_754, %gather3A_755 : vector<16xf32>
    %add3A_757 = arith.constant 1 : i32
    %add3A_758 = vector.broadcast %add3A_757 : i32 to vector<16xi32>
    %add3A_759 = arith.addi %mul3A_747, %add3A_758 : vector<16xi32>
    %gather3A_760 = tpu.vector_load_idx %arg17[%add3A_759] : memref<12288xf32, #tpu.memory_space<vmem>>[vector<16xi32>], vector<16xf32>,
    %add3A_761 = arith.constant 1 : i32
    %add3A_762 = vector.broadcast %add3A_761 : i32 to vector<16xi32>
    %add3A_763 = arith.addi %mul3A_753, %add3A_762 : vector<16xi32>
    %gather3A_764 = tpu.vector_load_idx %arg12[%add3A_763] : memref<768xf32, #tpu.memory_space<vmem>>[vector<16xi32>], vector<16xf32>,
    %sub3A_765 = arith.subf %gather3A_760, %gather3A_764 : vector<16xf32>
    %add3A_766 = arith.constant 2 : i32
    %add3A_767 = vector.broadcast %add3A_766 : i32 to vector<16xi32>
    %add3A_768 = arith.addi %mul3A_747, %add3A_767 : vector<16xi32>
    %gather3A_769 = tpu.vector_load_idx %arg17[%add3A_768] : memref<12288xf32, #tpu.memory_space<vmem>>[vector<16xi32>], vector<16xf32>,
    %add3A_770 = arith.constant 2 : i32
    %add3A_771 = vector.broadcast %add3A_770 : i32 to vector<16xi32>
    %add3A_772 = arith.addi %mul3A_753, %add3A_771 : vector<16xi32>
    %gather3A_773 = tpu.vector_load_idx %arg12[%add3A_772] : memref<768xf32, #tpu.memory_space<vmem>>[vector<16xi32>], vector<16xf32>,
    %sub3A_774 = arith.subf %gather3A_769, %gather3A_773 : vector<16xf32>
    %add3A_775 = arith.constant 112 : i32
    %add3A_776 = vector.broadcast %add3A_775 : i32 to vector<16xi32>
    %add3A_777 = arith.addi %add3A_776, %iota3A : vector<16xi32>
    %mul3A_778 = arith.constant 8 : i32
    %mul3A_779 = vector.broadcast %mul3A_778 : i32 to vector<16xi32>
    %mul3A_780 = arith.muli %add3A_777, %mul3A_779 : vector<16xi32>
    tpu.vector_store_idx %arg21[%mul3A_780], %sub3A_756 : memref<2048xf32, #tpu.memory_space<vmem>>[vector<16xi32>], vector<16xf32>,
    %add3A_781 = arith.constant 1 : i32
    %add3A_782 = vector.broadcast %add3A_781 : i32 to vector<16xi32>
    %add3A_783 = arith.addi %mul3A_780, %add3A_782 : vector<16xi32>
    tpu.vector_store_idx %arg21[%add3A_783], %sub3A_765 : memref<2048xf32, #tpu.memory_space<vmem>>[vector<16xi32>], vector<16xf32>,
    %add3A_784 = arith.constant 2 : i32
    %add3A_785 = vector.broadcast %add3A_784 : i32 to vector<16xi32>
    %add3A_786 = arith.addi %mul3A_780, %add3A_785 : vector<16xi32>
    tpu.vector_store_idx %arg21[%add3A_786], %sub3A_774 : memref<2048xf32, #tpu.memory_space<vmem>>[vector<16xi32>], vector<16xf32>,
    %add3A_787 = arith.constant 3 : i32
    %add3A_788 = vector.broadcast %add3A_787 : i32 to vector<16xi32>
    %add3A_789 = arith.addi %mul3A_780, %add3A_788 : vector<16xi32>
    tpu.vector_store_idx %arg21[%add3A_789], %select_n3A_744 : memref<2048xf32, #tpu.memory_space<vmem>>[vector<16xi32>], vector<16xf32>,
    %add3A_790 = arith.constant 4 : i32
    %add3A_791 = vector.broadcast %add3A_790 : i32 to vector<16xi32>
    %add3A_792 = arith.addi %mul3A_780, %add3A_791 : vector<16xi32>
    tpu.vector_store_idx %arg21[%add3A_792], %broadcast_in_dim3A_141 : memref<2048xf32, #tpu.memory_space<vmem>>[vector<16xi32>], vector<16xf32>,
    %add3A_793 = arith.constant 5 : i32
    %add3A_794 = vector.broadcast %add3A_793 : i32 to vector<16xi32>
    %add3A_795 = arith.addi %mul3A_780, %add3A_794 : vector<16xi32>
    tpu.vector_store_idx %arg21[%add3A_795], %broadcast_in_dim3A_141 : memref<2048xf32, #tpu.memory_space<vmem>>[vector<16xi32>], vector<16xf32>,
    %add3A_796 = arith.constant 6 : i32
    %add3A_797 = vector.broadcast %add3A_796 : i32 to vector<16xi32>
    %add3A_798 = arith.addi %mul3A_780, %add3A_797 : vector<16xi32>
    tpu.vector_store_idx %arg21[%add3A_798], %broadcast_in_dim3A_141 : memref<2048xf32, #tpu.memory_space<vmem>>[vector<16xi32>], vector<16xf32>,
    %add3A_799 = arith.constant 7 : i32
    %add3A_800 = vector.broadcast %add3A_799 : i32 to vector<16xi32>
    %add3A_801 = arith.addi %mul3A_780, %add3A_800 : vector<16xi32>
    tpu.vector_store_idx %arg21[%add3A_801], %broadcast_in_dim3A_141 : memref<2048xf32, #tpu.memory_space<vmem>>[vector<16xi32>], vector<16xf32>,
    %get3A_802 = arith.constant 128 : index
    %get3A_803 = tpu.vector_load %arg10[%get3A_802] {strides = array<i32>} : memref<256xi32, #tpu.memory_space<vmem>>, vector<16xi32>,
    %get3A_804 = arith.constant 128 : index
    %get3A_805 = tpu.vector_load %arg11[%get3A_804] {strides = array<i32>} : memref<256xf32, #tpu.memory_space<vmem>>, vector<16xf32>,
    %gather3A_806 = tpu.vector_load_idx %arg16[%get3A_803] : memref<4096xf32, #tpu.memory_space<vmem>>[vector<16xi32>], vector<16xf32>,
    %eq3A_807 = arith.cmpf oeq, %gather3A_806, %get3A_805 : vector<16xf32>
    %lt3A_808 = arith.constant 0.00999999977 : f32
    %lt3A_809 = vector.broadcast %lt3A_808 : f32 to vector<16xf32>
    %lt3A_810 = arith.cmpf olt, %get3A_805, %lt3A_809 : vector<16xf32>
    %get3A_811 = arith.constant 128 : index
    %get3A_812 = tpu.vector_load %arg13[%get3A_811] {strides = array<i32>} : memref<256xf32, #tpu.memory_space<vmem>>, vector<16xf32>,
    %gt3A_813 = arith.constant 5.000000e-01 : f32
    %gt3A_814 = vector.broadcast %gt3A_813 : f32 to vector<16xf32>
    %gt3A_815 = arith.cmpf ogt, %get3A_812, %gt3A_814 : vector<16xf32>
    %gather3A_816 = tpu.vector_load_idx %arg18[%get3A_803] : memref<4096xf32, #tpu.memory_space<vmem>>[vector<16xi32>], vector<16xf32>,
    %gt3A_817 = arith.constant 5.000000e-01 : f32
    %gt3A_818 = vector.broadcast %gt3A_817 : f32 to vector<16xf32>
    %gt3A_819 = arith.cmpf ogt, %gather3A_816, %gt3A_818 : vector<16xf32>
    %and3A_820 = arith.andi %eq3A_807, %lt3A_810 : vector<16xi1>
    %and3A_821 = arith.andi %and3A_820, %gt3A_815 : vector<16xi1>
    %and3A_822 = arith.andi %and3A_821, %gt3A_819 : vector<16xi1>
    %jit3A_823 = arith.constant 1.000000e+00 : f32
    %jit3A_824 = arith.constant 0.000000e+00 : f32
    %broadcast_in_dim3A_825 = vector.broadcast %jit3A_823 : f32 to vector<16xf32>
    %broadcast_in_dim3A_826 = vector.broadcast %jit3A_824 : f32 to vector<16xf32>
    %select_n3A_827 = arith.select %and3A_822, %broadcast_in_dim3A_825, %broadcast_in_dim3A_826 : vector<16xi1>, vector<16xf32>
    %mul3A_828 = arith.constant 3 : i32
    %mul3A_829 = vector.broadcast %mul3A_828 : i32 to vector<16xi32>
    %mul3A_830 = arith.muli %get3A_803, %mul3A_829 : vector<16xi32>
    %add3A_831 = arith.constant 128 : i32
    %add3A_832 = vector.broadcast %add3A_831 : i32 to vector<16xi32>
    %add3A_833 = arith.addi %add3A_832, %iota3A : vector<16xi32>
    %mul3A_834 = arith.constant 3 : i32
    %mul3A_835 = vector.broadcast %mul3A_834 : i32 to vector<16xi32>
    %mul3A_836 = arith.muli %add3A_833, %mul3A_835 : vector<16xi32>
    %gather3A_837 = tpu.vector_load_idx %arg17[%mul3A_830] : memref<12288xf32, #tpu.memory_space<vmem>>[vector<16xi32>], vector<16xf32>,
    %gather3A_838 = tpu.vector_load_idx %arg12[%mul3A_836] : memref<768xf32, #tpu.memory_space<vmem>>[vector<16xi32>], vector<16xf32>,
    %sub3A_839 = arith.subf %gather3A_837, %gather3A_838 : vector<16xf32>
    %add3A_840 = arith.constant 1 : i32
    %add3A_841 = vector.broadcast %add3A_840 : i32 to vector<16xi32>
    %add3A_842 = arith.addi %mul3A_830, %add3A_841 : vector<16xi32>
    %gather3A_843 = tpu.vector_load_idx %arg17[%add3A_842] : memref<12288xf32, #tpu.memory_space<vmem>>[vector<16xi32>], vector<16xf32>,
    %add3A_844 = arith.constant 1 : i32
    %add3A_845 = vector.broadcast %add3A_844 : i32 to vector<16xi32>
    %add3A_846 = arith.addi %mul3A_836, %add3A_845 : vector<16xi32>
    %gather3A_847 = tpu.vector_load_idx %arg12[%add3A_846] : memref<768xf32, #tpu.memory_space<vmem>>[vector<16xi32>], vector<16xf32>,
    %sub3A_848 = arith.subf %gather3A_843, %gather3A_847 : vector<16xf32>
    %add3A_849 = arith.constant 2 : i32
    %add3A_850 = vector.broadcast %add3A_849 : i32 to vector<16xi32>
    %add3A_851 = arith.addi %mul3A_830, %add3A_850 : vector<16xi32>
    %gather3A_852 = tpu.vector_load_idx %arg17[%add3A_851] : memref<12288xf32, #tpu.memory_space<vmem>>[vector<16xi32>], vector<16xf32>,
    %add3A_853 = arith.constant 2 : i32
    %add3A_854 = vector.broadcast %add3A_853 : i32 to vector<16xi32>
    %add3A_855 = arith.addi %mul3A_836, %add3A_854 : vector<16xi32>
    %gather3A_856 = tpu.vector_load_idx %arg12[%add3A_855] : memref<768xf32, #tpu.memory_space<vmem>>[vector<16xi32>], vector<16xf32>,
    %sub3A_857 = arith.subf %gather3A_852, %gather3A_856 : vector<16xf32>
    %add3A_858 = arith.constant 128 : i32
    %add3A_859 = vector.broadcast %add3A_858 : i32 to vector<16xi32>
    %add3A_860 = arith.addi %add3A_859, %iota3A : vector<16xi32>
    %mul3A_861 = arith.constant 8 : i32
    %mul3A_862 = vector.broadcast %mul3A_861 : i32 to vector<16xi32>
    %mul3A_863 = arith.muli %add3A_860, %mul3A_862 : vector<16xi32>
    tpu.vector_store_idx %arg21[%mul3A_863], %sub3A_839 : memref<2048xf32, #tpu.memory_space<vmem>>[vector<16xi32>], vector<16xf32>,
    %add3A_864 = arith.constant 1 : i32
    %add3A_865 = vector.broadcast %add3A_864 : i32 to vector<16xi32>
    %add3A_866 = arith.addi %mul3A_863, %add3A_865 : vector<16xi32>
    tpu.vector_store_idx %arg21[%add3A_866], %sub3A_848 : memref<2048xf32, #tpu.memory_space<vmem>>[vector<16xi32>], vector<16xf32>,
    %add3A_867 = arith.constant 2 : i32
    %add3A_868 = vector.broadcast %add3A_867 : i32 to vector<16xi32>
    %add3A_869 = arith.addi %mul3A_863, %add3A_868 : vector<16xi32>
    tpu.vector_store_idx %arg21[%add3A_869], %sub3A_857 : memref<2048xf32, #tpu.memory_space<vmem>>[vector<16xi32>], vector<16xf32>,
    %add3A_870 = arith.constant 3 : i32
    %add3A_871 = vector.broadcast %add3A_870 : i32 to vector<16xi32>
    %add3A_872 = arith.addi %mul3A_863, %add3A_871 : vector<16xi32>
    tpu.vector_store_idx %arg21[%add3A_872], %select_n3A_827 : memref<2048xf32, #tpu.memory_space<vmem>>[vector<16xi32>], vector<16xf32>,
    %add3A_873 = arith.constant 4 : i32
    %add3A_874 = vector.broadcast %add3A_873 : i32 to vector<16xi32>
    %add3A_875 = arith.addi %mul3A_863, %add3A_874 : vector<16xi32>
    tpu.vector_store_idx %arg21[%add3A_875], %broadcast_in_dim3A_141 : memref<2048xf32, #tpu.memory_space<vmem>>[vector<16xi32>], vector<16xf32>,
    %add3A_876 = arith.constant 5 : i32
    %add3A_877 = vector.broadcast %add3A_876 : i32 to vector<16xi32>
    %add3A_878 = arith.addi %mul3A_863, %add3A_877 : vector<16xi32>
    tpu.vector_store_idx %arg21[%add3A_878], %broadcast_in_dim3A_141 : memref<2048xf32, #tpu.memory_space<vmem>>[vector<16xi32>], vector<16xf32>,
    %add3A_879 = arith.constant 6 : i32
    %add3A_880 = vector.broadcast %add3A_879 : i32 to vector<16xi32>
    %add3A_881 = arith.addi %mul3A_863, %add3A_880 : vector<16xi32>
    tpu.vector_store_idx %arg21[%add3A_881], %broadcast_in_dim3A_141 : memref<2048xf32, #tpu.memory_space<vmem>>[vector<16xi32>], vector<16xf32>,
    %add3A_882 = arith.constant 7 : i32
    %add3A_883 = vector.broadcast %add3A_882 : i32 to vector<16xi32>
    %add3A_884 = arith.addi %mul3A_863, %add3A_883 : vector<16xi32>
    tpu.vector_store_idx %arg21[%add3A_884], %broadcast_in_dim3A_141 : memref<2048xf32, #tpu.memory_space<vmem>>[vector<16xi32>], vector<16xf32>,
    %get3A_885 = arith.constant 144 : index
    %get3A_886 = tpu.vector_load %arg10[%get3A_885] {strides = array<i32>} : memref<256xi32, #tpu.memory_space<vmem>>, vector<16xi32>,
    %get3A_887 = arith.constant 144 : index
    %get3A_888 = tpu.vector_load %arg11[%get3A_887] {strides = array<i32>} : memref<256xf32, #tpu.memory_space<vmem>>, vector<16xf32>,
    %gather3A_889 = tpu.vector_load_idx %arg16[%get3A_886] : memref<4096xf32, #tpu.memory_space<vmem>>[vector<16xi32>], vector<16xf32>,
    %eq3A_890 = arith.cmpf oeq, %gather3A_889, %get3A_888 : vector<16xf32>
    %lt3A_891 = arith.constant 0.00999999977 : f32
    %lt3A_892 = vector.broadcast %lt3A_891 : f32 to vector<16xf32>
    %lt3A_893 = arith.cmpf olt, %get3A_888, %lt3A_892 : vector<16xf32>
    %get3A_894 = arith.constant 144 : index
    %get3A_895 = tpu.vector_load %arg13[%get3A_894] {strides = array<i32>} : memref<256xf32, #tpu.memory_space<vmem>>, vector<16xf32>,
    %gt3A_896 = arith.constant 5.000000e-01 : f32
    %gt3A_897 = vector.broadcast %gt3A_896 : f32 to vector<16xf32>
    %gt3A_898 = arith.cmpf ogt, %get3A_895, %gt3A_897 : vector<16xf32>
    %gather3A_899 = tpu.vector_load_idx %arg18[%get3A_886] : memref<4096xf32, #tpu.memory_space<vmem>>[vector<16xi32>], vector<16xf32>,
    %gt3A_900 = arith.constant 5.000000e-01 : f32
    %gt3A_901 = vector.broadcast %gt3A_900 : f32 to vector<16xf32>
    %gt3A_902 = arith.cmpf ogt, %gather3A_899, %gt3A_901 : vector<16xf32>
    %and3A_903 = arith.andi %eq3A_890, %lt3A_893 : vector<16xi1>
    %and3A_904 = arith.andi %and3A_903, %gt3A_898 : vector<16xi1>
    %and3A_905 = arith.andi %and3A_904, %gt3A_902 : vector<16xi1>
    %jit3A_906 = arith.constant 1.000000e+00 : f32
    %jit3A_907 = arith.constant 0.000000e+00 : f32
    %broadcast_in_dim3A_908 = vector.broadcast %jit3A_906 : f32 to vector<16xf32>
    %broadcast_in_dim3A_909 = vector.broadcast %jit3A_907 : f32 to vector<16xf32>
    %select_n3A_910 = arith.select %and3A_905, %broadcast_in_dim3A_908, %broadcast_in_dim3A_909 : vector<16xi1>, vector<16xf32>
    %mul3A_911 = arith.constant 3 : i32
    %mul3A_912 = vector.broadcast %mul3A_911 : i32 to vector<16xi32>
    %mul3A_913 = arith.muli %get3A_886, %mul3A_912 : vector<16xi32>
    %add3A_914 = arith.constant 144 : i32
    %add3A_915 = vector.broadcast %add3A_914 : i32 to vector<16xi32>
    %add3A_916 = arith.addi %add3A_915, %iota3A : vector<16xi32>
    %mul3A_917 = arith.constant 3 : i32
    %mul3A_918 = vector.broadcast %mul3A_917 : i32 to vector<16xi32>
    %mul3A_919 = arith.muli %add3A_916, %mul3A_918 : vector<16xi32>
    %gather3A_920 = tpu.vector_load_idx %arg17[%mul3A_913] : memref<12288xf32, #tpu.memory_space<vmem>>[vector<16xi32>], vector<16xf32>,
    %gather3A_921 = tpu.vector_load_idx %arg12[%mul3A_919] : memref<768xf32, #tpu.memory_space<vmem>>[vector<16xi32>], vector<16xf32>,
    %sub3A_922 = arith.subf %gather3A_920, %gather3A_921 : vector<16xf32>
    %add3A_923 = arith.constant 1 : i32
    %add3A_924 = vector.broadcast %add3A_923 : i32 to vector<16xi32>
    %add3A_925 = arith.addi %mul3A_913, %add3A_924 : vector<16xi32>
    %gather3A_926 = tpu.vector_load_idx %arg17[%add3A_925] : memref<12288xf32, #tpu.memory_space<vmem>>[vector<16xi32>], vector<16xf32>,
    %add3A_927 = arith.constant 1 : i32
    %add3A_928 = vector.broadcast %add3A_927 : i32 to vector<16xi32>
    %add3A_929 = arith.addi %mul3A_919, %add3A_928 : vector<16xi32>
    %gather3A_930 = tpu.vector_load_idx %arg12[%add3A_929] : memref<768xf32, #tpu.memory_space<vmem>>[vector<16xi32>], vector<16xf32>,
    %sub3A_931 = arith.subf %gather3A_926, %gather3A_930 : vector<16xf32>
    %add3A_932 = arith.constant 2 : i32
    %add3A_933 = vector.broadcast %add3A_932 : i32 to vector<16xi32>
    %add3A_934 = arith.addi %mul3A_913, %add3A_933 : vector<16xi32>
    %gather3A_935 = tpu.vector_load_idx %arg17[%add3A_934] : memref<12288xf32, #tpu.memory_space<vmem>>[vector<16xi32>], vector<16xf32>,
    %add3A_936 = arith.constant 2 : i32
    %add3A_937 = vector.broadcast %add3A_936 : i32 to vector<16xi32>
    %add3A_938 = arith.addi %mul3A_919, %add3A_937 : vector<16xi32>
    %gather3A_939 = tpu.vector_load_idx %arg12[%add3A_938] : memref<768xf32, #tpu.memory_space<vmem>>[vector<16xi32>], vector<16xf32>,
    %sub3A_940 = arith.subf %gather3A_935, %gather3A_939 : vector<16xf32>
    %add3A_941 = arith.constant 144 : i32
    %add3A_942 = vector.broadcast %add3A_941 : i32 to vector<16xi32>
    %add3A_943 = arith.addi %add3A_942, %iota3A : vector<16xi32>
    %mul3A_944 = arith.constant 8 : i32
    %mul3A_945 = vector.broadcast %mul3A_944 : i32 to vector<16xi32>
    %mul3A_946 = arith.muli %add3A_943, %mul3A_945 : vector<16xi32>
    tpu.vector_store_idx %arg21[%mul3A_946], %sub3A_922 : memref<2048xf32, #tpu.memory_space<vmem>>[vector<16xi32>], vector<16xf32>,
    %add3A_947 = arith.constant 1 : i32
    %add3A_948 = vector.broadcast %add3A_947 : i32 to vector<16xi32>
    %add3A_949 = arith.addi %mul3A_946, %add3A_948 : vector<16xi32>
    tpu.vector_store_idx %arg21[%add3A_949], %sub3A_931 : memref<2048xf32, #tpu.memory_space<vmem>>[vector<16xi32>], vector<16xf32>,
    %add3A_950 = arith.constant 2 : i32
    %add3A_951 = vector.broadcast %add3A_950 : i32 to vector<16xi32>
    %add3A_952 = arith.addi %mul3A_946, %add3A_951 : vector<16xi32>
    tpu.vector_store_idx %arg21[%add3A_952], %sub3A_940 : memref<2048xf32, #tpu.memory_space<vmem>>[vector<16xi32>], vector<16xf32>,
    %add3A_953 = arith.constant 3 : i32
    %add3A_954 = vector.broadcast %add3A_953 : i32 to vector<16xi32>
    %add3A_955 = arith.addi %mul3A_946, %add3A_954 : vector<16xi32>
    tpu.vector_store_idx %arg21[%add3A_955], %select_n3A_910 : memref<2048xf32, #tpu.memory_space<vmem>>[vector<16xi32>], vector<16xf32>,
    %add3A_956 = arith.constant 4 : i32
    %add3A_957 = vector.broadcast %add3A_956 : i32 to vector<16xi32>
    %add3A_958 = arith.addi %mul3A_946, %add3A_957 : vector<16xi32>
    tpu.vector_store_idx %arg21[%add3A_958], %broadcast_in_dim3A_141 : memref<2048xf32, #tpu.memory_space<vmem>>[vector<16xi32>], vector<16xf32>,
    %add3A_959 = arith.constant 5 : i32
    %add3A_960 = vector.broadcast %add3A_959 : i32 to vector<16xi32>
    %add3A_961 = arith.addi %mul3A_946, %add3A_960 : vector<16xi32>
    tpu.vector_store_idx %arg21[%add3A_961], %broadcast_in_dim3A_141 : memref<2048xf32, #tpu.memory_space<vmem>>[vector<16xi32>], vector<16xf32>,
    %add3A_962 = arith.constant 6 : i32
    %add3A_963 = vector.broadcast %add3A_962 : i32 to vector<16xi32>
    %add3A_964 = arith.addi %mul3A_946, %add3A_963 : vector<16xi32>
    tpu.vector_store_idx %arg21[%add3A_964], %broadcast_in_dim3A_141 : memref<2048xf32, #tpu.memory_space<vmem>>[vector<16xi32>], vector<16xf32>,
    %add3A_965 = arith.constant 7 : i32
    %add3A_966 = vector.broadcast %add3A_965 : i32 to vector<16xi32>
    %add3A_967 = arith.addi %mul3A_946, %add3A_966 : vector<16xi32>
    tpu.vector_store_idx %arg21[%add3A_967], %broadcast_in_dim3A_141 : memref<2048xf32, #tpu.memory_space<vmem>>[vector<16xi32>], vector<16xf32>,
    %get3A_968 = arith.constant 160 : index
    %get3A_969 = tpu.vector_load %arg10[%get3A_968] {strides = array<i32>} : memref<256xi32, #tpu.memory_space<vmem>>, vector<16xi32>,
    %get3A_970 = arith.constant 160 : index
    %get3A_971 = tpu.vector_load %arg11[%get3A_970] {strides = array<i32>} : memref<256xf32, #tpu.memory_space<vmem>>, vector<16xf32>,
    %gather3A_972 = tpu.vector_load_idx %arg16[%get3A_969] : memref<4096xf32, #tpu.memory_space<vmem>>[vector<16xi32>], vector<16xf32>,
    %eq3A_973 = arith.cmpf oeq, %gather3A_972, %get3A_971 : vector<16xf32>
    %lt3A_974 = arith.constant 0.00999999977 : f32
    %lt3A_975 = vector.broadcast %lt3A_974 : f32 to vector<16xf32>
    %lt3A_976 = arith.cmpf olt, %get3A_971, %lt3A_975 : vector<16xf32>
    %get3A_977 = arith.constant 160 : index
    %get3A_978 = tpu.vector_load %arg13[%get3A_977] {strides = array<i32>} : memref<256xf32, #tpu.memory_space<vmem>>, vector<16xf32>,
    %gt3A_979 = arith.constant 5.000000e-01 : f32
    %gt3A_980 = vector.broadcast %gt3A_979 : f32 to vector<16xf32>
    %gt3A_981 = arith.cmpf ogt, %get3A_978, %gt3A_980 : vector<16xf32>
    %gather3A_982 = tpu.vector_load_idx %arg18[%get3A_969] : memref<4096xf32, #tpu.memory_space<vmem>>[vector<16xi32>], vector<16xf32>,
    %gt3A_983 = arith.constant 5.000000e-01 : f32
    %gt3A_984 = vector.broadcast %gt3A_983 : f32 to vector<16xf32>
    %gt3A_985 = arith.cmpf ogt, %gather3A_982, %gt3A_984 : vector<16xf32>
    %and3A_986 = arith.andi %eq3A_973, %lt3A_976 : vector<16xi1>
    %and3A_987 = arith.andi %and3A_986, %gt3A_981 : vector<16xi1>
    %and3A_988 = arith.andi %and3A_987, %gt3A_985 : vector<16xi1>
    %jit3A_989 = arith.constant 1.000000e+00 : f32
    %jit3A_990 = arith.constant 0.000000e+00 : f32
    %broadcast_in_dim3A_991 = vector.broadcast %jit3A_989 : f32 to vector<16xf32>
    %broadcast_in_dim3A_992 = vector.broadcast %jit3A_990 : f32 to vector<16xf32>
    %select_n3A_993 = arith.select %and3A_988, %broadcast_in_dim3A_991, %broadcast_in_dim3A_992 : vector<16xi1>, vector<16xf32>
    %mul3A_994 = arith.constant 3 : i32
    %mul3A_995 = vector.broadcast %mul3A_994 : i32 to vector<16xi32>
    %mul3A_996 = arith.muli %get3A_969, %mul3A_995 : vector<16xi32>
    %add3A_997 = arith.constant 160 : i32
    %add3A_998 = vector.broadcast %add3A_997 : i32 to vector<16xi32>
    %add3A_999 = arith.addi %add3A_998, %iota3A : vector<16xi32>
    %mul3A_1000 = arith.constant 3 : i32
    %mul3A_1001 = vector.broadcast %mul3A_1000 : i32 to vector<16xi32>
    %mul3A_1002 = arith.muli %add3A_999, %mul3A_1001 : vector<16xi32>
    %gather3A_1003 = tpu.vector_load_idx %arg17[%mul3A_996] : memref<12288xf32, #tpu.memory_space<vmem>>[vector<16xi32>], vector<16xf32>,
    %gather3A_1004 = tpu.vector_load_idx %arg12[%mul3A_1002] : memref<768xf32, #tpu.memory_space<vmem>>[vector<16xi32>], vector<16xf32>,
    %sub3A_1005 = arith.subf %gather3A_1003, %gather3A_1004 : vector<16xf32>
    %add3A_1006 = arith.constant 1 : i32
    %add3A_1007 = vector.broadcast %add3A_1006 : i32 to vector<16xi32>
    %add3A_1008 = arith.addi %mul3A_996, %add3A_1007 : vector<16xi32>
    %gather3A_1009 = tpu.vector_load_idx %arg17[%add3A_1008] : memref<12288xf32, #tpu.memory_space<vmem>>[vector<16xi32>], vector<16xf32>,
    %add3A_1010 = arith.constant 1 : i32
    %add3A_1011 = vector.broadcast %add3A_1010 : i32 to vector<16xi32>
    %add3A_1012 = arith.addi %mul3A_1002, %add3A_1011 : vector<16xi32>
    %gather3A_1013 = tpu.vector_load_idx %arg12[%add3A_1012] : memref<768xf32, #tpu.memory_space<vmem>>[vector<16xi32>], vector<16xf32>,
    %sub3A_1014 = arith.subf %gather3A_1009, %gather3A_1013 : vector<16xf32>
    %add3A_1015 = arith.constant 2 : i32
    %add3A_1016 = vector.broadcast %add3A_1015 : i32 to vector<16xi32>
    %add3A_1017 = arith.addi %mul3A_996, %add3A_1016 : vector<16xi32>
    %gather3A_1018 = tpu.vector_load_idx %arg17[%add3A_1017] : memref<12288xf32, #tpu.memory_space<vmem>>[vector<16xi32>], vector<16xf32>,
    %add3A_1019 = arith.constant 2 : i32
    %add3A_1020 = vector.broadcast %add3A_1019 : i32 to vector<16xi32>
    %add3A_1021 = arith.addi %mul3A_1002, %add3A_1020 : vector<16xi32>
    %gather3A_1022 = tpu.vector_load_idx %arg12[%add3A_1021] : memref<768xf32, #tpu.memory_space<vmem>>[vector<16xi32>], vector<16xf32>,
    %sub3A_1023 = arith.subf %gather3A_1018, %gather3A_1022 : vector<16xf32>
    %add3A_1024 = arith.constant 160 : i32
    %add3A_1025 = vector.broadcast %add3A_1024 : i32 to vector<16xi32>
    %add3A_1026 = arith.addi %add3A_1025, %iota3A : vector<16xi32>
    %mul3A_1027 = arith.constant 8 : i32
    %mul3A_1028 = vector.broadcast %mul3A_1027 : i32 to vector<16xi32>
    %mul3A_1029 = arith.muli %add3A_1026, %mul3A_1028 : vector<16xi32>
    tpu.vector_store_idx %arg21[%mul3A_1029], %sub3A_1005 : memref<2048xf32, #tpu.memory_space<vmem>>[vector<16xi32>], vector<16xf32>,
    %add3A_1030 = arith.constant 1 : i32
    %add3A_1031 = vector.broadcast %add3A_1030 : i32 to vector<16xi32>
    %add3A_1032 = arith.addi %mul3A_1029, %add3A_1031 : vector<16xi32>
    tpu.vector_store_idx %arg21[%add3A_1032], %sub3A_1014 : memref<2048xf32, #tpu.memory_space<vmem>>[vector<16xi32>], vector<16xf32>,
    %add3A_1033 = arith.constant 2 : i32
    %add3A_1034 = vector.broadcast %add3A_1033 : i32 to vector<16xi32>
    %add3A_1035 = arith.addi %mul3A_1029, %add3A_1034 : vector<16xi32>
    tpu.vector_store_idx %arg21[%add3A_1035], %sub3A_1023 : memref<2048xf32, #tpu.memory_space<vmem>>[vector<16xi32>], vector<16xf32>,
    %add3A_1036 = arith.constant 3 : i32
    %add3A_1037 = vector.broadcast %add3A_1036 : i32 to vector<16xi32>
    %add3A_1038 = arith.addi %mul3A_1029, %add3A_1037 : vector<16xi32>
    tpu.vector_store_idx %arg21[%add3A_1038], %select_n3A_993 : memref<2048xf32, #tpu.memory_space<vmem>>[vector<16xi32>], vector<16xf32>,
    %add3A_1039 = arith.constant 4 : i32
    %add3A_1040 = vector.broadcast %add3A_1039 : i32 to vector<16xi32>
    %add3A_1041 = arith.addi %mul3A_1029, %add3A_1040 : vector<16xi32>
    tpu.vector_store_idx %arg21[%add3A_1041], %broadcast_in_dim3A_141 : memref<2048xf32, #tpu.memory_space<vmem>>[vector<16xi32>], vector<16xf32>,
    %add3A_1042 = arith.constant 5 : i32
    %add3A_1043 = vector.broadcast %add3A_1042 : i32 to vector<16xi32>
    %add3A_1044 = arith.addi %mul3A_1029, %add3A_1043 : vector<16xi32>
    tpu.vector_store_idx %arg21[%add3A_1044], %broadcast_in_dim3A_141 : memref<2048xf32, #tpu.memory_space<vmem>>[vector<16xi32>], vector<16xf32>,
    %add3A_1045 = arith.constant 6 : i32
    %add3A_1046 = vector.broadcast %add3A_1045 : i32 to vector<16xi32>
    %add3A_1047 = arith.addi %mul3A_1029, %add3A_1046 : vector<16xi32>
    tpu.vector_store_idx %arg21[%add3A_1047], %broadcast_in_dim3A_141 : memref<2048xf32, #tpu.memory_space<vmem>>[vector<16xi32>], vector<16xf32>,
    %add3A_1048 = arith.constant 7 : i32
    %add3A_1049 = vector.broadcast %add3A_1048 : i32 to vector<16xi32>
    %add3A_1050 = arith.addi %mul3A_1029, %add3A_1049 : vector<16xi32>
    tpu.vector_store_idx %arg21[%add3A_1050], %broadcast_in_dim3A_141 : memref<2048xf32, #tpu.memory_space<vmem>>[vector<16xi32>], vector<16xf32>,
    %get3A_1051 = arith.constant 176 : index
    %get3A_1052 = tpu.vector_load %arg10[%get3A_1051] {strides = array<i32>} : memref<256xi32, #tpu.memory_space<vmem>>, vector<16xi32>,
    %get3A_1053 = arith.constant 176 : index
    %get3A_1054 = tpu.vector_load %arg11[%get3A_1053] {strides = array<i32>} : memref<256xf32, #tpu.memory_space<vmem>>, vector<16xf32>,
    %gather3A_1055 = tpu.vector_load_idx %arg16[%get3A_1052] : memref<4096xf32, #tpu.memory_space<vmem>>[vector<16xi32>], vector<16xf32>,
    %eq3A_1056 = arith.cmpf oeq, %gather3A_1055, %get3A_1054 : vector<16xf32>
    %lt3A_1057 = arith.constant 0.00999999977 : f32
    %lt3A_1058 = vector.broadcast %lt3A_1057 : f32 to vector<16xf32>
    %lt3A_1059 = arith.cmpf olt, %get3A_1054, %lt3A_1058 : vector<16xf32>
    %get3A_1060 = arith.constant 176 : index
    %get3A_1061 = tpu.vector_load %arg13[%get3A_1060] {strides = array<i32>} : memref<256xf32, #tpu.memory_space<vmem>>, vector<16xf32>,
    %gt3A_1062 = arith.constant 5.000000e-01 : f32
    %gt3A_1063 = vector.broadcast %gt3A_1062 : f32 to vector<16xf32>
    %gt3A_1064 = arith.cmpf ogt, %get3A_1061, %gt3A_1063 : vector<16xf32>
    %gather3A_1065 = tpu.vector_load_idx %arg18[%get3A_1052] : memref<4096xf32, #tpu.memory_space<vmem>>[vector<16xi32>], vector<16xf32>,
    %gt3A_1066 = arith.constant 5.000000e-01 : f32
    %gt3A_1067 = vector.broadcast %gt3A_1066 : f32 to vector<16xf32>
    %gt3A_1068 = arith.cmpf ogt, %gather3A_1065, %gt3A_1067 : vector<16xf32>
    %and3A_1069 = arith.andi %eq3A_1056, %lt3A_1059 : vector<16xi1>
    %and3A_1070 = arith.andi %and3A_1069, %gt3A_1064 : vector<16xi1>
    %and3A_1071 = arith.andi %and3A_1070, %gt3A_1068 : vector<16xi1>
    %jit3A_1072 = arith.constant 1.000000e+00 : f32
    %jit3A_1073 = arith.constant 0.000000e+00 : f32
    %broadcast_in_dim3A_1074 = vector.broadcast %jit3A_1072 : f32 to vector<16xf32>
    %broadcast_in_dim3A_1075 = vector.broadcast %jit3A_1073 : f32 to vector<16xf32>
    %select_n3A_1076 = arith.select %and3A_1071, %broadcast_in_dim3A_1074, %broadcast_in_dim3A_1075 : vector<16xi1>, vector<16xf32>
    %mul3A_1077 = arith.constant 3 : i32
    %mul3A_1078 = vector.broadcast %mul3A_1077 : i32 to vector<16xi32>
    %mul3A_1079 = arith.muli %get3A_1052, %mul3A_1078 : vector<16xi32>
    %add3A_1080 = arith.constant 176 : i32
    %add3A_1081 = vector.broadcast %add3A_1080 : i32 to vector<16xi32>
    %add3A_1082 = arith.addi %add3A_1081, %iota3A : vector<16xi32>
    %mul3A_1083 = arith.constant 3 : i32
    %mul3A_1084 = vector.broadcast %mul3A_1083 : i32 to vector<16xi32>
    %mul3A_1085 = arith.muli %add3A_1082, %mul3A_1084 : vector<16xi32>
    %gather3A_1086 = tpu.vector_load_idx %arg17[%mul3A_1079] : memref<12288xf32, #tpu.memory_space<vmem>>[vector<16xi32>], vector<16xf32>,
    %gather3A_1087 = tpu.vector_load_idx %arg12[%mul3A_1085] : memref<768xf32, #tpu.memory_space<vmem>>[vector<16xi32>], vector<16xf32>,
    %sub3A_1088 = arith.subf %gather3A_1086, %gather3A_1087 : vector<16xf32>
    %add3A_1089 = arith.constant 1 : i32
    %add3A_1090 = vector.broadcast %add3A_1089 : i32 to vector<16xi32>
    %add3A_1091 = arith.addi %mul3A_1079, %add3A_1090 : vector<16xi32>
    %gather3A_1092 = tpu.vector_load_idx %arg17[%add3A_1091] : memref<12288xf32, #tpu.memory_space<vmem>>[vector<16xi32>], vector<16xf32>,
    %add3A_1093 = arith.constant 1 : i32
    %add3A_1094 = vector.broadcast %add3A_1093 : i32 to vector<16xi32>
    %add3A_1095 = arith.addi %mul3A_1085, %add3A_1094 : vector<16xi32>
    %gather3A_1096 = tpu.vector_load_idx %arg12[%add3A_1095] : memref<768xf32, #tpu.memory_space<vmem>>[vector<16xi32>], vector<16xf32>,
    %sub3A_1097 = arith.subf %gather3A_1092, %gather3A_1096 : vector<16xf32>
    %add3A_1098 = arith.constant 2 : i32
    %add3A_1099 = vector.broadcast %add3A_1098 : i32 to vector<16xi32>
    %add3A_1100 = arith.addi %mul3A_1079, %add3A_1099 : vector<16xi32>
    %gather3A_1101 = tpu.vector_load_idx %arg17[%add3A_1100] : memref<12288xf32, #tpu.memory_space<vmem>>[vector<16xi32>], vector<16xf32>,
    %add3A_1102 = arith.constant 2 : i32
    %add3A_1103 = vector.broadcast %add3A_1102 : i32 to vector<16xi32>
    %add3A_1104 = arith.addi %mul3A_1085, %add3A_1103 : vector<16xi32>
    %gather3A_1105 = tpu.vector_load_idx %arg12[%add3A_1104] : memref<768xf32, #tpu.memory_space<vmem>>[vector<16xi32>], vector<16xf32>,
    %sub3A_1106 = arith.subf %gather3A_1101, %gather3A_1105 : vector<16xf32>
    %add3A_1107 = arith.constant 176 : i32
    %add3A_1108 = vector.broadcast %add3A_1107 : i32 to vector<16xi32>
    %add3A_1109 = arith.addi %add3A_1108, %iota3A : vector<16xi32>
    %mul3A_1110 = arith.constant 8 : i32
    %mul3A_1111 = vector.broadcast %mul3A_1110 : i32 to vector<16xi32>
    %mul3A_1112 = arith.muli %add3A_1109, %mul3A_1111 : vector<16xi32>
    tpu.vector_store_idx %arg21[%mul3A_1112], %sub3A_1088 : memref<2048xf32, #tpu.memory_space<vmem>>[vector<16xi32>], vector<16xf32>,
    %add3A_1113 = arith.constant 1 : i32
    %add3A_1114 = vector.broadcast %add3A_1113 : i32 to vector<16xi32>
    %add3A_1115 = arith.addi %mul3A_1112, %add3A_1114 : vector<16xi32>
    tpu.vector_store_idx %arg21[%add3A_1115], %sub3A_1097 : memref<2048xf32, #tpu.memory_space<vmem>>[vector<16xi32>], vector<16xf32>,
    %add3A_1116 = arith.constant 2 : i32
    %add3A_1117 = vector.broadcast %add3A_1116 : i32 to vector<16xi32>
    %add3A_1118 = arith.addi %mul3A_1112, %add3A_1117 : vector<16xi32>
    tpu.vector_store_idx %arg21[%add3A_1118], %sub3A_1106 : memref<2048xf32, #tpu.memory_space<vmem>>[vector<16xi32>], vector<16xf32>,
    %add3A_1119 = arith.constant 3 : i32
    %add3A_1120 = vector.broadcast %add3A_1119 : i32 to vector<16xi32>
    %add3A_1121 = arith.addi %mul3A_1112, %add3A_1120 : vector<16xi32>
    tpu.vector_store_idx %arg21[%add3A_1121], %select_n3A_1076 : memref<2048xf32, #tpu.memory_space<vmem>>[vector<16xi32>], vector<16xf32>,
    %add3A_1122 = arith.constant 4 : i32
    %add3A_1123 = vector.broadcast %add3A_1122 : i32 to vector<16xi32>
    %add3A_1124 = arith.addi %mul3A_1112, %add3A_1123 : vector<16xi32>
    tpu.vector_store_idx %arg21[%add3A_1124], %broadcast_in_dim3A_141 : memref<2048xf32, #tpu.memory_space<vmem>>[vector<16xi32>], vector<16xf32>,
    %add3A_1125 = arith.constant 5 : i32
    %add3A_1126 = vector.broadcast %add3A_1125 : i32 to vector<16xi32>
    %add3A_1127 = arith.addi %mul3A_1112, %add3A_1126 : vector<16xi32>
    tpu.vector_store_idx %arg21[%add3A_1127], %broadcast_in_dim3A_141 : memref<2048xf32, #tpu.memory_space<vmem>>[vector<16xi32>], vector<16xf32>,
    %add3A_1128 = arith.constant 6 : i32
    %add3A_1129 = vector.broadcast %add3A_1128 : i32 to vector<16xi32>
    %add3A_1130 = arith.addi %mul3A_1112, %add3A_1129 : vector<16xi32>
    tpu.vector_store_idx %arg21[%add3A_1130], %broadcast_in_dim3A_141 : memref<2048xf32, #tpu.memory_space<vmem>>[vector<16xi32>], vector<16xf32>,
    %add3A_1131 = arith.constant 7 : i32
    %add3A_1132 = vector.broadcast %add3A_1131 : i32 to vector<16xi32>
    %add3A_1133 = arith.addi %mul3A_1112, %add3A_1132 : vector<16xi32>
    tpu.vector_store_idx %arg21[%add3A_1133], %broadcast_in_dim3A_141 : memref<2048xf32, #tpu.memory_space<vmem>>[vector<16xi32>], vector<16xf32>,
    %get3A_1134 = arith.constant 192 : index
    %get3A_1135 = tpu.vector_load %arg10[%get3A_1134] {strides = array<i32>} : memref<256xi32, #tpu.memory_space<vmem>>, vector<16xi32>,
    %get3A_1136 = arith.constant 192 : index
    %get3A_1137 = tpu.vector_load %arg11[%get3A_1136] {strides = array<i32>} : memref<256xf32, #tpu.memory_space<vmem>>, vector<16xf32>,
    %gather3A_1138 = tpu.vector_load_idx %arg16[%get3A_1135] : memref<4096xf32, #tpu.memory_space<vmem>>[vector<16xi32>], vector<16xf32>,
    %eq3A_1139 = arith.cmpf oeq, %gather3A_1138, %get3A_1137 : vector<16xf32>
    %lt3A_1140 = arith.constant 0.00999999977 : f32
    %lt3A_1141 = vector.broadcast %lt3A_1140 : f32 to vector<16xf32>
    %lt3A_1142 = arith.cmpf olt, %get3A_1137, %lt3A_1141 : vector<16xf32>
    %get3A_1143 = arith.constant 192 : index
    %get3A_1144 = tpu.vector_load %arg13[%get3A_1143] {strides = array<i32>} : memref<256xf32, #tpu.memory_space<vmem>>, vector<16xf32>,
    %gt3A_1145 = arith.constant 5.000000e-01 : f32
    %gt3A_1146 = vector.broadcast %gt3A_1145 : f32 to vector<16xf32>
    %gt3A_1147 = arith.cmpf ogt, %get3A_1144, %gt3A_1146 : vector<16xf32>
    %gather3A_1148 = tpu.vector_load_idx %arg18[%get3A_1135] : memref<4096xf32, #tpu.memory_space<vmem>>[vector<16xi32>], vector<16xf32>,
    %gt3A_1149 = arith.constant 5.000000e-01 : f32
    %gt3A_1150 = vector.broadcast %gt3A_1149 : f32 to vector<16xf32>
    %gt3A_1151 = arith.cmpf ogt, %gather3A_1148, %gt3A_1150 : vector<16xf32>
    %and3A_1152 = arith.andi %eq3A_1139, %lt3A_1142 : vector<16xi1>
    %and3A_1153 = arith.andi %and3A_1152, %gt3A_1147 : vector<16xi1>
    %and3A_1154 = arith.andi %and3A_1153, %gt3A_1151 : vector<16xi1>
    %jit3A_1155 = arith.constant 1.000000e+00 : f32
    %jit3A_1156 = arith.constant 0.000000e+00 : f32
    %broadcast_in_dim3A_1157 = vector.broadcast %jit3A_1155 : f32 to vector<16xf32>
    %broadcast_in_dim3A_1158 = vector.broadcast %jit3A_1156 : f32 to vector<16xf32>
    %select_n3A_1159 = arith.select %and3A_1154, %broadcast_in_dim3A_1157, %broadcast_in_dim3A_1158 : vector<16xi1>, vector<16xf32>
    %mul3A_1160 = arith.constant 3 : i32
    %mul3A_1161 = vector.broadcast %mul3A_1160 : i32 to vector<16xi32>
    %mul3A_1162 = arith.muli %get3A_1135, %mul3A_1161 : vector<16xi32>
    %add3A_1163 = arith.constant 192 : i32
    %add3A_1164 = vector.broadcast %add3A_1163 : i32 to vector<16xi32>
    %add3A_1165 = arith.addi %add3A_1164, %iota3A : vector<16xi32>
    %mul3A_1166 = arith.constant 3 : i32
    %mul3A_1167 = vector.broadcast %mul3A_1166 : i32 to vector<16xi32>
    %mul3A_1168 = arith.muli %add3A_1165, %mul3A_1167 : vector<16xi32>
    %gather3A_1169 = tpu.vector_load_idx %arg17[%mul3A_1162] : memref<12288xf32, #tpu.memory_space<vmem>>[vector<16xi32>], vector<16xf32>,
    %gather3A_1170 = tpu.vector_load_idx %arg12[%mul3A_1168] : memref<768xf32, #tpu.memory_space<vmem>>[vector<16xi32>], vector<16xf32>,
    %sub3A_1171 = arith.subf %gather3A_1169, %gather3A_1170 : vector<16xf32>
    %add3A_1172 = arith.constant 1 : i32
    %add3A_1173 = vector.broadcast %add3A_1172 : i32 to vector<16xi32>
    %add3A_1174 = arith.addi %mul3A_1162, %add3A_1173 : vector<16xi32>
    %gather3A_1175 = tpu.vector_load_idx %arg17[%add3A_1174] : memref<12288xf32, #tpu.memory_space<vmem>>[vector<16xi32>], vector<16xf32>,
    %add3A_1176 = arith.constant 1 : i32
    %add3A_1177 = vector.broadcast %add3A_1176 : i32 to vector<16xi32>
    %add3A_1178 = arith.addi %mul3A_1168, %add3A_1177 : vector<16xi32>
    %gather3A_1179 = tpu.vector_load_idx %arg12[%add3A_1178] : memref<768xf32, #tpu.memory_space<vmem>>[vector<16xi32>], vector<16xf32>,
    %sub3A_1180 = arith.subf %gather3A_1175, %gather3A_1179 : vector<16xf32>
    %add3A_1181 = arith.constant 2 : i32
    %add3A_1182 = vector.broadcast %add3A_1181 : i32 to vector<16xi32>
    %add3A_1183 = arith.addi %mul3A_1162, %add3A_1182 : vector<16xi32>
    %gather3A_1184 = tpu.vector_load_idx %arg17[%add3A_1183] : memref<12288xf32, #tpu.memory_space<vmem>>[vector<16xi32>], vector<16xf32>,
    %add3A_1185 = arith.constant 2 : i32
    %add3A_1186 = vector.broadcast %add3A_1185 : i32 to vector<16xi32>
    %add3A_1187 = arith.addi %mul3A_1168, %add3A_1186 : vector<16xi32>
    %gather3A_1188 = tpu.vector_load_idx %arg12[%add3A_1187] : memref<768xf32, #tpu.memory_space<vmem>>[vector<16xi32>], vector<16xf32>,
    %sub3A_1189 = arith.subf %gather3A_1184, %gather3A_1188 : vector<16xf32>
    %add3A_1190 = arith.constant 192 : i32
    %add3A_1191 = vector.broadcast %add3A_1190 : i32 to vector<16xi32>
    %add3A_1192 = arith.addi %add3A_1191, %iota3A : vector<16xi32>
    %mul3A_1193 = arith.constant 8 : i32
    %mul3A_1194 = vector.broadcast %mul3A_1193 : i32 to vector<16xi32>
    %mul3A_1195 = arith.muli %add3A_1192, %mul3A_1194 : vector<16xi32>
    tpu.vector_store_idx %arg21[%mul3A_1195], %sub3A_1171 : memref<2048xf32, #tpu.memory_space<vmem>>[vector<16xi32>], vector<16xf32>,
    %add3A_1196 = arith.constant 1 : i32
    %add3A_1197 = vector.broadcast %add3A_1196 : i32 to vector<16xi32>
    %add3A_1198 = arith.addi %mul3A_1195, %add3A_1197 : vector<16xi32>
    tpu.vector_store_idx %arg21[%add3A_1198], %sub3A_1180 : memref<2048xf32, #tpu.memory_space<vmem>>[vector<16xi32>], vector<16xf32>,
    %add3A_1199 = arith.constant 2 : i32
    %add3A_1200 = vector.broadcast %add3A_1199 : i32 to vector<16xi32>
    %add3A_1201 = arith.addi %mul3A_1195, %add3A_1200 : vector<16xi32>
    tpu.vector_store_idx %arg21[%add3A_1201], %sub3A_1189 : memref<2048xf32, #tpu.memory_space<vmem>>[vector<16xi32>], vector<16xf32>,
    %add3A_1202 = arith.constant 3 : i32
    %add3A_1203 = vector.broadcast %add3A_1202 : i32 to vector<16xi32>
    %add3A_1204 = arith.addi %mul3A_1195, %add3A_1203 : vector<16xi32>
    tpu.vector_store_idx %arg21[%add3A_1204], %select_n3A_1159 : memref<2048xf32, #tpu.memory_space<vmem>>[vector<16xi32>], vector<16xf32>,
    %add3A_1205 = arith.constant 4 : i32
    %add3A_1206 = vector.broadcast %add3A_1205 : i32 to vector<16xi32>
    %add3A_1207 = arith.addi %mul3A_1195, %add3A_1206 : vector<16xi32>
    tpu.vector_store_idx %arg21[%add3A_1207], %broadcast_in_dim3A_141 : memref<2048xf32, #tpu.memory_space<vmem>>[vector<16xi32>], vector<16xf32>,
    %add3A_1208 = arith.constant 5 : i32
    %add3A_1209 = vector.broadcast %add3A_1208 : i32 to vector<16xi32>
    %add3A_1210 = arith.addi %mul3A_1195, %add3A_1209 : vector<16xi32>
    tpu.vector_store_idx %arg21[%add3A_1210], %broadcast_in_dim3A_141 : memref<2048xf32, #tpu.memory_space<vmem>>[vector<16xi32>], vector<16xf32>,
    %add3A_1211 = arith.constant 6 : i32
    %add3A_1212 = vector.broadcast %add3A_1211 : i32 to vector<16xi32>
    %add3A_1213 = arith.addi %mul3A_1195, %add3A_1212 : vector<16xi32>
    tpu.vector_store_idx %arg21[%add3A_1213], %broadcast_in_dim3A_141 : memref<2048xf32, #tpu.memory_space<vmem>>[vector<16xi32>], vector<16xf32>,
    %add3A_1214 = arith.constant 7 : i32
    %add3A_1215 = vector.broadcast %add3A_1214 : i32 to vector<16xi32>
    %add3A_1216 = arith.addi %mul3A_1195, %add3A_1215 : vector<16xi32>
    tpu.vector_store_idx %arg21[%add3A_1216], %broadcast_in_dim3A_141 : memref<2048xf32, #tpu.memory_space<vmem>>[vector<16xi32>], vector<16xf32>,
    %get3A_1217 = arith.constant 208 : index
    %get3A_1218 = tpu.vector_load %arg10[%get3A_1217] {strides = array<i32>} : memref<256xi32, #tpu.memory_space<vmem>>, vector<16xi32>,
    %get3A_1219 = arith.constant 208 : index
    %get3A_1220 = tpu.vector_load %arg11[%get3A_1219] {strides = array<i32>} : memref<256xf32, #tpu.memory_space<vmem>>, vector<16xf32>,
    %gather3A_1221 = tpu.vector_load_idx %arg16[%get3A_1218] : memref<4096xf32, #tpu.memory_space<vmem>>[vector<16xi32>], vector<16xf32>,
    %eq3A_1222 = arith.cmpf oeq, %gather3A_1221, %get3A_1220 : vector<16xf32>
    %lt3A_1223 = arith.constant 0.00999999977 : f32
    %lt3A_1224 = vector.broadcast %lt3A_1223 : f32 to vector<16xf32>
    %lt3A_1225 = arith.cmpf olt, %get3A_1220, %lt3A_1224 : vector<16xf32>
    %get3A_1226 = arith.constant 208 : index
    %get3A_1227 = tpu.vector_load %arg13[%get3A_1226] {strides = array<i32>} : memref<256xf32, #tpu.memory_space<vmem>>, vector<16xf32>,
    %gt3A_1228 = arith.constant 5.000000e-01 : f32
    %gt3A_1229 = vector.broadcast %gt3A_1228 : f32 to vector<16xf32>
    %gt3A_1230 = arith.cmpf ogt, %get3A_1227, %gt3A_1229 : vector<16xf32>
    %gather3A_1231 = tpu.vector_load_idx %arg18[%get3A_1218] : memref<4096xf32, #tpu.memory_space<vmem>>[vector<16xi32>], vector<16xf32>,
    %gt3A_1232 = arith.constant 5.000000e-01 : f32
    %gt3A_1233 = vector.broadcast %gt3A_1232 : f32 to vector<16xf32>
    %gt3A_1234 = arith.cmpf ogt, %gather3A_1231, %gt3A_1233 : vector<16xf32>
    %and3A_1235 = arith.andi %eq3A_1222, %lt3A_1225 : vector<16xi1>
    %and3A_1236 = arith.andi %and3A_1235, %gt3A_1230 : vector<16xi1>
    %and3A_1237 = arith.andi %and3A_1236, %gt3A_1234 : vector<16xi1>
    %jit3A_1238 = arith.constant 1.000000e+00 : f32
    %jit3A_1239 = arith.constant 0.000000e+00 : f32
    %broadcast_in_dim3A_1240 = vector.broadcast %jit3A_1238 : f32 to vector<16xf32>
    %broadcast_in_dim3A_1241 = vector.broadcast %jit3A_1239 : f32 to vector<16xf32>
    %select_n3A_1242 = arith.select %and3A_1237, %broadcast_in_dim3A_1240, %broadcast_in_dim3A_1241 : vector<16xi1>, vector<16xf32>
    %mul3A_1243 = arith.constant 3 : i32
    %mul3A_1244 = vector.broadcast %mul3A_1243 : i32 to vector<16xi32>
    %mul3A_1245 = arith.muli %get3A_1218, %mul3A_1244 : vector<16xi32>
    %add3A_1246 = arith.constant 208 : i32
    %add3A_1247 = vector.broadcast %add3A_1246 : i32 to vector<16xi32>
    %add3A_1248 = arith.addi %add3A_1247, %iota3A : vector<16xi32>
    %mul3A_1249 = arith.constant 3 : i32
    %mul3A_1250 = vector.broadcast %mul3A_1249 : i32 to vector<16xi32>
    %mul3A_1251 = arith.muli %add3A_1248, %mul3A_1250 : vector<16xi32>
    %gather3A_1252 = tpu.vector_load_idx %arg17[%mul3A_1245] : memref<12288xf32, #tpu.memory_space<vmem>>[vector<16xi32>], vector<16xf32>,
    %gather3A_1253 = tpu.vector_load_idx %arg12[%mul3A_1251] : memref<768xf32, #tpu.memory_space<vmem>>[vector<16xi32>], vector<16xf32>,
    %sub3A_1254 = arith.subf %gather3A_1252, %gather3A_1253 : vector<16xf32>
    %add3A_1255 = arith.constant 1 : i32
    %add3A_1256 = vector.broadcast %add3A_1255 : i32 to vector<16xi32>
    %add3A_1257 = arith.addi %mul3A_1245, %add3A_1256 : vector<16xi32>
    %gather3A_1258 = tpu.vector_load_idx %arg17[%add3A_1257] : memref<12288xf32, #tpu.memory_space<vmem>>[vector<16xi32>], vector<16xf32>,
    %add3A_1259 = arith.constant 1 : i32
    %add3A_1260 = vector.broadcast %add3A_1259 : i32 to vector<16xi32>
    %add3A_1261 = arith.addi %mul3A_1251, %add3A_1260 : vector<16xi32>
    %gather3A_1262 = tpu.vector_load_idx %arg12[%add3A_1261] : memref<768xf32, #tpu.memory_space<vmem>>[vector<16xi32>], vector<16xf32>,
    %sub3A_1263 = arith.subf %gather3A_1258, %gather3A_1262 : vector<16xf32>
    %add3A_1264 = arith.constant 2 : i32
    %add3A_1265 = vector.broadcast %add3A_1264 : i32 to vector<16xi32>
    %add3A_1266 = arith.addi %mul3A_1245, %add3A_1265 : vector<16xi32>
    %gather3A_1267 = tpu.vector_load_idx %arg17[%add3A_1266] : memref<12288xf32, #tpu.memory_space<vmem>>[vector<16xi32>], vector<16xf32>,
    %add3A_1268 = arith.constant 2 : i32
    %add3A_1269 = vector.broadcast %add3A_1268 : i32 to vector<16xi32>
    %add3A_1270 = arith.addi %mul3A_1251, %add3A_1269 : vector<16xi32>
    %gather3A_1271 = tpu.vector_load_idx %arg12[%add3A_1270] : memref<768xf32, #tpu.memory_space<vmem>>[vector<16xi32>], vector<16xf32>,
    %sub3A_1272 = arith.subf %gather3A_1267, %gather3A_1271 : vector<16xf32>
    %add3A_1273 = arith.constant 208 : i32
    %add3A_1274 = vector.broadcast %add3A_1273 : i32 to vector<16xi32>
    %add3A_1275 = arith.addi %add3A_1274, %iota3A : vector<16xi32>
    %mul3A_1276 = arith.constant 8 : i32
    %mul3A_1277 = vector.broadcast %mul3A_1276 : i32 to vector<16xi32>
    %mul3A_1278 = arith.muli %add3A_1275, %mul3A_1277 : vector<16xi32>
    tpu.vector_store_idx %arg21[%mul3A_1278], %sub3A_1254 : memref<2048xf32, #tpu.memory_space<vmem>>[vector<16xi32>], vector<16xf32>,
    %add3A_1279 = arith.constant 1 : i32
    %add3A_1280 = vector.broadcast %add3A_1279 : i32 to vector<16xi32>
    %add3A_1281 = arith.addi %mul3A_1278, %add3A_1280 : vector<16xi32>
    tpu.vector_store_idx %arg21[%add3A_1281], %sub3A_1263 : memref<2048xf32, #tpu.memory_space<vmem>>[vector<16xi32>], vector<16xf32>,
    %add3A_1282 = arith.constant 2 : i32
    %add3A_1283 = vector.broadcast %add3A_1282 : i32 to vector<16xi32>
    %add3A_1284 = arith.addi %mul3A_1278, %add3A_1283 : vector<16xi32>
    tpu.vector_store_idx %arg21[%add3A_1284], %sub3A_1272 : memref<2048xf32, #tpu.memory_space<vmem>>[vector<16xi32>], vector<16xf32>,
    %add3A_1285 = arith.constant 3 : i32
    %add3A_1286 = vector.broadcast %add3A_1285 : i32 to vector<16xi32>
    %add3A_1287 = arith.addi %mul3A_1278, %add3A_1286 : vector<16xi32>
    tpu.vector_store_idx %arg21[%add3A_1287], %select_n3A_1242 : memref<2048xf32, #tpu.memory_space<vmem>>[vector<16xi32>], vector<16xf32>,
    %add3A_1288 = arith.constant 4 : i32
    %add3A_1289 = vector.broadcast %add3A_1288 : i32 to vector<16xi32>
    %add3A_1290 = arith.addi %mul3A_1278, %add3A_1289 : vector<16xi32>
    tpu.vector_store_idx %arg21[%add3A_1290], %broadcast_in_dim3A_141 : memref<2048xf32, #tpu.memory_space<vmem>>[vector<16xi32>], vector<16xf32>,
    %add3A_1291 = arith.constant 5 : i32
    %add3A_1292 = vector.broadcast %add3A_1291 : i32 to vector<16xi32>
    %add3A_1293 = arith.addi %mul3A_1278, %add3A_1292 : vector<16xi32>
    tpu.vector_store_idx %arg21[%add3A_1293], %broadcast_in_dim3A_141 : memref<2048xf32, #tpu.memory_space<vmem>>[vector<16xi32>], vector<16xf32>,
    %add3A_1294 = arith.constant 6 : i32
    %add3A_1295 = vector.broadcast %add3A_1294 : i32 to vector<16xi32>
    %add3A_1296 = arith.addi %mul3A_1278, %add3A_1295 : vector<16xi32>
    tpu.vector_store_idx %arg21[%add3A_1296], %broadcast_in_dim3A_141 : memref<2048xf32, #tpu.memory_space<vmem>>[vector<16xi32>], vector<16xf32>,
    %add3A_1297 = arith.constant 7 : i32
    %add3A_1298 = vector.broadcast %add3A_1297 : i32 to vector<16xi32>
    %add3A_1299 = arith.addi %mul3A_1278, %add3A_1298 : vector<16xi32>
    tpu.vector_store_idx %arg21[%add3A_1299], %broadcast_in_dim3A_141 : memref<2048xf32, #tpu.memory_space<vmem>>[vector<16xi32>], vector<16xf32>,
    %get3A_1300 = arith.constant 224 : index
    %get3A_1301 = tpu.vector_load %arg10[%get3A_1300] {strides = array<i32>} : memref<256xi32, #tpu.memory_space<vmem>>, vector<16xi32>,
    %get3A_1302 = arith.constant 224 : index
    %get3A_1303 = tpu.vector_load %arg11[%get3A_1302] {strides = array<i32>} : memref<256xf32, #tpu.memory_space<vmem>>, vector<16xf32>,
    %gather3A_1304 = tpu.vector_load_idx %arg16[%get3A_1301] : memref<4096xf32, #tpu.memory_space<vmem>>[vector<16xi32>], vector<16xf32>,
    %eq3A_1305 = arith.cmpf oeq, %gather3A_1304, %get3A_1303 : vector<16xf32>
    %lt3A_1306 = arith.constant 0.00999999977 : f32
    %lt3A_1307 = vector.broadcast %lt3A_1306 : f32 to vector<16xf32>
    %lt3A_1308 = arith.cmpf olt, %get3A_1303, %lt3A_1307 : vector<16xf32>
    %get3A_1309 = arith.constant 224 : index
    %get3A_1310 = tpu.vector_load %arg13[%get3A_1309] {strides = array<i32>} : memref<256xf32, #tpu.memory_space<vmem>>, vector<16xf32>,
    %gt3A_1311 = arith.constant 5.000000e-01 : f32
    %gt3A_1312 = vector.broadcast %gt3A_1311 : f32 to vector<16xf32>
    %gt3A_1313 = arith.cmpf ogt, %get3A_1310, %gt3A_1312 : vector<16xf32>
    %gather3A_1314 = tpu.vector_load_idx %arg18[%get3A_1301] : memref<4096xf32, #tpu.memory_space<vmem>>[vector<16xi32>], vector<16xf32>,
    %gt3A_1315 = arith.constant 5.000000e-01 : f32
    %gt3A_1316 = vector.broadcast %gt3A_1315 : f32 to vector<16xf32>
    %gt3A_1317 = arith.cmpf ogt, %gather3A_1314, %gt3A_1316 : vector<16xf32>
    %and3A_1318 = arith.andi %eq3A_1305, %lt3A_1308 : vector<16xi1>
    %and3A_1319 = arith.andi %and3A_1318, %gt3A_1313 : vector<16xi1>
    %and3A_1320 = arith.andi %and3A_1319, %gt3A_1317 : vector<16xi1>
    %jit3A_1321 = arith.constant 1.000000e+00 : f32
    %jit3A_1322 = arith.constant 0.000000e+00 : f32
    %broadcast_in_dim3A_1323 = vector.broadcast %jit3A_1321 : f32 to vector<16xf32>
    %broadcast_in_dim3A_1324 = vector.broadcast %jit3A_1322 : f32 to vector<16xf32>
    %select_n3A_1325 = arith.select %and3A_1320, %broadcast_in_dim3A_1323, %broadcast_in_dim3A_1324 : vector<16xi1>, vector<16xf32>
    %mul3A_1326 = arith.constant 3 : i32
    %mul3A_1327 = vector.broadcast %mul3A_1326 : i32 to vector<16xi32>
    %mul3A_1328 = arith.muli %get3A_1301, %mul3A_1327 : vector<16xi32>
    %add3A_1329 = arith.constant 224 : i32
    %add3A_1330 = vector.broadcast %add3A_1329 : i32 to vector<16xi32>
    %add3A_1331 = arith.addi %add3A_1330, %iota3A : vector<16xi32>
    %mul3A_1332 = arith.constant 3 : i32
    %mul3A_1333 = vector.broadcast %mul3A_1332 : i32 to vector<16xi32>
    %mul3A_1334 = arith.muli %add3A_1331, %mul3A_1333 : vector<16xi32>
    %gather3A_1335 = tpu.vector_load_idx %arg17[%mul3A_1328] : memref<12288xf32, #tpu.memory_space<vmem>>[vector<16xi32>], vector<16xf32>,
    %gather3A_1336 = tpu.vector_load_idx %arg12[%mul3A_1334] : memref<768xf32, #tpu.memory_space<vmem>>[vector<16xi32>], vector<16xf32>,
    %sub3A_1337 = arith.subf %gather3A_1335, %gather3A_1336 : vector<16xf32>
    %add3A_1338 = arith.constant 1 : i32
    %add3A_1339 = vector.broadcast %add3A_1338 : i32 to vector<16xi32>
    %add3A_1340 = arith.addi %mul3A_1328, %add3A_1339 : vector<16xi32>
    %gather3A_1341 = tpu.vector_load_idx %arg17[%add3A_1340] : memref<12288xf32, #tpu.memory_space<vmem>>[vector<16xi32>], vector<16xf32>,
    %add3A_1342 = arith.constant 1 : i32
    %add3A_1343 = vector.broadcast %add3A_1342 : i32 to vector<16xi32>
    %add3A_1344 = arith.addi %mul3A_1334, %add3A_1343 : vector<16xi32>
    %gather3A_1345 = tpu.vector_load_idx %arg12[%add3A_1344] : memref<768xf32, #tpu.memory_space<vmem>>[vector<16xi32>], vector<16xf32>,
    %sub3A_1346 = arith.subf %gather3A_1341, %gather3A_1345 : vector<16xf32>
    %add3A_1347 = arith.constant 2 : i32
    %add3A_1348 = vector.broadcast %add3A_1347 : i32 to vector<16xi32>
    %add3A_1349 = arith.addi %mul3A_1328, %add3A_1348 : vector<16xi32>
    %gather3A_1350 = tpu.vector_load_idx %arg17[%add3A_1349] : memref<12288xf32, #tpu.memory_space<vmem>>[vector<16xi32>], vector<16xf32>,
    %add3A_1351 = arith.constant 2 : i32
    %add3A_1352 = vector.broadcast %add3A_1351 : i32 to vector<16xi32>
    %add3A_1353 = arith.addi %mul3A_1334, %add3A_1352 : vector<16xi32>
    %gather3A_1354 = tpu.vector_load_idx %arg12[%add3A_1353] : memref<768xf32, #tpu.memory_space<vmem>>[vector<16xi32>], vector<16xf32>,
    %sub3A_1355 = arith.subf %gather3A_1350, %gather3A_1354 : vector<16xf32>
    %add3A_1356 = arith.constant 224 : i32
    %add3A_1357 = vector.broadcast %add3A_1356 : i32 to vector<16xi32>
    %add3A_1358 = arith.addi %add3A_1357, %iota3A : vector<16xi32>
    %mul3A_1359 = arith.constant 8 : i32
    %mul3A_1360 = vector.broadcast %mul3A_1359 : i32 to vector<16xi32>
    %mul3A_1361 = arith.muli %add3A_1358, %mul3A_1360 : vector<16xi32>
    tpu.vector_store_idx %arg21[%mul3A_1361], %sub3A_1337 : memref<2048xf32, #tpu.memory_space<vmem>>[vector<16xi32>], vector<16xf32>,
    %add3A_1362 = arith.constant 1 : i32
    %add3A_1363 = vector.broadcast %add3A_1362 : i32 to vector<16xi32>
    %add3A_1364 = arith.addi %mul3A_1361, %add3A_1363 : vector<16xi32>
    tpu.vector_store_idx %arg21[%add3A_1364], %sub3A_1346 : memref<2048xf32, #tpu.memory_space<vmem>>[vector<16xi32>], vector<16xf32>,
    %add3A_1365 = arith.constant 2 : i32
    %add3A_1366 = vector.broadcast %add3A_1365 : i32 to vector<16xi32>
    %add3A_1367 = arith.addi %mul3A_1361, %add3A_1366 : vector<16xi32>
    tpu.vector_store_idx %arg21[%add3A_1367], %sub3A_1355 : memref<2048xf32, #tpu.memory_space<vmem>>[vector<16xi32>], vector<16xf32>,
    %add3A_1368 = arith.constant 3 : i32
    %add3A_1369 = vector.broadcast %add3A_1368 : i32 to vector<16xi32>
    %add3A_1370 = arith.addi %mul3A_1361, %add3A_1369 : vector<16xi32>
    tpu.vector_store_idx %arg21[%add3A_1370], %select_n3A_1325 : memref<2048xf32, #tpu.memory_space<vmem>>[vector<16xi32>], vector<16xf32>,
    %add3A_1371 = arith.constant 4 : i32
    %add3A_1372 = vector.broadcast %add3A_1371 : i32 to vector<16xi32>
    %add3A_1373 = arith.addi %mul3A_1361, %add3A_1372 : vector<16xi32>
    tpu.vector_store_idx %arg21[%add3A_1373], %broadcast_in_dim3A_141 : memref<2048xf32, #tpu.memory_space<vmem>>[vector<16xi32>], vector<16xf32>,
    %add3A_1374 = arith.constant 5 : i32
    %add3A_1375 = vector.broadcast %add3A_1374 : i32 to vector<16xi32>
    %add3A_1376 = arith.addi %mul3A_1361, %add3A_1375 : vector<16xi32>
    tpu.vector_store_idx %arg21[%add3A_1376], %broadcast_in_dim3A_141 : memref<2048xf32, #tpu.memory_space<vmem>>[vector<16xi32>], vector<16xf32>,
    %add3A_1377 = arith.constant 6 : i32
    %add3A_1378 = vector.broadcast %add3A_1377 : i32 to vector<16xi32>
    %add3A_1379 = arith.addi %mul3A_1361, %add3A_1378 : vector<16xi32>
    tpu.vector_store_idx %arg21[%add3A_1379], %broadcast_in_dim3A_141 : memref<2048xf32, #tpu.memory_space<vmem>>[vector<16xi32>], vector<16xf32>,
    %add3A_1380 = arith.constant 7 : i32
    %add3A_1381 = vector.broadcast %add3A_1380 : i32 to vector<16xi32>
    %add3A_1382 = arith.addi %mul3A_1361, %add3A_1381 : vector<16xi32>
    tpu.vector_store_idx %arg21[%add3A_1382], %broadcast_in_dim3A_141 : memref<2048xf32, #tpu.memory_space<vmem>>[vector<16xi32>], vector<16xf32>,
    %get3A_1383 = arith.constant 240 : index
    %get3A_1384 = tpu.vector_load %arg10[%get3A_1383] {strides = array<i32>} : memref<256xi32, #tpu.memory_space<vmem>>, vector<16xi32>,
    %get3A_1385 = arith.constant 240 : index
    %get3A_1386 = tpu.vector_load %arg11[%get3A_1385] {strides = array<i32>} : memref<256xf32, #tpu.memory_space<vmem>>, vector<16xf32>,
    %gather3A_1387 = tpu.vector_load_idx %arg16[%get3A_1384] : memref<4096xf32, #tpu.memory_space<vmem>>[vector<16xi32>], vector<16xf32>,
    %eq3A_1388 = arith.cmpf oeq, %gather3A_1387, %get3A_1386 : vector<16xf32>
    %lt3A_1389 = arith.constant 0.00999999977 : f32
    %lt3A_1390 = vector.broadcast %lt3A_1389 : f32 to vector<16xf32>
    %lt3A_1391 = arith.cmpf olt, %get3A_1386, %lt3A_1390 : vector<16xf32>
    %get3A_1392 = arith.constant 240 : index
    %get3A_1393 = tpu.vector_load %arg13[%get3A_1392] {strides = array<i32>} : memref<256xf32, #tpu.memory_space<vmem>>, vector<16xf32>,
    %gt3A_1394 = arith.constant 5.000000e-01 : f32
    %gt3A_1395 = vector.broadcast %gt3A_1394 : f32 to vector<16xf32>
    %gt3A_1396 = arith.cmpf ogt, %get3A_1393, %gt3A_1395 : vector<16xf32>
    %gather3A_1397 = tpu.vector_load_idx %arg18[%get3A_1384] : memref<4096xf32, #tpu.memory_space<vmem>>[vector<16xi32>], vector<16xf32>,
    %gt3A_1398 = arith.constant 5.000000e-01 : f32
    %gt3A_1399 = vector.broadcast %gt3A_1398 : f32 to vector<16xf32>
    %gt3A_1400 = arith.cmpf ogt, %gather3A_1397, %gt3A_1399 : vector<16xf32>
    %and3A_1401 = arith.andi %eq3A_1388, %lt3A_1391 : vector<16xi1>
    %and3A_1402 = arith.andi %and3A_1401, %gt3A_1396 : vector<16xi1>
    %and3A_1403 = arith.andi %and3A_1402, %gt3A_1400 : vector<16xi1>
    %jit3A_1404 = arith.constant 1.000000e+00 : f32
    %jit3A_1405 = arith.constant 0.000000e+00 : f32
    %broadcast_in_dim3A_1406 = vector.broadcast %jit3A_1404 : f32 to vector<16xf32>
    %broadcast_in_dim3A_1407 = vector.broadcast %jit3A_1405 : f32 to vector<16xf32>
    %select_n3A_1408 = arith.select %and3A_1403, %broadcast_in_dim3A_1406, %broadcast_in_dim3A_1407 : vector<16xi1>, vector<16xf32>
    %mul3A_1409 = arith.constant 3 : i32
    %mul3A_1410 = vector.broadcast %mul3A_1409 : i32 to vector<16xi32>
    %mul3A_1411 = arith.muli %get3A_1384, %mul3A_1410 : vector<16xi32>
    %add3A_1412 = arith.constant 240 : i32
    %add3A_1413 = vector.broadcast %add3A_1412 : i32 to vector<16xi32>
    %add3A_1414 = arith.addi %add3A_1413, %iota3A : vector<16xi32>
    %mul3A_1415 = arith.constant 3 : i32
    %mul3A_1416 = vector.broadcast %mul3A_1415 : i32 to vector<16xi32>
    %mul3A_1417 = arith.muli %add3A_1414, %mul3A_1416 : vector<16xi32>
    %gather3A_1418 = tpu.vector_load_idx %arg17[%mul3A_1411] : memref<12288xf32, #tpu.memory_space<vmem>>[vector<16xi32>], vector<16xf32>,
    %gather3A_1419 = tpu.vector_load_idx %arg12[%mul3A_1417] : memref<768xf32, #tpu.memory_space<vmem>>[vector<16xi32>], vector<16xf32>,
    %sub3A_1420 = arith.subf %gather3A_1418, %gather3A_1419 : vector<16xf32>
    %add3A_1421 = arith.constant 1 : i32
    %add3A_1422 = vector.broadcast %add3A_1421 : i32 to vector<16xi32>
    %add3A_1423 = arith.addi %mul3A_1411, %add3A_1422 : vector<16xi32>
    %gather3A_1424 = tpu.vector_load_idx %arg17[%add3A_1423] : memref<12288xf32, #tpu.memory_space<vmem>>[vector<16xi32>], vector<16xf32>,
    %add3A_1425 = arith.constant 1 : i32
    %add3A_1426 = vector.broadcast %add3A_1425 : i32 to vector<16xi32>
    %add3A_1427 = arith.addi %mul3A_1417, %add3A_1426 : vector<16xi32>
    %gather3A_1428 = tpu.vector_load_idx %arg12[%add3A_1427] : memref<768xf32, #tpu.memory_space<vmem>>[vector<16xi32>], vector<16xf32>,
    %sub3A_1429 = arith.subf %gather3A_1424, %gather3A_1428 : vector<16xf32>
    %add3A_1430 = arith.constant 2 : i32
    %add3A_1431 = vector.broadcast %add3A_1430 : i32 to vector<16xi32>
    %add3A_1432 = arith.addi %mul3A_1411, %add3A_1431 : vector<16xi32>
    %gather3A_1433 = tpu.vector_load_idx %arg17[%add3A_1432] : memref<12288xf32, #tpu.memory_space<vmem>>[vector<16xi32>], vector<16xf32>,
    %add3A_1434 = arith.constant 2 : i32
    %add3A_1435 = vector.broadcast %add3A_1434 : i32 to vector<16xi32>
    %add3A_1436 = arith.addi %mul3A_1417, %add3A_1435 : vector<16xi32>
    %gather3A_1437 = tpu.vector_load_idx %arg12[%add3A_1436] : memref<768xf32, #tpu.memory_space<vmem>>[vector<16xi32>], vector<16xf32>,
    %sub3A_1438 = arith.subf %gather3A_1433, %gather3A_1437 : vector<16xf32>
    %add3A_1439 = arith.constant 240 : i32
    %add3A_1440 = vector.broadcast %add3A_1439 : i32 to vector<16xi32>
    %add3A_1441 = arith.addi %add3A_1440, %iota3A : vector<16xi32>
    %mul3A_1442 = arith.constant 8 : i32
    %mul3A_1443 = vector.broadcast %mul3A_1442 : i32 to vector<16xi32>
    %mul3A_1444 = arith.muli %add3A_1441, %mul3A_1443 : vector<16xi32>
    tpu.vector_store_idx %arg21[%mul3A_1444], %sub3A_1420 : memref<2048xf32, #tpu.memory_space<vmem>>[vector<16xi32>], vector<16xf32>,
    %add3A_1445 = arith.constant 1 : i32
    %add3A_1446 = vector.broadcast %add3A_1445 : i32 to vector<16xi32>
    %add3A_1447 = arith.addi %mul3A_1444, %add3A_1446 : vector<16xi32>
    tpu.vector_store_idx %arg21[%add3A_1447], %sub3A_1429 : memref<2048xf32, #tpu.memory_space<vmem>>[vector<16xi32>], vector<16xf32>,
    %add3A_1448 = arith.constant 2 : i32
    %add3A_1449 = vector.broadcast %add3A_1448 : i32 to vector<16xi32>
    %add3A_1450 = arith.addi %mul3A_1444, %add3A_1449 : vector<16xi32>
    tpu.vector_store_idx %arg21[%add3A_1450], %sub3A_1438 : memref<2048xf32, #tpu.memory_space<vmem>>[vector<16xi32>], vector<16xf32>,
    %add3A_1451 = arith.constant 3 : i32
    %add3A_1452 = vector.broadcast %add3A_1451 : i32 to vector<16xi32>
    %add3A_1453 = arith.addi %mul3A_1444, %add3A_1452 : vector<16xi32>
    tpu.vector_store_idx %arg21[%add3A_1453], %select_n3A_1408 : memref<2048xf32, #tpu.memory_space<vmem>>[vector<16xi32>], vector<16xf32>,
    %add3A_1454 = arith.constant 4 : i32
    %add3A_1455 = vector.broadcast %add3A_1454 : i32 to vector<16xi32>
    %add3A_1456 = arith.addi %mul3A_1444, %add3A_1455 : vector<16xi32>
    tpu.vector_store_idx %arg21[%add3A_1456], %broadcast_in_dim3A_141 : memref<2048xf32, #tpu.memory_space<vmem>>[vector<16xi32>], vector<16xf32>,
    %add3A_1457 = arith.constant 5 : i32
    %add3A_1458 = vector.broadcast %add3A_1457 : i32 to vector<16xi32>
    %add3A_1459 = arith.addi %mul3A_1444, %add3A_1458 : vector<16xi32>
    tpu.vector_store_idx %arg21[%add3A_1459], %broadcast_in_dim3A_141 : memref<2048xf32, #tpu.memory_space<vmem>>[vector<16xi32>], vector<16xf32>,
    %add3A_1460 = arith.constant 6 : i32
    %add3A_1461 = vector.broadcast %add3A_1460 : i32 to vector<16xi32>
    %add3A_1462 = arith.addi %mul3A_1444, %add3A_1461 : vector<16xi32>
    tpu.vector_store_idx %arg21[%add3A_1462], %broadcast_in_dim3A_141 : memref<2048xf32, #tpu.memory_space<vmem>>[vector<16xi32>], vector<16xf32>,
    %add3A_1463 = arith.constant 7 : i32
    %add3A_1464 = vector.broadcast %add3A_1463 : i32 to vector<16xi32>
    %add3A_1465 = arith.addi %mul3A_1444, %add3A_1464 : vector<16xi32>
    tpu.vector_store_idx %arg21[%add3A_1465], %broadcast_in_dim3A_141 : memref<2048xf32, #tpu.memory_space<vmem>>[vector<16xi32>], vector<16xf32>,
    %dma_wait3A = arith.constant 0 : i32
    %dma_wait3A_1466 = arith.constant 0 : i32
    %dma_wait3A_1467 = tpu.memref_slice %arg7[%dma_wait3A, %dma_wait3A_1466] : memref<16384x256xf32, #tpu.memory_space<hbm>> -> memref<16384x256xf32, #tpu.memory_space<hbm>>
    tpu.wait_indirect_dma semaphore(%arg22 : memref<!tpu.dma_semaphore, #tpu.memory_space<semaphore_mem>>) src(%dma_wait3A_1467 : memref<16384x256xf32, #tpu.memory_space<hbm>>) dst(%arg19 : memref<128x256xf32, #tpu.memory_space<vmem>>)
    %dma_wait3A_1468 = arith.constant 0 : i32
    %dma_wait3A_1469 = arith.constant 0 : i32
    %dma_wait3A_1470 = tpu.memref_slice %arg7[%dma_wait3A_1468, %dma_wait3A_1469] : memref<16384x256xf32, #tpu.memory_space<hbm>> -> memref<16384x256xf32, #tpu.memory_space<hbm>>
    tpu.wait_indirect_dma semaphore(%arg22 : memref<!tpu.dma_semaphore, #tpu.memory_space<semaphore_mem>>) src(%dma_wait3A_1470 : memref<16384x256xf32, #tpu.memory_space<hbm>>) dst(%arg20 : memref<128x256xf32, #tpu.memory_space<vmem>>)
    "tpu.region"() ({
      %run_scoped3A = tpu.sem_alloc : memref<!tpu.dma_semaphore, #tpu.memory_space<semaphore_mem>>
      %dma_start3A_1475 = arith.constant 0 : i32
      %dma_start3A_1476 = tpu.memref_slice %arg8[%mul3A_2, %dma_start3A_1475] : memref<8192x256xf32, #tpu.memory_space<hbm>> -> memref<128x256xf32, #tpu.memory_space<hbm>>
      %dma_start3A_1477 = arith.constant 0 : i32
      %dma_start3A_1478 = tpu.memref_slice %arg8[%mul3A_2, %dma_start3A_1477] : memref<8192x256xf32, #tpu.memory_space<hbm>> -> memref<128x256xf32, #tpu.memory_space<hbm>>
      tpu.enqueue_dma source(%arg19 : memref<128x256xf32, #tpu.memory_space<vmem>>) target(%dma_start3A_1478 : memref<128x256xf32, #tpu.memory_space<hbm>>) target_semaphore(%run_scoped3A : memref<!tpu.dma_semaphore, #tpu.memory_space<semaphore_mem>>)
      %dma_wait3A_1479 = arith.constant 0 : i32
      %dma_wait3A_1480 = tpu.memref_slice %arg8[%mul3A_2, %dma_wait3A_1479] : memref<8192x256xf32, #tpu.memory_space<hbm>> -> memref<128x256xf32, #tpu.memory_space<hbm>>
      %dma_wait3A_1481 = arith.constant 0 : i32
      %dma_wait3A_1482 = tpu.memref_slice %arg8[%mul3A_2, %dma_wait3A_1481] : memref<8192x256xf32, #tpu.memory_space<hbm>> -> memref<128x256xf32, #tpu.memory_space<hbm>>
      tpu.wait_dma2 semaphore(%run_scoped3A : memref<!tpu.dma_semaphore, #tpu.memory_space<semaphore_mem>>) src(%arg19 : memref<128x256xf32, #tpu.memory_space<vmem>>) dst(%dma_wait3A_1482 : memref<128x256xf32, #tpu.memory_space<hbm>>)
      tpu.yield
    }) : () -> ()
    %add3A_1471 = arith.constant 128 : i32
    %add3A_1472 = arith.addi %mul3A_2, %add3A_1471 : i32
    "tpu.region"() ({
      %run_scoped3A = tpu.sem_alloc : memref<!tpu.dma_semaphore, #tpu.memory_space<semaphore_mem>>
      %dma_start3A_1475 = arith.constant 0 : i32
      %dma_start3A_1476 = tpu.memref_slice %arg8[%add3A_1472, %dma_start3A_1475] : memref<8192x256xf32, #tpu.memory_space<hbm>> -> memref<128x256xf32, #tpu.memory_space<hbm>>
      %dma_start3A_1477 = arith.constant 0 : i32
      %dma_start3A_1478 = tpu.memref_slice %arg8[%add3A_1472, %dma_start3A_1477] : memref<8192x256xf32, #tpu.memory_space<hbm>> -> memref<128x256xf32, #tpu.memory_space<hbm>>
      tpu.enqueue_dma source(%arg20 : memref<128x256xf32, #tpu.memory_space<vmem>>) target(%dma_start3A_1478 : memref<128x256xf32, #tpu.memory_space<hbm>>) target_semaphore(%run_scoped3A : memref<!tpu.dma_semaphore, #tpu.memory_space<semaphore_mem>>)
      %dma_wait3A_1479 = arith.constant 0 : i32
      %dma_wait3A_1480 = tpu.memref_slice %arg8[%add3A_1472, %dma_wait3A_1479] : memref<8192x256xf32, #tpu.memory_space<hbm>> -> memref<128x256xf32, #tpu.memory_space<hbm>>
      %dma_wait3A_1481 = arith.constant 0 : i32
      %dma_wait3A_1482 = tpu.memref_slice %arg8[%add3A_1472, %dma_wait3A_1481] : memref<8192x256xf32, #tpu.memory_space<hbm>> -> memref<128x256xf32, #tpu.memory_space<hbm>>
      tpu.wait_dma2 semaphore(%run_scoped3A : memref<!tpu.dma_semaphore, #tpu.memory_space<semaphore_mem>>) src(%arg20 : memref<128x256xf32, #tpu.memory_space<vmem>>) dst(%dma_wait3A_1482 : memref<128x256xf32, #tpu.memory_space<hbm>>)
      tpu.yield
    }) : () -> ()
    %mul3A_1473 = arith.constant 8 : i32
    %mul3A_1474 = arith.muli %mul3A_2, %mul3A_1473 : i32
    "tpu.region"() ({
      %run_scoped3A = tpu.sem_alloc : memref<!tpu.dma_semaphore, #tpu.memory_space<semaphore_mem>>
      %dma_start3A_1475 = tpu.memref_slice %arg9[%mul3A_1474] : memref<65536xf32, #tpu.memory_space<hbm>> -> memref<2048xf32, #tpu.memory_space<hbm>>
      %dma_start3A_1476 = tpu.memref_slice %arg9[%mul3A_1474] : memref<65536xf32, #tpu.memory_space<hbm>> -> memref<2048xf32, #tpu.memory_space<hbm>>
      tpu.enqueue_dma source(%arg21 : memref<2048xf32, #tpu.memory_space<vmem>>) target(%dma_start3A_1476 : memref<2048xf32, #tpu.memory_space<hbm>>) target_semaphore(%run_scoped3A : memref<!tpu.dma_semaphore, #tpu.memory_space<semaphore_mem>>)
      %dma_wait3A_1477 = tpu.memref_slice %arg9[%mul3A_1474] : memref<65536xf32, #tpu.memory_space<hbm>> -> memref<2048xf32, #tpu.memory_space<hbm>>
      %dma_wait3A_1478 = tpu.memref_slice %arg9[%mul3A_1474] : memref<65536xf32, #tpu.memory_space<hbm>> -> memref<2048xf32, #tpu.memory_space<hbm>>
      tpu.wait_dma2 semaphore(%run_scoped3A : memref<!tpu.dma_semaphore, #tpu.memory_space<semaphore_mem>>) src(%arg21 : memref<2048xf32, #tpu.memory_space<vmem>>) dst(%dma_wait3A_1478 : memref<2048xf32, #tpu.memory_space<hbm>>)
      tpu.yield
    }) : () -> ()
    return
  }
}

module attributes {stable_mosaic.version = 14 : i64} {
  func.func @_nn_body(%arg0: i32, %arg1: i32, %arg2: memref<1x1024x3xf32, #tpu.memory_space<vmem>>, %arg3: memref<1x3x4096xf32, #tpu.memory_space<vmem>>, %arg4: memref<1x1024x1xi32, #tpu.memory_space<vmem>>, %arg5: memref<1x1024x1xf32, #tpu.memory_space<vmem>>, %arg6: memref<1x1x4096xf32, #tpu.memory_space<vmem>>, %arg7: memref<1x4096xf32, #tpu.memory_space<vmem>>) attributes {dimension_semantics = [#tpu.dimension_semantics<arbitrary>, #tpu.dimension_semantics<arbitrary>], iteration_bounds = array<i64: 2, 4>, scalar_prefetch = 0 : i64, scratch_operands = 1 : i64, tpu.core_type = #tpu.core_type<tc>, window_params = [{transform_indices = @transform_0, window_bounds = array<i64: 1, 1024, 3>}, {transform_indices = @transform_1, window_bounds = array<i64: 1, 3, 4096>}, {transform_indices = @transform_2, window_bounds = array<i64: 1, 1024, 1>}, {transform_indices = @transform_3, window_bounds = array<i64: 1, 1024, 1>}, {transform_indices = @transform_4, window_bounds = array<i64: 1, 1, 4096>}]} {
    %get3A = arith.constant 0 : index
    %get3A_0 = arith.constant 0 : index
    %get3A_1 = arith.constant 0 : index
    %get3A_2 = vector.load %arg2[%get3A, %get3A_0, %get3A_1] : memref<1x1024x3xf32, #tpu.memory_space<vmem>>, vector<1x1024x3xf32>
    %get3A_3 = vector.shape_cast %get3A_2 : vector<1x1024x3xf32> to vector<1024x3xf32>
    %get3A_4 = arith.constant 0 : index
    %get3A_5 = arith.constant 0 : index
    %get3A_6 = arith.constant 0 : index
    %get3A_7 = vector.load %arg3[%get3A_4, %get3A_5, %get3A_6] : memref<1x3x4096xf32, #tpu.memory_space<vmem>>, vector<1x3x4096xf32>
    %get3A_8 = vector.shape_cast %get3A_7 : vector<1x3x4096xf32> to vector<3x4096xf32>
    %slice3A = vector.extract_strided_slice %get3A_3 {offsets = [0, 0], sizes = [1024, 1], strides = [1, 1]} : vector<1024x3xf32> to vector<1024x1xf32>
    %slice3A_9 = vector.extract_strided_slice %get3A_3 {offsets = [0, 1], sizes = [1024, 1], strides = [1, 1]} : vector<1024x3xf32> to vector<1024x1xf32>
    %slice3A_10 = vector.extract_strided_slice %get3A_3 {offsets = [0, 2], sizes = [1024, 1], strides = [1, 1]} : vector<1024x3xf32> to vector<1024x1xf32>
    %slice3A_11 = vector.extract_strided_slice %get3A_8 {offsets = [0, 0], sizes = [1, 4096], strides = [1, 1]} : vector<3x4096xf32> to vector<1x4096xf32>
    %slice3A_12 = vector.extract_strided_slice %get3A_8 {offsets = [1, 0], sizes = [1, 4096], strides = [1, 1]} : vector<3x4096xf32> to vector<1x4096xf32>
    %slice3A_13 = vector.extract_strided_slice %get3A_8 {offsets = [2, 0], sizes = [1, 4096], strides = [1, 1]} : vector<3x4096xf32> to vector<1x4096xf32>
    %mul3A = arith.mulf %slice3A, %slice3A : vector<1024x1xf32>
    %mul3A_14 = arith.mulf %slice3A_9, %slice3A_9 : vector<1024x1xf32>
    %add3A = arith.addf %mul3A, %mul3A_14 : vector<1024x1xf32>
    %mul3A_15 = arith.mulf %slice3A_10, %slice3A_10 : vector<1024x1xf32>
    %add3A_16 = arith.addf %add3A, %mul3A_15 : vector<1024x1xf32>
    %mul3A_17 = arith.mulf %slice3A_11, %slice3A_11 : vector<1x4096xf32>
    %mul3A_18 = arith.mulf %slice3A_12, %slice3A_12 : vector<1x4096xf32>
    %add3A_19 = arith.addf %mul3A_17, %mul3A_18 : vector<1x4096xf32>
    %mul3A_20 = arith.mulf %slice3A_13, %slice3A_13 : vector<1x4096xf32>
    %add3A_21 = arith.addf %add3A_19, %mul3A_20 : vector<1x4096xf32>
    %mul3A_22 = vector.broadcast %slice3A : vector<1024x1xf32> to vector<1024x4096xf32>
    %mul3A_23 = vector.broadcast %slice3A_11 : vector<1x4096xf32> to vector<1024x4096xf32>
    %mul3A_24 = arith.mulf %mul3A_22, %mul3A_23 : vector<1024x4096xf32>
    %mul3A_25 = vector.broadcast %slice3A_9 : vector<1024x1xf32> to vector<1024x4096xf32>
    %mul3A_26 = vector.broadcast %slice3A_12 : vector<1x4096xf32> to vector<1024x4096xf32>
    %mul3A_27 = arith.mulf %mul3A_25, %mul3A_26 : vector<1024x4096xf32>
    %add3A_28 = arith.addf %mul3A_24, %mul3A_27 : vector<1024x4096xf32>
    %mul3A_29 = vector.broadcast %slice3A_10 : vector<1024x1xf32> to vector<1024x4096xf32>
    %mul3A_30 = vector.broadcast %slice3A_13 : vector<1x4096xf32> to vector<1024x4096xf32>
    %mul3A_31 = arith.mulf %mul3A_29, %mul3A_30 : vector<1024x4096xf32>
    %add3A_32 = arith.addf %add3A_28, %mul3A_31 : vector<1024x4096xf32>
    %add3A_33 = vector.broadcast %add3A_16 : vector<1024x1xf32> to vector<1024x4096xf32>
    %add3A_34 = vector.broadcast %add3A_21 : vector<1x4096xf32> to vector<1024x4096xf32>
    %add3A_35 = arith.addf %add3A_33, %add3A_34 : vector<1024x4096xf32>
    %mul3A_36 = arith.constant 2.000000e+00 : f32
    %mul3A_37 = vector.broadcast %mul3A_36 : f32 to vector<1024x4096xf32>
    %mul3A_38 = arith.mulf %mul3A_37, %add3A_32 : vector<1024x4096xf32>
    %sub3A = arith.subf %add3A_35, %mul3A_38 : vector<1024x4096xf32>
    %reduce_min3A = arith.constant dense<0x7F800000> : vector<1024xf32>
    %reduce_min3A_39 = vector.multi_reduction <minimumf>, %sub3A, %reduce_min3A [1] : vector<1024x4096xf32> to vector<1024xf32>
    %broadcast_in_dim3A = vector.shape_cast %reduce_min3A_39 : vector<1024xf32> to vector<1024x1xf32>
    %iota3A = tpu.iota {dimensions = array<i32: 1>} : vector<1024x4096xi32>
    %eq3A = vector.broadcast %broadcast_in_dim3A : vector<1024x1xf32> to vector<1024x4096xf32>
    %eq3A_40 = arith.cmpf oeq, %sub3A, %eq3A : vector<1024x4096xf32>
    %jit3A = arith.constant 4096 : i32
    %broadcast_in_dim3A_41 = vector.broadcast %jit3A : i32 to vector<1024x4096xi32>
    %select_n3A = arith.select %eq3A_40, %iota3A, %broadcast_in_dim3A_41 : vector<1024x4096xi1>, vector<1024x4096xi32>
    %reduce_min3A_42 = arith.constant dense<2147483647> : vector<1024xi32>
    %reduce_min3A_43 = vector.multi_reduction <minsi>, %select_n3A, %reduce_min3A_42 [1] : vector<1024x4096xi32> to vector<1024xi32>
    %broadcast_in_dim3A_44 = vector.shape_cast %reduce_min3A_43 : vector<1024xi32> to vector<1024x1xi32>
    %swap3A = arith.constant 0 : index
    %swap3A_45 = arith.constant 0 : index
    %swap3A_46 = arith.constant 0 : index
    %swap3A_47 = vector.load %arg4[%swap3A, %swap3A_45, %swap3A_46] : memref<1x1024x1xi32, #tpu.memory_space<vmem>>, vector<1x1024x1xi32>
    %swap3A_48 = vector.shape_cast %swap3A_47 : vector<1x1024x1xi32> to vector<1024x1xi32>
    %swap3A_49 = vector.shape_cast %broadcast_in_dim3A_44 : vector<1024x1xi32> to vector<1x1024x1xi32>
    tpu.vector_store %arg4[%swap3A, %swap3A_45, %swap3A_46], %swap3A_49 {strides = array<i32>} : memref<1x1024x1xi32, #tpu.memory_space<vmem>>, vector<1x1024x1xi32>,
    %swap3A_50 = arith.constant 0 : index
    %swap3A_51 = arith.constant 0 : index
    %swap3A_52 = arith.constant 0 : index
    %swap3A_53 = vector.load %arg5[%swap3A_50, %swap3A_51, %swap3A_52] : memref<1x1024x1xf32, #tpu.memory_space<vmem>>, vector<1x1024x1xf32>
    %swap3A_54 = vector.shape_cast %swap3A_53 : vector<1x1024x1xf32> to vector<1024x1xf32>
    %swap3A_55 = vector.shape_cast %broadcast_in_dim3A : vector<1024x1xf32> to vector<1x1024x1xf32>
    tpu.vector_store %arg5[%swap3A_50, %swap3A_51, %swap3A_52], %swap3A_55 {strides = array<i32>} : memref<1x1024x1xf32, #tpu.memory_space<vmem>>, vector<1x1024x1xf32>,
    %reduce_min3A_56 = arith.constant dense<0x7F800000> : vector<4096xf32>
    %reduce_min3A_57 = vector.multi_reduction <minimumf>, %sub3A, %reduce_min3A_56 [0] : vector<1024x4096xf32> to vector<4096xf32>
    %broadcast_in_dim3A_58 = vector.shape_cast %reduce_min3A_57 : vector<4096xf32> to vector<1x4096xf32>
    %eq3A_59 = arith.constant 0 : i32
    %eq3A_60 = arith.cmpi eq, %arg1, %eq3A_59 : i32
    %convert_element_type3A = arith.extui %eq3A_60 : i1 to i32
    %cond3A = arith.constant 0 : i32
    %cond3A_61 = arith.cmpi ne, %convert_element_type3A, %cond3A : i32
    scf.if %cond3A_61 {
      %broadcast_in_dim3A_73 = arith.constant 1.000000e+30 : f32
      %broadcast_in_dim3A_74 = vector.broadcast %broadcast_in_dim3A_73 : f32 to vector<1x4096xf32>
      %swap3A_75 = arith.constant 0 : index
      %swap3A_76 = arith.constant 0 : index
      %swap3A_77 = vector.load %arg7[%swap3A_75, %swap3A_76] : memref<1x4096xf32, #tpu.memory_space<vmem>>, vector<1x4096xf32>
      tpu.vector_store %arg7[%swap3A_75, %swap3A_76], %broadcast_in_dim3A_74 {strides = array<i32>} : memref<1x4096xf32, #tpu.memory_space<vmem>>, vector<1x4096xf32>,
    } else {
    }
    %get3A_62 = arith.constant 0 : index
    %get3A_63 = arith.constant 0 : index
    %get3A_64 = vector.load %arg7[%get3A_62, %get3A_63] : memref<1x4096xf32, #tpu.memory_space<vmem>>, vector<1x4096xf32>
    %min3A = arith.minimumf %broadcast_in_dim3A_58, %get3A_64 : vector<1x4096xf32>
    %swap3A_65 = arith.constant 0 : index
    %swap3A_66 = arith.constant 0 : index
    %swap3A_67 = vector.load %arg7[%swap3A_65, %swap3A_66] : memref<1x4096xf32, #tpu.memory_space<vmem>>, vector<1x4096xf32>
    tpu.vector_store %arg7[%swap3A_65, %swap3A_66], %min3A {strides = array<i32>} : memref<1x4096xf32, #tpu.memory_space<vmem>>, vector<1x4096xf32>,
    %eq3A_68 = arith.constant 3 : i32
    %eq3A_69 = arith.cmpi eq, %arg1, %eq3A_68 : i32
    %convert_element_type3A_70 = arith.extui %eq3A_69 : i1 to i32
    %cond3A_71 = arith.constant 0 : i32
    %cond3A_72 = arith.cmpi ne, %convert_element_type3A_70, %cond3A_71 : i32
    scf.if %cond3A_72 {
      %get3A_73 = arith.constant 0 : index
      %get3A_74 = arith.constant 0 : index
      %get3A_75 = vector.load %arg7[%get3A_73, %get3A_74] : memref<1x4096xf32, #tpu.memory_space<vmem>>, vector<1x4096xf32>
      %swap3A_76 = arith.constant 0 : index
      %swap3A_77 = arith.constant 0 : index
      %swap3A_78 = arith.constant 0 : index
      %swap3A_79 = vector.load %arg6[%swap3A_76, %swap3A_77, %swap3A_78] : memref<1x1x4096xf32, #tpu.memory_space<vmem>>, vector<1x1x4096xf32>
      %swap3A_80 = vector.shape_cast %swap3A_79 : vector<1x1x4096xf32> to vector<1x4096xf32>
      %swap3A_81 = vector.shape_cast %get3A_75 : vector<1x4096xf32> to vector<1x1x4096xf32>
      tpu.vector_store %arg6[%swap3A_76, %swap3A_77, %swap3A_78], %swap3A_81 {strides = array<i32>} : memref<1x1x4096xf32, #tpu.memory_space<vmem>>, vector<1x1x4096xf32>,
    } else {
    }
    return
  }
  func.func @transform_0(%arg0: i32, %arg1: i32) -> (i32, i32, i32) {
    %c0_i32 = arith.constant 0 : i32
    %c0_i32_0 = arith.constant 0 : i32
    return %arg0, %arg1, %c0_i32 : i32, i32, i32
  }
  func.func @transform_1(%arg0: i32, %arg1: i32) -> (i32, i32, i32) {
    %c0_i32 = arith.constant 0 : i32
    %c0_i32_0 = arith.constant 0 : i32
    %c0_i32_1 = arith.constant 0 : i32
    return %arg0, %c0_i32, %c0_i32_0 : i32, i32, i32
  }
  func.func @transform_2(%arg0: i32, %arg1: i32) -> (i32, i32, i32) {
    %c0_i32 = arith.constant 0 : i32
    %c0_i32_0 = arith.constant 0 : i32
    return %arg0, %arg1, %c0_i32 : i32, i32, i32
  }
  func.func @transform_3(%arg0: i32, %arg1: i32) -> (i32, i32, i32) {
    %c0_i32 = arith.constant 0 : i32
    %c0_i32_0 = arith.constant 0 : i32
    return %arg0, %arg1, %c0_i32 : i32, i32, i32
  }
  func.func @transform_4(%arg0: i32, %arg1: i32) -> (i32, i32, i32) {
    %c0_i32 = arith.constant 0 : i32
    %c0_i32_0 = arith.constant 0 : i32
    %c0_i32_1 = arith.constant 0 : i32
    return %arg0, %c0_i32, %c0_i32_0 : i32, i32, i32
  }
}

module attributes {stable_mosaic.version = 14 : i64} {
  func.func @_loss_body(%arg0: i32, %arg1: i32, %arg2: memref<1x1x1024x256xf32, #tpu.memory_space<vmem>>, %arg3: memref<1x1024x256xf32, #tpu.memory_space<vmem>>, %arg4: memref<1x1024x8xf32, #tpu.memory_space<vmem>>, %arg5: memref<262x256xf32, #tpu.memory_space<vmem>>, %arg6: memref<1x256xf32, #tpu.memory_space<vmem>>, %arg7: memref<1x256xf32, #tpu.memory_space<vmem>>, %arg8: memref<1x256xf32, #tpu.memory_space<vmem>>, %arg9: memref<256x256xf32, #tpu.memory_space<vmem>>, %arg10: memref<1x256xf32, #tpu.memory_space<vmem>>, %arg11: memref<1x1xf32, #tpu.memory_space<vmem>>, %arg12: memref<1x1xf32, #tpu.memory_space<vmem>>) attributes {dimension_semantics = [#tpu.dimension_semantics<arbitrary>, #tpu.dimension_semantics<arbitrary>], iteration_bounds = array<i64: 2, 4>, scalar_prefetch = 0 : i64, scratch_operands = 0 : i64, tpu.core_type = #tpu.core_type<tc>, window_params = [{transform_indices = @transform_0, window_bounds = array<i64: 1, 1, 1024, 256>}, {transform_indices = @transform_1, window_bounds = array<i64: 1, 1024, 256>}, {transform_indices = @transform_2, window_bounds = array<i64: 1, 1024, 8>}, {pipeline_mode = #tpu.pipeline_mode<synchronous>, transform_indices = @transform_3, window_bounds = array<i64: 262, 256>}, {pipeline_mode = #tpu.pipeline_mode<synchronous>, transform_indices = @transform_4, window_bounds = array<i64: 1, 256>}, {pipeline_mode = #tpu.pipeline_mode<synchronous>, transform_indices = @transform_5, window_bounds = array<i64: 1, 256>}, {pipeline_mode = #tpu.pipeline_mode<synchronous>, transform_indices = @transform_6, window_bounds = array<i64: 1, 256>}, {pipeline_mode = #tpu.pipeline_mode<synchronous>, transform_indices = @transform_7, window_bounds = array<i64: 256, 256>}, {pipeline_mode = #tpu.pipeline_mode<synchronous>, transform_indices = @transform_8, window_bounds = array<i64: 1, 256>}, {pipeline_mode = #tpu.pipeline_mode<synchronous>, transform_indices = @transform_9, window_bounds = array<i64: 1, 1>}, {pipeline_mode = #tpu.pipeline_mode<synchronous>, transform_indices = @transform_10, window_bounds = array<i64: 1, 1>}]} {
    %eq3A = arith.constant 0 : i32
    %eq3A_0 = arith.cmpi eq, %arg0, %eq3A : i32
    %eq3A_1 = arith.constant 0 : i32
    %eq3A_2 = arith.cmpi eq, %arg1, %eq3A_1 : i32
    %and3A = arith.andi %eq3A_0, %eq3A_2 : i1
    %get3A = arith.constant 0 : index
    %get3A_3 = arith.constant 0 : index
    %get3A_4 = arith.constant 0 : index
    %get3A_5 = arith.constant 0 : index
    %get3A_6 = vector.load %arg2[%get3A, %get3A_3, %get3A_4, %get3A_5] : memref<1x1x1024x256xf32, #tpu.memory_space<vmem>>, vector<1x1x1024x256xf32>
    %get3A_7 = vector.shape_cast %get3A_6 : vector<1x1x1024x256xf32> to vector<1024x256xf32>
    %get3A_8 = arith.constant 0 : index
    %get3A_9 = arith.constant 0 : index
    %get3A_10 = arith.constant 0 : index
    %get3A_11 = vector.load %arg3[%get3A_8, %get3A_9, %get3A_10] : memref<1x1024x256xf32, #tpu.memory_space<vmem>>, vector<1x1024x256xf32>
    %get3A_12 = vector.shape_cast %get3A_11 : vector<1x1024x256xf32> to vector<1024x256xf32>
    %get3A_13 = arith.constant 0 : index
    %get3A_14 = arith.constant 0 : index
    %get3A_15 = arith.constant 0 : index
    %get3A_16 = vector.load %arg4[%get3A_13, %get3A_14, %get3A_15] : memref<1x1024x8xf32, #tpu.memory_space<vmem>>, vector<1x1024x8xf32>
    %get3A_17 = vector.shape_cast %get3A_16 : vector<1x1024x8xf32> to vector<1024x8xf32>
    %get3A_18 = arith.constant 0 : index
    %get3A_19 = arith.constant 0 : index
    %get3A_20 = vector.load %arg5[%get3A_18, %get3A_19] : memref<262x256xf32, #tpu.memory_space<vmem>>, vector<262x256xf32>
    %slice3A = vector.extract_strided_slice %get3A_17 {offsets = [0, 0], sizes = [1024, 3], strides = [1, 1]} : vector<1024x8xf32> to vector<1024x3xf32>
    %slice3A_21 = vector.extract_strided_slice %get3A_17 {offsets = [0, 3], sizes = [1024, 1], strides = [1, 1]} : vector<1024x8xf32> to vector<1024x1xf32>
    %mul3A = arith.mulf %slice3A, %slice3A : vector<1024x3xf32>
    %reduce_sum3A = arith.constant dense<0.000000e+00> : vector<1024xf32>
    %reduce_sum3A_22 = vector.multi_reduction <add>, %mul3A, %reduce_sum3A [1] : vector<1024x3xf32> to vector<1024xf32>
    %broadcast_in_dim3A = vector.shape_cast %reduce_sum3A_22 : vector<1024xf32> to vector<1024x1xf32>
    %sqrt3A = math.sqrt %broadcast_in_dim3A : vector<1024x1xf32>
    %max3A = arith.constant 9.99999997E-7 : f32
    %max3A_23 = vector.broadcast %max3A : f32 to vector<1024x1xf32>
    %max3A_24 = arith.maximumf %sqrt3A, %max3A_23 : vector<1024x1xf32>
    %div3A = vector.broadcast %max3A_24 : vector<1024x1xf32> to vector<1024x3xf32>
    %div3A_25 = arith.divf %slice3A, %div3A : vector<1024x3xf32>
    %slice3A_26 = vector.extract_strided_slice %get3A_20 {offsets = [0, 0], sizes = [256, 256], strides = [1, 1]} : vector<262x256xf32> to vector<256x256xf32>
    %dot_general3A = arith.constant dense<0.000000e+00> : vector<1024x256xf32>
    %dot_general3A_27 = tpu.matmul %get3A_7, %slice3A_26, %dot_general3A {dimension_numbers = #tpu.dot_dimension_numbers<[1], [0], [0], [1], [0, 0, 1, 1], [], []>, transpose_lhs_hint = false} : vector<1024x256xf32>, vector<256x256xf32>, vector<1024x256xf32> -> vector<1024x256xf32>
    %slice3A_28 = vector.extract_strided_slice %get3A_20 {offsets = [256, 0], sizes = [3, 256], strides = [1, 1]} : vector<262x256xf32> to vector<3x256xf32>
    %dot_general3A_29 = arith.constant dense<0.000000e+00> : vector<1024x256xf32>
    %dot_general3A_30 = tpu.matmul %slice3A, %slice3A_28, %dot_general3A_29 {dimension_numbers = #tpu.dot_dimension_numbers<[1], [0], [0], [1], [0, 0, 1, 1], [], []>, transpose_lhs_hint = false} : vector<1024x3xf32>, vector<3x256xf32>, vector<1024x256xf32> -> vector<1024x256xf32>
    %add3A = arith.addf %dot_general3A_27, %dot_general3A_30 : vector<1024x256xf32>
    %slice3A_31 = vector.extract_strided_slice %get3A_20 {offsets = [259, 0], sizes = [3, 256], strides = [1, 1]} : vector<262x256xf32> to vector<3x256xf32>
    %dot_general3A_32 = arith.constant dense<0.000000e+00> : vector<1024x256xf32>
    %dot_general3A_33 = tpu.matmul %div3A_25, %slice3A_31, %dot_general3A_32 {dimension_numbers = #tpu.dot_dimension_numbers<[1], [0], [0], [1], [0, 0, 1, 1], [], []>, transpose_lhs_hint = false} : vector<1024x3xf32>, vector<3x256xf32>, vector<1024x256xf32> -> vector<1024x256xf32>
    %add3A_34 = arith.addf %add3A, %dot_general3A_33 : vector<1024x256xf32>
    %get3A_35 = arith.constant 0 : index
    %get3A_36 = arith.constant 0 : index
    %get3A_37 = vector.load %arg6[%get3A_35, %get3A_36] : memref<1x256xf32, #tpu.memory_space<vmem>>, vector<1x256xf32>
    %add3A_38 = vector.broadcast %get3A_37 : vector<1x256xf32> to vector<1024x256xf32>
    %add3A_39 = arith.addf %add3A_34, %add3A_38 : vector<1024x256xf32>
    %reduce_sum3A_40 = arith.constant dense<0.000000e+00> : vector<1024xf32>
    %reduce_sum3A_41 = vector.multi_reduction <add>, %add3A_39, %reduce_sum3A_40 [1] : vector<1024x256xf32> to vector<1024xf32>
    %broadcast_in_dim3A_42 = vector.shape_cast %reduce_sum3A_41 : vector<1024xf32> to vector<1024x1xf32>
    %div3A_43 = arith.constant 2.560000e+02 : f32
    %div3A_44 = vector.broadcast %div3A_43 : f32 to vector<1024x1xf32>
    %div3A_45 = arith.divf %broadcast_in_dim3A_42, %div3A_44 : vector<1024x1xf32>
    %sub3A = vector.broadcast %div3A_45 : vector<1024x1xf32> to vector<1024x256xf32>
    %sub3A_46 = arith.subf %add3A_39, %sub3A : vector<1024x256xf32>
    %integer_pow3A = arith.mulf %sub3A_46, %sub3A_46 : vector<1024x256xf32>
    %reduce_sum3A_47 = arith.constant dense<0.000000e+00> : vector<1024xf32>
    %reduce_sum3A_48 = vector.multi_reduction <add>, %integer_pow3A, %reduce_sum3A_47 [1] : vector<1024x256xf32> to vector<1024xf32>
    %broadcast_in_dim3A_49 = vector.shape_cast %reduce_sum3A_48 : vector<1024xf32> to vector<1024x1xf32>
    %div3A_50 = arith.constant 2.560000e+02 : f32
    %div3A_51 = vector.broadcast %div3A_50 : f32 to vector<1024x1xf32>
    %div3A_52 = arith.divf %broadcast_in_dim3A_49, %div3A_51 : vector<1024x1xf32>
    %sub3A_53 = vector.broadcast %div3A_45 : vector<1024x1xf32> to vector<1024x256xf32>
    %sub3A_54 = arith.subf %add3A_39, %sub3A_53 : vector<1024x256xf32>
    %add3A_55 = arith.constant 9.99999974E-6 : f32
    %add3A_56 = vector.broadcast %add3A_55 : f32 to vector<1024x1xf32>
    %add3A_57 = arith.addf %div3A_52, %add3A_56 : vector<1024x1xf32>
    %sqrt3A_58 = math.sqrt %add3A_57 : vector<1024x1xf32>
    %div3A_59 = vector.broadcast %sqrt3A_58 : vector<1024x1xf32> to vector<1024x256xf32>
    %div3A_60 = arith.divf %sub3A_54, %div3A_59 : vector<1024x256xf32>
    %get3A_61 = arith.constant 0 : index
    %get3A_62 = arith.constant 0 : index
    %get3A_63 = vector.load %arg7[%get3A_61, %get3A_62] : memref<1x256xf32, #tpu.memory_space<vmem>>, vector<1x256xf32>
    %mul3A_64 = vector.broadcast %get3A_63 : vector<1x256xf32> to vector<1024x256xf32>
    %mul3A_65 = arith.mulf %div3A_60, %mul3A_64 : vector<1024x256xf32>
    %get3A_66 = arith.constant 0 : index
    %get3A_67 = arith.constant 0 : index
    %get3A_68 = vector.load %arg8[%get3A_66, %get3A_67] : memref<1x256xf32, #tpu.memory_space<vmem>>, vector<1x256xf32>
    %add3A_69 = vector.broadcast %get3A_68 : vector<1x256xf32> to vector<1024x256xf32>
    %add3A_70 = arith.addf %mul3A_65, %add3A_69 : vector<1024x256xf32>
    %mul3A_71 = arith.constant 5.000000e-01 : f32
    %mul3A_72 = vector.broadcast %mul3A_71 : f32 to vector<1024x256xf32>
    %mul3A_73 = arith.mulf %mul3A_72, %add3A_70 : vector<1024x256xf32>
    %div3A_74 = arith.constant 1.41421354 : f32
    %div3A_75 = vector.broadcast %div3A_74 : f32 to vector<1024x256xf32>
    %div3A_76 = arith.divf %add3A_70, %div3A_75 : vector<1024x256xf32>
    %erf3A = math.erf %div3A_76 : vector<1024x256xf32>
    %add3A_77 = arith.constant 1.000000e+00 : f32
    %add3A_78 = vector.broadcast %add3A_77 : f32 to vector<1024x256xf32>
    %add3A_79 = arith.addf %add3A_78, %erf3A : vector<1024x256xf32>
    %mul3A_80 = arith.mulf %mul3A_73, %add3A_79 : vector<1024x256xf32>
    %get3A_81 = arith.constant 0 : index
    %get3A_82 = arith.constant 0 : index
    %get3A_83 = vector.load %arg9[%get3A_81, %get3A_82] : memref<256x256xf32, #tpu.memory_space<vmem>>, vector<256x256xf32>
    %dot_general3A_84 = arith.constant dense<0.000000e+00> : vector<1024x256xf32>
    %dot_general3A_85 = tpu.matmul %mul3A_80, %get3A_83, %dot_general3A_84 {dimension_numbers = #tpu.dot_dimension_numbers<[1], [0], [0], [1], [0, 0, 1, 1], [], []>, transpose_lhs_hint = false} : vector<1024x256xf32>, vector<256x256xf32>, vector<1024x256xf32> -> vector<1024x256xf32>
    %get3A_86 = arith.constant 0 : index
    %get3A_87 = arith.constant 0 : index
    %get3A_88 = vector.load %arg10[%get3A_86, %get3A_87] : memref<1x256xf32, #tpu.memory_space<vmem>>, vector<1x256xf32>
    %add3A_89 = vector.broadcast %get3A_88 : vector<1x256xf32> to vector<1024x256xf32>
    %add3A_90 = arith.addf %dot_general3A_85, %add3A_89 : vector<1024x256xf32>
    %sub3A_91 = arith.subf %add3A_90, %get3A_12 : vector<1024x256xf32>
    %integer_pow3A_92 = arith.mulf %sub3A_91, %sub3A_91 : vector<1024x256xf32>
    %mul3A_93 = vector.broadcast %slice3A_21 : vector<1024x1xf32> to vector<1024x256xf32>
    %mul3A_94 = arith.mulf %integer_pow3A_92, %mul3A_93 : vector<1024x256xf32>
    %reduce_sum3A_95 = vector.shape_cast %mul3A_94 : vector<1024x256xf32> to vector<1x1024x256xf32>
    %reduce_sum3A_96 = arith.constant dense<0.000000e+00> : vector<1xf32>
    %reduce_sum3A_97 = vector.multi_reduction <add>, %reduce_sum3A_95, %reduce_sum3A_96 [1, 2] : vector<1x1024x256xf32> to vector<1xf32>
    %reduce_sum3A_98 = vector.shape_cast %reduce_sum3A_97 : vector<1xf32> to vector<1x1x1xf32>
    %reduce_sum3A_99 = vector.extract %reduce_sum3A_98[0, 0, 0] : f32 from vector<1x1x1xf32>
    %reduce_sum3A_100 = vector.shape_cast %slice3A_21 : vector<1024x1xf32> to vector<1x1024x1xf32>
    %reduce_sum3A_101 = arith.constant dense<0.000000e+00> : vector<1xf32>
    %reduce_sum3A_102 = vector.multi_reduction <add>, %reduce_sum3A_100, %reduce_sum3A_101 [1, 2] : vector<1x1024x1xf32> to vector<1xf32>
    %reduce_sum3A_103 = vector.shape_cast %reduce_sum3A_102 : vector<1xf32> to vector<1x1x1xf32>
    %reduce_sum3A_104 = vector.extract %reduce_sum3A_103[0, 0, 0] : f32 from vector<1x1x1xf32>
    %get3A_105 = arith.constant 0 : index
    %get3A_106 = arith.constant 0 : index
    %get3A_107 = vector.load %arg11[%get3A_105, %get3A_106] : memref<1x1xf32, #tpu.memory_space<vmem>>, vector<1x1xf32>
    %jit3A = arith.constant 0.000000e+00 : f32
    %broadcast_in_dim3A_108 = vector.broadcast %jit3A : f32 to vector<1x1xf32>
    %select_n3A = arith.select %and3A, %broadcast_in_dim3A_108, %get3A_107 : vector<1x1xf32>
    %add3A_109 = vector.broadcast %reduce_sum3A_99 : f32 to vector<1x1xf32>
    %add3A_110 = arith.addf %select_n3A, %add3A_109 : vector<1x1xf32>
    %swap3A = arith.constant 0 : index
    %swap3A_111 = arith.constant 0 : index
    %swap3A_112 = vector.load %arg11[%swap3A, %swap3A_111] : memref<1x1xf32, #tpu.memory_space<vmem>>, vector<1x1xf32>
    tpu.vector_store %arg11[%swap3A, %swap3A_111], %add3A_110 {strides = array<i32>} : memref<1x1xf32, #tpu.memory_space<vmem>>, vector<1x1xf32>,
    %get3A_113 = arith.constant 0 : index
    %get3A_114 = arith.constant 0 : index
    %get3A_115 = vector.load %arg12[%get3A_113, %get3A_114] : memref<1x1xf32, #tpu.memory_space<vmem>>, vector<1x1xf32>
    %jit3A_116 = arith.constant 0.000000e+00 : f32
    %broadcast_in_dim3A_117 = vector.broadcast %jit3A_116 : f32 to vector<1x1xf32>
    %select_n3A_118 = arith.select %and3A, %broadcast_in_dim3A_117, %get3A_115 : vector<1x1xf32>
    %add3A_119 = vector.broadcast %reduce_sum3A_104 : f32 to vector<1x1xf32>
    %add3A_120 = arith.addf %select_n3A_118, %add3A_119 : vector<1x1xf32>
    %swap3A_121 = arith.constant 0 : index
    %swap3A_122 = arith.constant 0 : index
    %swap3A_123 = vector.load %arg12[%swap3A_121, %swap3A_122] : memref<1x1xf32, #tpu.memory_space<vmem>>, vector<1x1xf32>
    tpu.vector_store %arg12[%swap3A_121, %swap3A_122], %add3A_120 {strides = array<i32>} : memref<1x1xf32, #tpu.memory_space<vmem>>, vector<1x1xf32>,
    return
  }
  func.func @transform_0(%arg0: i32, %arg1: i32) -> (i32, i32, i32, i32) {
    %c0_i32 = arith.constant 0 : i32
    %c0_i32_0 = arith.constant 0 : i32
    %c0_i32_1 = arith.constant 0 : i32
    return %arg0, %c0_i32, %arg1, %c0_i32_0 : i32, i32, i32, i32
  }
  func.func @transform_1(%arg0: i32, %arg1: i32) -> (i32, i32, i32) {
    %c0_i32 = arith.constant 0 : i32
    %c0_i32_0 = arith.constant 0 : i32
    return %arg0, %arg1, %c0_i32 : i32, i32, i32
  }
  func.func @transform_2(%arg0: i32, %arg1: i32) -> (i32, i32, i32) {
    %c0_i32 = arith.constant 0 : i32
    %c0_i32_0 = arith.constant 0 : i32
    return %arg0, %arg1, %c0_i32 : i32, i32, i32
  }
  func.func @transform_3(%arg0: i32, %arg1: i32) -> (i32, i32) {
    %c0_i32 = arith.constant 0 : i32
    %c0_i32_0 = arith.constant 0 : i32
    %c0_i32_1 = arith.constant 0 : i32
    return %c0_i32, %c0_i32_0 : i32, i32
  }
  func.func @transform_4(%arg0: i32, %arg1: i32) -> (i32, i32) {
    %c0_i32 = arith.constant 0 : i32
    %c0_i32_0 = arith.constant 0 : i32
    %c0_i32_1 = arith.constant 0 : i32
    return %c0_i32, %c0_i32_0 : i32, i32
  }
  func.func @transform_5(%arg0: i32, %arg1: i32) -> (i32, i32) {
    %c0_i32 = arith.constant 0 : i32
    %c0_i32_0 = arith.constant 0 : i32
    %c0_i32_1 = arith.constant 0 : i32
    return %c0_i32, %c0_i32_0 : i32, i32
  }
  func.func @transform_6(%arg0: i32, %arg1: i32) -> (i32, i32) {
    %c0_i32 = arith.constant 0 : i32
    %c0_i32_0 = arith.constant 0 : i32
    %c0_i32_1 = arith.constant 0 : i32
    return %c0_i32, %c0_i32_0 : i32, i32
  }
  func.func @transform_7(%arg0: i32, %arg1: i32) -> (i32, i32) {
    %c0_i32 = arith.constant 0 : i32
    %c0_i32_0 = arith.constant 0 : i32
    %c0_i32_1 = arith.constant 0 : i32
    return %c0_i32, %c0_i32_0 : i32, i32
  }
  func.func @transform_8(%arg0: i32, %arg1: i32) -> (i32, i32) {
    %c0_i32 = arith.constant 0 : i32
    %c0_i32_0 = arith.constant 0 : i32
    %c0_i32_1 = arith.constant 0 : i32
    return %c0_i32, %c0_i32_0 : i32, i32
  }
  func.func @transform_9(%arg0: i32, %arg1: i32) -> (i32, i32) {
    %c0_i32 = arith.constant 0 : i32
    %c0_i32_0 = arith.constant 0 : i32
    %c0_i32_1 = arith.constant 0 : i32
    return %c0_i32, %c0_i32_0 : i32, i32
  }
  func.func @transform_10(%arg0: i32, %arg1: i32) -> (i32, i32) {
    %c0_i32 = arith.constant 0 : i32
    %c0_i32_0 = arith.constant 0 : i32
    %c0_i32_1 = arith.constant 0 : i32
    return %c0_i32, %c0_i32_0 : i32, i32
  }
}

</mosaic_0001>

<sc_bundles>
// kernel: sc_corr.3.cloned.1.call-start
scs
__scs_entry_jumppad:
0x0: {  	(pc) =	sbr.rel $0x88, $3  }
0x1: {  	(tag) =	ssettag $0x0;
	lr =	simm.s32 $0x1  }
0x2: {  	[smem:$0x3F98] =	sst lr;
	_ =	strace $0xD0000000  }
0x3: {  	_ = 	snop  }
0x4: {  	_ = 	snop  }
0x5: {  	_ = 	snop  }
0x6: {  	_ = 	snop  }
0x7: {  	_ = 	snop  }
__scs_overlays_trampoline_lowered:
0x8: {  	[smem:$0x3FA7] =	sst s0  }
0x9: {  	[smem:$0x3FA8] =	sst s1  }
0xa: {  	[smem:$0x3FA9] =	sst s2  }
0xb: {  	[smem:$0x3FAA] =	sst s3  }
0xc: {  	[smem:$0x3FAB] =	sst s4  }
0xd: {  	[smem:$0x3FAC] =	sst s5  }
0xe: {  	[smem:$0x3FAD] =	sst s6  }
0xf: {  	[smem:$0x3FAE] =	sst s7  }
0x10: {  	[smem:$0x3FAF] =	sst s8  }
0x11: {  	[smem:$0x3FB0] =	sst s9;
	s0 =	simm.s32 @!p0 $0x0  }
0x12: {  	s1 =	sld [smem:$0x3F96];
	s0 =	simm.s32 @p0 $0x1  }
0x13: {  	[smem:$0x3FB1] =	sst s0;
	s0 =	simm.s32 @!p1 $0x0  }
0x14: {  	s2 =	sld [smem:$0x3F95];
	s0 =	simm.s32 @p1 $0x1  }
0x15: {  	[smem:$0x3FB2] =	sst s0;
	s0 =	simm.s32 @!p2 $0x0  }
0x16: {  	s3 =	sld [smem:$0x3FDB];
	s0 =	simm.s32 @p2 $0x1  }
0x17: {  	s4 =	simm.s32 $0x1BF5;
	[smem:$0x3FB4] =	sst s0  }
0x18: {  	s0 =	sld [smem:$0x3F97];
	_ =	swait.ge [sflag:s4], $0x0  }
0x19: {  	s7 =	sld [smem:$0x3F98]  }
0x1a: {  	s8 =	sadd.s32 $0xFFFFE003, lr  }
0x1b: {  	s9 =	sadd.s32 $0xFFFFFEF7, lr;
	s5 =	simm.s32 $0xFFFFFFFF;
	p2 =	slt.u32 s8, $0xFFFFF086  }
0x1c: {  	p1 =	slt.u32 s9, $0xF7A;
	s5 =	simm.s32 @!p2 $0x0  }
0x1d: {  	s5 =	simm.s32 @p1 $0x1;
	p0 =	seq.s32 s7, s2  }
0x1e: {  	s7 =	smul.u32 @!p0 $0xF7A, s2;
	p2 =	seq.s32 @!p0 s5, $0x0  }
0x1f: {  	s9 =	smul.u32 $0xF7A, s1;
	s8 =	simm.s32 @!p0 $0x1BF5;
	p2 =	por !p2, p0  }
0x20: {  	[sflag:s8] =	ssyncset.s32 @!p0 $0xFFFFF086;
	s6 =	sadd.s32 @!p0 s3, s7;
	s7 =	simm.s32 @!p0 $0x108  }
0x21: {  	s3 =	sadd.s32 s3, s9;
	s6 =	sadd.s32 @!p0 $0x88, s6;
	s7 =	simm.s32 @p2 $0x1082  }
0x22: {  	[simem:s7], [sflag:s8] =	dma.local @!p0 [hbm:s6], $0xF7A  }
0x23: {  	s9 =	sor.u32 $0xD0000000, s2;
	s6 =	simm.s32 $0x108;
	_ =	swait.ge @!p0 [sflag:s8], $0x0  }
0x24: {  	s3 =	sadd.s32 $0x88, s3;
	s6 =	simm.s32 @!p1 $0x1082;
	[sflag:s4] =	ssyncset.s32 $0xFFFFF086  }
0x25: {  	[simem:s6], [sflag:s4] =	dma.local [hbm:s3], $0xF7A  }
0x26: {  	[smem:$0x3F98] =	sst s1;
	(tag) =	ssettag s2;
	_ =	strace s9  }
0x27: {  	s1 =	sld [smem:$0x3FA8]  }
0x28: {  	s2 =	sld [smem:$0x3FA9]  }
0x29: {  	s4 =	sld [smem:$0x3FAB]  }
0x2a: {  	p0 =	seq.s32 s5, $0x0;
	s5 =	sld [smem:$0x3FAC]  }
0x2b: {  	s6 =	sld [smem:$0x3FAD]  }
0x2c: {  	s7 =	sld [smem:$0x3FAE]  }
0x2d: {  	s3 =	simm.s32 $0x108;
	s8 =	sld [smem:$0x3FAF]  }
0x2e: {  	s3 =	simm.s32 @!p0 $0x1082;
	s9 =	sld [smem:$0x3FB0]  }
0x2f: {  	lr =	sadd.s32 s0, s3;
	s0 =	sld [smem:$0x3FA7]  }
0x30: {  	s3 =	sld [smem:$0x3FAA]  }
0x31: {  	[smem:$0x3FB3] =	sst s10  }
0x32: {  	s10 =	sld [smem:$0x3FB1];
	_ =	sdelay $0x3  }
0x33: {  	p0 =	seq.s32 s10, $0x1;
	s10 =	sld [smem:$0x3FB3];
	_ =	sdelay $0x3  }
0x34: {  	[smem:$0x3FB3] =	sst s10  }
0x35: {  	s10 =	sld [smem:$0x3FB2];
	_ =	sdelay $0x3  }
0x36: {  	p1 =	seq.s32 s10, $0x1;
	s10 =	sld [smem:$0x3FB3];
	_ =	sdelay $0x3  }
0x37: {  	[smem:$0x3FB3] =	sst s10  }
0x38: {  	s10 =	sld [smem:$0x3FB4]  }
0x39: {  	_ = 	snop;
	(pc) =	sbr.ind lr, $3  }
0x3a: {  	_ = 	snop  }
0x3b: {  	_ = 	snop  }
0x3c: {  	p2 =	seq.s32 s10, $0x1;
	s10 =	sld [smem:$0x3FB3]  }
0x3d: {  	_ =	shalt  }
0x3e: {  	_ =	shalt  }
0x3f: {  	_ =	shalt  }
0x40: {  	_ =	shalt  }
0x41: {  	_ =	shalt  }
0x42: {  	_ =	shalt  }
0x43: {  	_ =	shalt  }
0x44: {  	_ =	shalt  }
0x45: {  	_ =	shalt  }
0x46: {  	_ =	shalt  }
0x47: {  	_ =	shalt  }
0x48: {  	_ =	shalt  }
0x49: {  	_ =	shalt  }
0x4a: {  	_ =	shalt  }
0x4b: {  	_ =	shalt  }
0x4c: {  	_ =	shalt  }
0x4d: {  	_ =	shalt  }
0x4e: {  	_ =	shalt  }
0x4f: {  	_ =	shalt  }
0x50: {  	_ =	shalt  }
0x51: {  	_ =	shalt  }
0x52: {  	_ =	shalt  }
0x53: {  	_ =	shalt  }
0x54: {  	_ =	shalt  }
0x55: {  	_ =	shalt  }
0x56: {  	_ =	shalt  }
0x57: {  	_ =	shalt  }
0x58: {  	_ =	shalt  }
0x59: {  	_ =	shalt  }
0x5a: {  	_ =	shalt  }
0x5b: {  	_ =	shalt  }
0x5c: {  	_ =	shalt  }
0x5d: {  	_ =	shalt  }
0x5e: {  	_ =	shalt  }
0x5f: {  	_ =	shalt  }
0x60: {  	_ =	shalt  }
0x61: {  	_ =	shalt  }
0x62: {  	_ =	shalt  }
0x63: {  	_ =	shalt  }
0x64: {  	_ =	shalt  }
0x65: {  	_ =	shalt  }
0x66: {  	_ =	shalt  }
0x67: {  	_ =	shalt  }
0x68: {  	_ =	shalt  }
0x69: {  	_ =	shalt  }
0x6a: {  	_ =	shalt  }
0x6b: {  	_ =	shalt  }
0x6c: {  	_ =	shalt  }
0x6d: {  	_ =	shalt  }
0x6e: {  	_ =	shalt  }
0x6f: {  	_ =	shalt  }
0x70: {  	_ =	shalt  }
0x71: {  	_ =	shalt  }
0x72: {  	_ =	shalt  }
0x73: {  	_ =	shalt  }
0x74: {  	_ =	shalt  }
0x75: {  	_ =	shalt  }
0x76: {  	_ =	shalt  }
0x77: {  	_ =	shalt  }
0x78: {  	_ =	shalt  }
0x79: {  	_ =	shalt  }
0x7a: {  	_ =	shalt  }
0x7b: {  	_ =	shalt  }
0x7c: {  	_ =	shalt  }
0x7d: {  	_ =	shalt  }
0x7e: {  	_ =	shalt  }
0x7f: {  	_ =	shalt  }
0x80: {  	_ =	shalt  }
0x81: {  	_ =	shalt  }
0x82: {  	_ =	shalt  }
0x83: {  	_ =	shalt  }
0x84: {  	_ =	shalt  }
0x85: {  	_ =	shalt  }
0x86: {  	_ =	shalt  }
0x87: {  	_ =	shalt  }
.Lfunc_end0:
.L_simem_size_0:
called_computation_lowered:
.L_overlay_start_0:
0x88: {  	s2 =	sld [smem:$0x3FD9]  }
0x89: {  	s3 =	sld [smem:$0x3FFE];
	_ =	sdelay $0x1  }
0x8a: {  	s1 =	srdreg.scid  }
0x8b: {  	s0 =	sand.u32 $0x1, s1  }
0x8c: {  	s17 =	sshll.u32 s0, $0xA;
	s2 =	sadd.s32 s3, s2  }
0x8d: {  	s2 =	sadd.s32 s2, s17  }
0x8e: {  	[smem:$0x3FBF] =	sst s2  }
0x8f: {  	_ = 	snop  }
0x90: {  	s2 =	sld [smem:$0x3FC9];
	(tm) =	ssettm $0x1  }
0x91: {  	s18 =	sld [smem:$0x3FFB];
	_ =	sdelay $0x3  }
0x92: {  	_ =	strace s18  }
0x93: {  	s3 =	sld [smem:$0x3FFC];
	_ =	sdelay $0x3  }
0x94: {  	_ =	strace s3  }
0x95: {  	s3 =	sld [smem:$0x3FFD];
	_ =	sdelay $0x3  }
0x96: {  	_ =	strace s3  }
0x97: {  	_ =	strace $0x8FFFFFFF  }
0x98: {  	s19 =	sld [smem:$0x3FDB];
	_ =	sdelay $0x1  }
0x99: {  	s4 =	simm.s32 $_scs_section_size  }
0x9a: {  	s5 =	simm.s32 $_size__tile_overlayer_lowered;
	s6 =	simm.s32 $_tile_overlayer_lowered  }
0x9b: {  	s22 =	simm.s32 $0x1BFF;
	s21 =	sshll.u32 s6, $0x1;
	s3 =	sadd.s32 s4, s19  }
0x9c: {  	s7 =	simm.s32 $0x0;
	s20 =	sshll.u32 s5, $0x1;
	s5 =	sadd.s32 s21, s3  }
0x9d: {  	[timem:s7], [sflag:s22] =	dma.local [hbm:s5], s20  }
0x9e: {  	_ =	swait.ge [sflag:s22], s20  }
0x9f: {  	s4 =	ssub.s32 $0x0, s20;
	[sflag:s22] =	ssyncset.done $0x0  }
0xa0: {  	[sflag:s22] =	ssyncadd.s32 s4;
	_ =	sdelay $0x1  }
0xa1: {  	s23 =	simm.s32 $0x1B8B  }
0xa2: {  	_ =	swait.ge [sflag:s23], $0x1  }
0xa3: {  	[sflag:s23] =	ssyncset.done $0x0  }
0xa4: {  	s25 =	simm.s32 $0x1B8E;
	s24 =	sld [smem:$0x3FFE];
	[sflag:s23] =	ssyncadd.s32 $0xFFFFFFFF  }
0xa5: {  	s26 =	simm.s32 $execute0_lowered;
	[smem:$0x3FD2] =	sst s25  }
0xa6: {  	s5 =	sshll.u32 s26, $0x1;
	_ =	strace $0x80000046;
	[dreg:$0x1] =	wrdreg $0xFFFFFFFF  }
0xa7: {  	s28 =	simm.s32 $_size_execute0_lowered;
	s3 =	sadd.s32 s3, s5;
	[dreg:$0x0] =	wrdreg $0x0  }
0xa8: {  	s5 =	sshll.u32 s28, $0x1;
	[dreg:$0x2] =	wrdreg s3  }
0xa9: {  	[dreg:$0x3] =	wrdreg s5  }
0xaa: {  	[dreg:$0x4] =	wrdreg $0xC0  }
0xab: {  	_ =	task [dreg:s7], $0x5FFFF  }
0xac: {  	[dreg:$0x1] =	wrdreg $0xFFFFFFFF  }
0xad: {  	[dreg:$0x0] =	wrdreg $0x60  }
0xae: {  	[dreg:$0x2] =	wrdreg s24  }
0xaf: {  	[dreg:$0x3] =	wrdreg s2  }
0xb0: {  	[dreg:$0x4] =	wrdreg $0x9  }
0xb1: {  	_ =	task.clear_ibuf [dreg:s7], $0x5FFFF;
	_ =	strace $0x90000046  }
0xb2: {  	s29 =	simm.s32 $0x9;
	_ =	strace $0x80000048  }
0xb3: {  	_ =	swait.ge [sflag:s29], $0x1  }
0xb4: {  	[sflag:s29] =	ssyncadd.s32 $0xFFFFFFFF  }
0xb5: {  	_ =	strace $0x90000048  }
0xb6: {  	_ =	sfence  }
0xb7: {  	s30 =	sld [smem:$0x0];
	_ =	sdelay $0x2  }
0xb8: {  	s31 =	sshll.u32 s1, $0xD;
	s1 =	sshrl.u32 s1, $0x2  }
0xb9: {  	s3 =	sand.u32 $0x4000, s31;
	s1 =	sadd.s32 s1, s30  }
0xba: {  	s0 =	sor.u32 s3, s0;
	s1 =	sshll.u32 s1, $0x11  }
0xbb: {  	s0 =	sor.u32 s1, s0  }
0xbc: {  	s0 =	sadd.s32 $0x8F2B, s0  }
0xbd: {  	[sflag:s0] =	ssyncadd.remote.s32 $0x1  }
0xbe: {  	_ =	sfence.sel $0xFFFF  }
0xbf: {  	[dreg:$0x0] =	wrdreg $0xFFFFFFFF;
	(pc) =	sbr.abs _section_cstart, $3  }
0xc0: {  	[dreg:$0x1] =	wrdreg $0xFFFFFFFF  }
0xc1: {  	_ =	task.clear_ibuf [dreg:s7], $0x2FFFF;
	_ =	strace $0x9FFFFFFF  }
0xc2: {  	(tm) =	ssettm $0x7FFFFFFF  }
0xc3: {  	_ =	shalt  }
tec
execute0_lowered:
.L_overlay_start_1:
0x0: {  	(tag) =	ssettag $0x1  }
0x1: {  	s0 =	srdreg.scid;
	s4 =	rddreg [dreg:$0x0]  }
0x2: {  	s2 =	rddreg [dreg:$0x1];
	s1 =	stileid.u32  }
0x3: {  	s3 =	simm.s32 $0x0;
	s15 =	simm.s32 $0x7700;
	s16 =	simm.s32 $0x7F00  }
0x4: {  	s17 =	simm.s32 $0x8700;
	s18 =	simm.s32 $0x8F00;
	s19 =	simm.s32 $0x9700  }
0x5: {  	s28 =	simm.s32 $0x100;
	s29 =	simm.s32 $0x200;
	s30 =	simm.s32 $0x500  }
0x6: {  	s31 =	simm.s32 $0x15700;
	s0 =	sand.u32 $0x1, s0;
	[smem:$0x7FF] =	sst s3  }
0x7: {  	s10 =	sadd.s32 $0x2A00, s4;
	_ =	strace $0x80000047;
	[dreg:$0x10] =	wrdreg s15  }
0x8: {  	s14 =	sadd.s32 $0x1600, s4;
	s5 =	sshll.u32 s0, $0x4;
	[dreg:$0x11] =	wrdreg s16  }
0x9: {  	s7 =	sshll.u32 s0, $0x9;
	s9 =	sshll.u32 s0, $0xC;
	[dreg:$0x12] =	wrdreg s17  }
0xa: {  	s11 =	sshll.u32 s0, $0xD;
	s12 =	sshllo.u32 s0, $0x1;
	[dreg:$0x13] =	wrdreg s18  }
0xb: {  	[dreg:$0x14] =	wrdreg s19;
	s0 =	ssub.s32 $0x2, s0;
	s15 =	simm.s32 $0x10F00  }
0xc: {  	s16 =	simm.s32 $0x11700;
	s17 =	simm.s32 $0x11F00;
	s18 =	simm.s32 $0x12700  }
0xd: {  	s19 =	simm.s32 $0x12F00;
	s5 =	sor.u32 s1, s5;
	s7 =	sadd.s32 s7, s4  }
0xe: {  	s20 =	smul.u32 $0x600, s12;
	s23 =	sshll.u32 s12, $0x9;
	s6 =	sshll.u32 s5, $0x5  }
0xf: {  	s8 =	sshll.u32 s5, $0x8;
	s7 =	sadd.s32 $0x1E00, s7;
	s5 =	sshll.u32 s5, $0xD  }
0x10: {  	v5 =	vlaneseq.u32;
	vm0 =	vmmov $0xffff;
	v6 =	vimm.f32 $0.0e+00;
	s25 =	sadd.s32 s14, s23;
	s23 =	simm.s32 $0xAF00;
	s6 =	sadd.s32 s6, s4  }
0x11: {  	v2 =	vshrl.u32 v5, $0x3;
	v1 =	vand.u32 $0x7, v5;
	v3 =	vmul.u32 $0x3, v5;
	s9 =	ssub.s32 s8, s9;
	[dreg:$0x4] =	wrdreg s7;
	s22 =	sadd.s32 s10, s20  }
0x12: {  	v4 =	vor.u32 $0x8, v5;
	v5 =	vmul.u32 $0x8, v5;
	v2 =	vmul.u32 $0x8, v2;
	[dreg:$0x6] =	wrdreg s25;
	s5 =	sadd.s32 s5, s4;
	s4 =	sadd.s32 s8, s4  }
0x13: {  	v7 =	vadd.s32 $0x1, v3;
	v17 =	vadd.s32 $0x31, v3;
	v18 =	vadd.s32 $0x32, v3;
	s20 =	simm.s32 $0x9F00;
	[dreg:$0x17] =	wrdreg s23;
	s25 =	simm.s32 $0xBF00  }
0x14: {  	v19 =	vor.u32 $0x80, v5;
	v20 =	vor.u32 $0x81, v5;
	v21 =	vor.u32 $0x82, v5;
	s8 =	simm.s32 $0xD700;
	s23 =	simm.s32 $0x14F00;
	[dreg:$0x5] =	wrdreg s22  }
0x15: {  	v22 =	vor.u32 $0x83, v5;
	v23 =	vor.u32 $0x84, v5;
	v24 =	vor.u32 $0x85, v5;
	s13 =	sadd.s32 $0x2200, s6;
	s21 =	sadd.s32 s11, s9;
	[dreg:$0x15] =	wrdreg s20  }
0x16: {  	v25 =	vor.u32 $0x86, v5;
	v26 =	vor.u32 $0x87, v5;
	v27 =	vadd.s32 $0x60, v3;
	s6 =	sadd.s32 $0x2600, s6;
	s4 =	sadd.s32 $0x4200, s4;
	[dreg:$0x19] =	wrdreg s25  }
0x17: {  	v28 =	vadd.s32 $0x61, v3;
	v29 =	vadd.s32 $0x62, v3;
	v30 =	vor.u32 $0x100, v5;
	s11 =	sshll.u32 s12, $0xC;
	s12 =	simm.s32 $0x5F00;
	[dreg:$0x3] =	wrdreg s13  }
0x18: {  	v31 =	vor.u32 $0x101, v5;
	v32 =	vor.u32 $0x102, v5;
	v33 =	vor.u32 $0x103, v5;
	s22 =	sshrl.u32 s0, $0x1;
	s20 =	simm.s32 $0x13700;
	[dreg:$0x7] =	wrdreg s6  }
0x19: {  	v34 =	vor.u32 $0x104, v5;
	v35 =	vor.u32 $0x105, v5;
	v36 =	vor.u32 $0x106, v5;
	s25 =	simm.s32 $0x1700;
	s24 =	smul.u32 $0x3, s21;
	[dreg:$0xc] =	wrdreg s4  }
0x1a: {  	v37 =	vor.u32 $0x107, v5;
	v38 =	vadd.s32 $0x90, v3;
	v39 =	vadd.s32 $0x91, v3;
	s7 =	sshrl.u32 s21, $0x3;
	[dreg:$0xd] =	wrdreg s12;
	s13 =	simm.s32 $0x6700  }
0x1b: {  	v40 =	vadd.s32 $0x92, v3;
	v41 =	vor.u32 $0x180, v5;
	v42 =	vor.u32 $0x181, v5;
	s21 =	simm.s32 $0xA700;
	s0 =	ssub.s32 s0, s22;
	s6 =	simm.s32 $0x5700  }
0x1c: {  	v43 =	vor.u32 $0x182, v5;
	[tilespmem:$0x1FF60] =	vst v7;
	v7 =	vadd.s32 $0x2, v3;
	v0 =	vmov s11;
	s11 =	simm.s32 $0xEF00;
	s12 =	simm.s32 $0xF700;
	s22 =	simm.s32 $0x14700  }
0x1d: {  	v44 =	vor.u32 $0x183, v5;
	v45 =	vor.u32 $0x184, v5;
	[tilespmem:$0x1FF70] =	vst v7;
	v7 =	vor.u32 $0x1, v5;
	s9 =	sadd.s32 s14, s7;
	[dreg:$0xe] =	wrdreg s13;
	s14 =	simm.s32 $0x6F00  }
0x1e: {  	v46 =	vor.u32 $0x185, v5;
	v47 =	vor.u32 $0x186, v5;
	[tilespmem:$0x1FF80] =	vst v7;
	v7 =	vor.u32 $0x2, v5;
	[dreg:$0x16] =	wrdreg s21;
	s4 =	smax.u32 s0, $0x1;
	s13 =	simm.s32 $0xFF00  }
0x1f: {  	v48 =	vor.u32 $0x187, v5;
	v49 =	vor.u32 $0xC0, v3;
	[tilespmem:$0x1FF90] =	vst v7;
	v7 =	vor.u32 $0x3, v5;
	s21 =	simm.s32 $0x13F00;
	s0 =	simm.s32 $0x1;
	[dreg:$0x9] =	wrdreg s9  }
0x20: {  	v50 =	vadd.s32 $0xC1, v3;
	v51 =	vadd.s32 $0xC2, v3;
	[tilespmem:$0x1FFA0] =	vst v7;
	v7 =	vor.u32 $0x4, v5;
	s26 =	sshrl.u32 s24, $0x3;
	[dreg:$0xf] =	wrdreg s14;
	s24 =	simm.s32 $0xB700  }
0x21: {  	v52 =	vor.u32 $0x200, v5;
	v53 =	vor.u32 $0x201, v5;
	[tilespmem:$0x1FFB0] =	vst v7;
	v7 =	vor.u32 $0x5, v5;
	s9 =	simm.s32 $0xDF00;
	s1 =	sadd.s32 s10, s26;
	[dreg:$0x18] =	wrdreg s24  }
0x22: {  	v54 =	vor.u32 $0x202, v5;
	v55 =	vor.u32 $0x203, v5;
	s14 =	simm.s32 $0x10700;
	s10 =	sadd.s32 $0x6200, s5;
	[tilespmem:$0x1FFC0] =	vst v7;
	v7 =	vor.u32 $0x6, v5;
	[dreg:$0x8] =	wrdreg s1  }
0x23: {  	v56 =	vor.u32 $0x204, v5;
	v57 =	vor.u32 $0x205, v5;
	s5 =	sadd.s32 $0x7200, s5;
	s26 =	simm.s32 $0xC700;
	[dreg:$0xa] =	wrdreg s10;
	[tilespmem:$0x1FFD0] =	vst v7;
	v7 =	vor.u32 $0x7, v5  }
0x24: {  	v58 =	vor.u32 $0x206, v5;
	v59 =	vor.u32 $0x207, v5;
	s24 =	simm.s32 $0x700;
	[dreg:$0xb] =	wrdreg s5;
	s5 =	simm.s32 $0x2;
	[tilespmem:$0x1FFE0] =	vst v7;
	v7 =	vadd.s32 $0x30, v3  }
0x25: {  	v60 =	vadd.s32 $0xF0, v3;
	v61 =	vadd.s32 $0xF1, v3;
	v62 =	vadd.s32 $0xF2, v3;
	[dreg:$0x1a] =	wrdreg s26;
	s10 =	simm.s32 $0xE700;
	s26 =	simm.s32 $0x4700;
	[tilespmem:$0x1FFF0] =	vst v7  }
.LBB2_1:
0x26: {  	s1 =	rddreg [dreg:$0x3]  }
0x27: {  	[tilespmem:s3], [sflag:$0x2] =	stream.linear.gather [hbm4b:s1+s3], $0x100, $0x38;
	[tilespmem:$0x15F00] =	vst v63  }
0x28: {  	_ =	swait.ge [sflag:s5], $0x100  }
0x29: {  	[sflag:s5] =	ssyncset.done $0x0  }
0x2a: {  	[sflag:s5] =	ssyncadd.s32 $0xFFFFFF00  }
0x2b: {  	v63 =	vld [tilespmem:$0x0]  }
0x2c: {  	v7 =	vld [tilespmem:$0x10]  }
0x2d: {  	v8 =	vld [tilespmem:$0x20]  }
0x2e: {  	v9 =	vld [tilespmem:$0x30]  }
0x2f: {  	v10 =	vld [tilespmem:$0x40]  }
0x30: {  	v11 =	vld [tilespmem:$0x50]  }
0x31: {  	v12 =	vld [tilespmem:$0x60];
	v63 =	vadd.s32 v0, v63  }
0x32: {  	v7 =	vadd.s32 v0, v7;
	[tilespmem:$0x600] =	vst v63;
	v63 =	vld [tilespmem:$0x70]  }
0x33: {  	[tilespmem:$0x610] =	vst v7;
	v7 =	vadd.s32 v0, v8;
	v8 =	vld [tilespmem:$0x600]  }
0x34: {  	[tilespmem:$0x620] =	vst v7;
	v7 =	vadd.s32 v0, v9;
	v9 =	vld [tilespmem:$0x80]  }
0x35: {  	[tilespmem:$0x630] =	vst v7;
	v7 =	vadd.s32 v0, v10;
	v10 =	vld [tilespmem:$0x90]  }
0x36: {  	[tilespmem:$0x640] =	vst v7;
	v7 =	vadd.s32 v0, v11;
	v11 =	vld [tilespmem:$0xA0]  }
0x37: {  	[tilespmem:$0x650] =	vst v7;
	v7 =	vadd.s32 v0, v12;
	v12 =	vld [tilespmem:$0xB0]  }
0x38: {  	[tilespmem:$0x660] =	vst v7;
	v7 =	vadd.s32 v0, v63;
	v63 =	vld [tilespmem:$0xC0];
	v13 =	vshll.u32 v8, $0x1  }
0x39: {  	[tilespmem:$0x670] =	vst v7;
	v7 =	vadd.s32 v0, v9;
	v9 =	vld [tilespmem:$0xD0];
	v8 =	vand.u32 $0x7, v8;
	v13 =	vand.u32 $0xFFFFFFF0, v13  }
0x3a: {  	[tilespmem:$0x680] =	vst v7;
	v7 =	vadd.s32 v0, v10;
	v10 =	vld [tilespmem:$0xE0];
	v8 =	vor.u32 v8, v13  }
0x3b: {  	[tilespmem:$0x690] =	vst v7;
	v7 =	vadd.s32 v0, v11;
	v11 =	vld [tilespmem:$0xF0];
	v13 =	vperm.xlane v8, v1  }
0x3c: {  	[tilespmem:$0x6A0] =	vst v7;
	v7 =	vadd.s32 v0, v12  }
0x3d: {  	v8 =	vperm.xlane v8, v4;
	[tilespmem:$0x6B0] =	vst v7;
	v7 =	vadd.s32 v0, v63;
	v63 =	vadd.s32 v2, v13  }
0x3e: {  	[tilespmem:$0x6C0] =	vst v7;
	v7 =	vadd.s32 v0, v9  }
0x3f: {  	v8 =	vadd.s32 v2, v8;
	[tilespmem:$0x6D0] =	vst v7;
	v7 =	vadd.s32 v0, v10  }
0x40: {  	[tilespmem:$0x6E0] =	vst v7;
	v7 =	vadd.s32 v0, v11  }
0x41: {  	[tilespmem:$0x6F0] =	vst v7  }
0x42: {  	[tilespmem:s6], [sflag:$0x1] =	stream.indirect_vreg.gather [hbm4b:s2+s3], $0x80, v63, vm0, $0xb8;
	[tilespmem:$0x15F00] =	vst v63  }
0x43: {  	s7 =	rddreg [dreg:$0xd]  }
0x44: {  	[tilespmem:s7], [sflag:$0x1] =	stream.indirect_vreg.gather [hbm4b:s2+s3], $0x80, v8, vm0, $0xb8;
	[tilespmem:$0x15F00] =	vst v63  }
0x45: {  	v7 =	vld [tilespmem:$0x610];
	_ =	sdelay $0x4  }
0x46: {  	v8 =	vshll.u32 v7, $0x1  }
0x47: {  	v7 =	vand.u32 $0x7, v7;
	v8 =	vand.u32 $0xFFFFFFF0, v8  }
0x48: {  	v7 =	vor.u32 v7, v8  }
0x49: {  	v8 =	vperm.xlane v7, v1;
	_ =	sdelay $0x1  }
0x4a: {  	v7 =	vperm.xlane v7, v4;
	v8 =	vadd.s32 v2, v8;
	_ =	sdelay $0x1  }
0x4b: {  	v7 =	vadd.s32 v2, v7;
	_ =	sdelay $0x1  }
0x4c: {  	s1 =	rddreg [dreg:$0xe]  }
0x4d: {  	[tilespmem:s1], [sflag:$0x1] =	stream.indirect_vreg.gather [hbm4b:s2+s3], $0x80, v8, vm0, $0xb8;
	[tilespmem:$0x15F00] =	vst v63  }
0x4e: {  	s7 =	rddreg [dreg:$0xf]  }
0x4f: {  	[tilespmem:s7], [sflag:$0x1] =	stream.indirect_vreg.gather [hbm4b:s2+s3], $0x80, v7, vm0, $0xb8;
	[tilespmem:$0x15F00] =	vst v63  }
0x50: {  	v7 =	vld [tilespmem:$0x620];
	_ =	sdelay $0x4  }
0x51: {  	v8 =	vshll.u32 v7, $0x1  }
0x52: {  	v7 =	vand.u32 $0x7, v7;
	v8 =	vand.u32 $0xFFFFFFF0, v8  }
0x53: {  	v7 =	vor.u32 v7, v8  }
0x54: {  	v8 =	vperm.xlane v7, v1;
	_ =	sdelay $0x1  }
0x55: {  	v7 =	vperm.xlane v7, v4;
	v8 =	vadd.s32 v2, v8;
	_ =	sdelay $0x1  }
0x56: {  	v7 =	vadd.s32 v2, v7;
	_ =	sdelay $0x1  }
0x57: {  	s1 =	rddreg [dreg:$0x10]  }
0x58: {  	[tilespmem:s1], [sflag:$0x1] =	stream.indirect_vreg.gather [hbm4b:s2+s3], $0x80, v8, vm0, $0xb8;
	[tilespmem:$0x15F00] =	vst v63  }
0x59: {  	s7 =	rddreg [dreg:$0x11]  }
0x5a: {  	[tilespmem:s7], [sflag:$0x1] =	stream.indirect_vreg.gather [hbm4b:s2+s3], $0x80, v7, vm0, $0xb8;
	[tilespmem:$0x15F00] =	vst v63  }
0x5b: {  	v7 =	vld [tilespmem:$0x630];
	_ =	sdelay $0x4  }
0x5c: {  	v8 =	vshll.u32 v7, $0x1  }
0x5d: {  	v7 =	vand.u32 $0x7, v7;
	v8 =	vand.u32 $0xFFFFFFF0, v8  }
0x5e: {  	v7 =	vor.u32 v7, v8  }
0x5f: {  	v8 =	vperm.xlane v7, v1;
	_ =	sdelay $0x1  }
0x60: {  	v7 =	vperm.xlane v7, v4;
	v8 =	vadd.s32 v2, v8;
	_ =	sdelay $0x1  }
0x61: {  	v7 =	vadd.s32 v2, v7;
	_ =	sdelay $0x1  }
0x62: {  	s1 =	rddreg [dreg:$0x12]  }
0x63: {  	[tilespmem:s1], [sflag:$0x1] =	stream.indirect_vreg.gather [hbm4b:s2+s3], $0x80, v8, vm0, $0xb8;
	[tilespmem:$0x15F00] =	vst v63  }
0x64: {  	s7 =	rddreg [dreg:$0x13]  }
0x65: {  	[tilespmem:s7], [sflag:$0x1] =	stream.indirect_vreg.gather [hbm4b:s2+s3], $0x80, v7, vm0, $0xb8;
	[tilespmem:$0x15F00] =	vst v63  }
0x66: {  	v7 =	vld [tilespmem:$0x640];
	_ =	sdelay $0x4  }
0x67: {  	v8 =	vshll.u32 v7, $0x1  }
0x68: {  	v7 =	vand.u32 $0x7, v7;
	v8 =	vand.u32 $0xFFFFFFF0, v8  }
0x69: {  	v7 =	vor.u32 v7, v8  }
0x6a: {  	v8 =	vperm.xlane v7, v1;
	_ =	sdelay $0x1  }
0x6b: {  	v7 =	vperm.xlane v7, v4;
	v8 =	vadd.s32 v2, v8;
	_ =	sdelay $0x1  }
0x6c: {  	v7 =	vadd.s32 v2, v7;
	_ =	sdelay $0x1  }
0x6d: {  	s1 =	rddreg [dreg:$0x14]  }
0x6e: {  	[tilespmem:s1], [sflag:$0x1] =	stream.indirect_vreg.gather [hbm4b:s2+s3], $0x80, v8, vm0, $0xb8;
	[tilespmem:$0x15F00] =	vst v63  }
0x6f: {  	s7 =	rddreg [dreg:$0x15]  }
0x70: {  	[tilespmem:s7], [sflag:$0x1] =	stream.indirect_vreg.gather [hbm4b:s2+s3], $0x80, v7, vm0, $0xb8;
	[tilespmem:$0x15F00] =	vst v63  }
0x71: {  	v7 =	vld [tilespmem:$0x650];
	_ =	sdelay $0x4  }
0x72: {  	v8 =	vshll.u32 v7, $0x1  }
0x73: {  	v7 =	vand.u32 $0x7, v7;
	v8 =	vand.u32 $0xFFFFFFF0, v8  }
0x74: {  	v7 =	vor.u32 v7, v8  }
0x75: {  	v8 =	vperm.xlane v7, v1;
	_ =	sdelay $0x1  }
0x76: {  	v7 =	vperm.xlane v7, v4;
	v8 =	vadd.s32 v2, v8;
	_ =	sdelay $0x1  }
0x77: {  	v7 =	vadd.s32 v2, v7;
	_ =	sdelay $0x1  }
0x78: {  	s1 =	rddreg [dreg:$0x16]  }
0x79: {  	[tilespmem:s1], [sflag:$0x1] =	stream.indirect_vreg.gather [hbm4b:s2+s3], $0x80, v8, vm0, $0xb8;
	[tilespmem:$0x15F00] =	vst v63  }
0x7a: {  	s7 =	rddreg [dreg:$0x17]  }
0x7b: {  	[tilespmem:s7], [sflag:$0x1] =	stream.indirect_vreg.gather [hbm4b:s2+s3], $0x80, v7, vm0, $0xb8;
	[tilespmem:$0x15F00] =	vst v63  }
0x7c: {  	v7 =	vld [tilespmem:$0x660];
	_ =	sdelay $0x4  }
0x7d: {  	v8 =	vshll.u32 v7, $0x1  }
0x7e: {  	v7 =	vand.u32 $0x7, v7;
	v8 =	vand.u32 $0xFFFFFFF0, v8  }
0x7f: {  	v7 =	vor.u32 v7, v8  }
0x80: {  	v8 =	vperm.xlane v7, v1;
	_ =	sdelay $0x1  }
0x81: {  	v7 =	vperm.xlane v7, v4;
	v8 =	vadd.s32 v2, v8;
	_ =	sdelay $0x1  }
0x82: {  	v7 =	vadd.s32 v2, v7;
	_ =	sdelay $0x1  }
0x83: {  	s1 =	rddreg [dreg:$0x18]  }
0x84: {  	[tilespmem:s1], [sflag:$0x1] =	stream.indirect_vreg.gather [hbm4b:s2+s3], $0x80, v8, vm0, $0xb8;
	[tilespmem:$0x15F00] =	vst v63  }
0x85: {  	s7 =	rddreg [dreg:$0x19]  }
0x86: {  	[tilespmem:s7], [sflag:$0x1] =	stream.indirect_vreg.gather [hbm4b:s2+s3], $0x80, v7, vm0, $0xb8;
	[tilespmem:$0x15F00] =	vst v63  }
0x87: {  	v7 =	vld [tilespmem:$0x670];
	_ =	sdelay $0x4  }
0x88: {  	v8 =	vshll.u32 v7, $0x1  }
0x89: {  	v7 =	vand.u32 $0x7, v7;
	v8 =	vand.u32 $0xFFFFFFF0, v8  }
0x8a: {  	v7 =	vor.u32 v7, v8  }
0x8b: {  	v8 =	vperm.xlane v7, v1;
	_ =	sdelay $0x1  }
0x8c: {  	v7 =	vperm.xlane v7, v4;
	v8 =	vadd.s32 v2, v8;
	_ =	sdelay $0x1  }
0x8d: {  	v7 =	vadd.s32 v2, v7;
	_ =	sdelay $0x1  }
0x8e: {  	s7 =	rddreg [dreg:$0x1a]  }
0x8f: {  	[tilespmem:s7], [sflag:$0x1] =	stream.indirect_vreg.gather [hbm4b:s2+s3], $0x80, v8, vm0, $0xb8;
	[tilespmem:$0x15F00] =	vst v63  }
0x90: {  	s7 =	simm.s32 $0xCF00  }
0x91: {  	[tilespmem:s7], [sflag:$0x1] =	stream.indirect_vreg.gather [hbm4b:s2+s3], $0x80, v7, vm0, $0xb8;
	[tilespmem:$0x15F00] =	vst v63  }
0x92: {  	v7 =	vld [tilespmem:$0x680];
	_ =	sdelay $0x4  }
0x93: {  	v8 =	vshll.u32 v7, $0x1  }
0x94: {  	v7 =	vand.u32 $0x7, v7;
	v8 =	vand.u32 $0xFFFFFFF0, v8  }
0x95: {  	v7 =	vor.u32 v7, v8  }
0x96: {  	v8 =	vperm.xlane v7, v1;
	_ =	sdelay $0x1  }
0x97: {  	v7 =	vperm.xlane v7, v4;
	v8 =	vadd.s32 v2, v8;
	_ =	sdelay $0x1  }
0x98: {  	v7 =	vadd.s32 v2, v7;
	_ =	sdelay $0x2  }
0x99: {  	[tilespmem:s8], [sflag:$0x1] =	stream.indirect_vreg.gather [hbm4b:s2+s3], $0x80, v8, vm0, $0xb8;
	[tilespmem:$0x15F00] =	vst v63  }
0x9a: {  	_ = 	snop  }
0x9b: {  	[tilespmem:s9], [sflag:$0x1] =	stream.indirect_vreg.gather [hbm4b:s2+s3], $0x80, v7, vm0, $0xb8;
	[tilespmem:$0x15F00] =	vst v63  }
0x9c: {  	v7 =	vld [tilespmem:$0x690];
	_ =	sdelay $0x4  }
0x9d: {  	v8 =	vshll.u32 v7, $0x1  }
0x9e: {  	v7 =	vand.u32 $0x7, v7;
	v8 =	vand.u32 $0xFFFFFFF0, v8  }
0x9f: {  	v7 =	vor.u32 v7, v8  }
0xa0: {  	v8 =	vperm.xlane v7, v1;
	_ =	sdelay $0x1  }
0xa1: {  	v7 =	vperm.xlane v7, v4;
	v8 =	vadd.s32 v2, v8;
	_ =	sdelay $0x1  }
0xa2: {  	v7 =	vadd.s32 v2, v7;
	_ =	sdelay $0x2  }
0xa3: {  	[tilespmem:s10], [sflag:$0x1] =	stream.indirect_vreg.gather [hbm4b:s2+s3], $0x80, v8, vm0, $0xb8;
	[tilespmem:$0x15F00] =	vst v63  }
0xa4: {  	_ = 	snop  }
0xa5: {  	[tilespmem:s11], [sflag:$0x1] =	stream.indirect_vreg.gather [hbm4b:s2+s3], $0x80, v7, vm0, $0xb8;
	[tilespmem:$0x15F00] =	vst v63  }
0xa6: {  	v7 =	vld [tilespmem:$0x6A0];
	_ =	sdelay $0x4  }
0xa7: {  	v8 =	vshll.u32 v7, $0x1  }
0xa8: {  	v7 =	vand.u32 $0x7, v7;
	v8 =	vand.u32 $0xFFFFFFF0, v8  }
0xa9: {  	v7 =	vor.u32 v7, v8  }
0xaa: {  	v8 =	vperm.xlane v7, v1;
	_ =	sdelay $0x1  }
0xab: {  	v7 =	vperm.xlane v7, v4;
	v8 =	vadd.s32 v2, v8;
	_ =	sdelay $0x1  }
0xac: {  	v7 =	vadd.s32 v2, v7;
	_ =	sdelay $0x2  }
0xad: {  	[tilespmem:s12], [sflag:$0x1] =	stream.indirect_vreg.gather [hbm4b:s2+s3], $0x80, v8, vm0, $0xb8;
	[tilespmem:$0x15F00] =	vst v63  }
0xae: {  	_ = 	snop  }
0xaf: {  	[tilespmem:s13], [sflag:$0x1] =	stream.indirect_vreg.gather [hbm4b:s2+s3], $0x80, v7, vm0, $0xb8;
	[tilespmem:$0x15F00] =	vst v63  }
0xb0: {  	v7 =	vld [tilespmem:$0x6B0];
	_ =	sdelay $0x4  }
0xb1: {  	v8 =	vshll.u32 v7, $0x1  }
0xb2: {  	v7 =	vand.u32 $0x7, v7;
	v8 =	vand.u32 $0xFFFFFFF0, v8  }
0xb3: {  	v7 =	vor.u32 v7, v8  }
0xb4: {  	v8 =	vperm.xlane v7, v1;
	_ =	sdelay $0x1  }
0xb5: {  	v7 =	vperm.xlane v7, v4;
	v8 =	vadd.s32 v2, v8;
	_ =	sdelay $0x1  }
0xb6: {  	v7 =	vadd.s32 v2, v7;
	_ =	sdelay $0x2  }
0xb7: {  	[tilespmem:s14], [sflag:$0x1] =	stream.indirect_vreg.gather [hbm4b:s2+s3], $0x80, v8, vm0, $0xb8;
	[tilespmem:$0x15F00] =	vst v63  }
0xb8: {  	_ = 	snop  }
0xb9: {  	[tilespmem:s15], [sflag:$0x1] =	stream.indirect_vreg.gather [hbm4b:s2+s3], $0x80, v7, vm0, $0xb8;
	[tilespmem:$0x15F00] =	vst v63  }
0xba: {  	v7 =	vld [tilespmem:$0x6C0];
	_ =	sdelay $0x4  }
0xbb: {  	v8 =	vshll.u32 v7, $0x1  }
0xbc: {  	v7 =	vand.u32 $0x7, v7;
	v8 =	vand.u32 $0xFFFFFFF0, v8  }
0xbd: {  	v7 =	vor.u32 v7, v8  }
0xbe: {  	v8 =	vperm.xlane v7, v1;
	_ =	sdelay $0x1  }
0xbf: {  	v7 =	vperm.xlane v7, v4;
	v8 =	vadd.s32 v2, v8;
	_ =	sdelay $0x1  }
0xc0: {  	v7 =	vadd.s32 v2, v7;
	_ =	sdelay $0x2  }
0xc1: {  	[tilespmem:s16], [sflag:$0x1] =	stream.indirect_vreg.gather [hbm4b:s2+s3], $0x80, v8, vm0, $0xb8;
	[tilespmem:$0x15F00] =	vst v63  }
0xc2: {  	_ = 	snop  }
0xc3: {  	[tilespmem:s17], [sflag:$0x1] =	stream.indirect_vreg.gather [hbm4b:s2+s3], $0x80, v7, vm0, $0xb8;
	[tilespmem:$0x15F00] =	vst v63  }
0xc4: {  	v7 =	vld [tilespmem:$0x6D0];
	_ =	sdelay $0x4  }
0xc5: {  	v8 =	vshll.u32 v7, $0x1  }
0xc6: {  	v7 =	vand.u32 $0x7, v7;
	v8 =	vand.u32 $0xFFFFFFF0, v8  }
0xc7: {  	v7 =	vor.u32 v7, v8  }
0xc8: {  	v8 =	vperm.xlane v7, v1;
	_ =	sdelay $0x1  }
0xc9: {  	v7 =	vperm.xlane v7, v4;
	v8 =	vadd.s32 v2, v8;
	_ =	sdelay $0x1  }
0xca: {  	v7 =	vadd.s32 v2, v7;
	_ =	sdelay $0x2  }
0xcb: {  	[tilespmem:s18], [sflag:$0x1] =	stream.indirect_vreg.gather [hbm4b:s2+s3], $0x80, v8, vm0, $0xb8;
	[tilespmem:$0x15F00] =	vst v63  }
0xcc: {  	_ = 	snop  }
0xcd: {  	[tilespmem:s19], [sflag:$0x1] =	stream.indirect_vreg.gather [hbm4b:s2+s3], $0x80, v7, vm0, $0xb8;
	[tilespmem:$0x15F00] =	vst v63  }
0xce: {  	v7 =	vld [tilespmem:$0x6E0];
	_ =	sdelay $0x4  }
0xcf: {  	v8 =	vshll.u32 v7, $0x1  }
0xd0: {  	v7 =	vand.u32 $0x7, v7;
	v8 =	vand.u32 $0xFFFFFFF0, v8  }
0xd1: {  	v7 =	vor.u32 v7, v8  }
0xd2: {  	v8 =	vperm.xlane v7, v1;
	_ =	sdelay $0x1  }
0xd3: {  	v7 =	vperm.xlane v7, v4;
	v8 =	vadd.s32 v2, v8;
	_ =	sdelay $0x1  }
0xd4: {  	v7 =	vadd.s32 v2, v7;
	_ =	sdelay $0x2  }
0xd5: {  	[tilespmem:s20], [sflag:$0x1] =	stream.indirect_vreg.gather [hbm4b:s2+s3], $0x80, v8, vm0, $0xb8;
	[tilespmem:$0x15F00] =	vst v63  }
0xd6: {  	_ = 	snop  }
0xd7: {  	[tilespmem:s21], [sflag:$0x1] =	stream.indirect_vreg.gather [hbm4b:s2+s3], $0x80, v7, vm0, $0xb8;
	[tilespmem:$0x15F00] =	vst v63  }
0xd8: {  	v7 =	vld [tilespmem:$0x6F0];
	_ =	sdelay $0x4  }
0xd9: {  	v8 =	vshll.u32 v7, $0x1  }
0xda: {  	v7 =	vand.u32 $0x7, v7;
	v8 =	vand.u32 $0xFFFFFFF0, v8  }
0xdb: {  	v7 =	vor.u32 v7, v8  }
0xdc: {  	v8 =	vperm.xlane v7, v1;
	_ =	sdelay $0x1  }
0xdd: {  	v7 =	vperm.xlane v7, v4;
	v8 =	vadd.s32 v2, v8;
	_ =	sdelay $0x1  }
0xde: {  	v7 =	vadd.s32 v2, v7;
	_ =	sdelay $0x2  }
0xdf: {  	[tilespmem:s22], [sflag:$0x1] =	stream.indirect_vreg.gather [hbm4b:s2+s3], $0x80, v8, vm0, $0xb8;
	[tilespmem:$0x15F00] =	vst v63  }
0xe0: {  	_ = 	snop  }
0xe1: {  	[tilespmem:s23], [sflag:$0x1] =	stream.indirect_vreg.gather [hbm4b:s2+s3], $0x80, v7, vm0, $0xb8;
	[tilespmem:$0x15F00] =	vst v63  }
0xe2: {  	s7 =	rddreg [dreg:$0x4]  }
0xe3: {  	[tilespmem:s24], [sflag:$0x2] =	stream.linear.gather [hbm4b:s7+s3], $0x1000, $0x38;
	[tilespmem:$0x15F00] =	vst v63  }
0xe4: {  	_ =	swait.ge [sflag:s5], $0x1000  }
0xe5: {  	[sflag:s5] =	ssyncset.done $0x0  }
0xe6: {  	s7 =	rddreg [dreg:$0x5];
	[sflag:s5] =	ssyncadd.s32 $0xFFFFF000  }
0xe7: {  	[tilespmem:s25], [sflag:$0x2] =	stream.linear.gather [hbm4b:s7+s3], $0x3000, $0x38;
	[tilespmem:$0x15F00] =	vst v63  }
0xe8: {  	_ =	swait.ge [sflag:s5], $0x3000  }
0xe9: {  	[sflag:s5] =	ssyncset.done $0x0  }
0xea: {  	s7 =	rddreg [dreg:$0x6];
	[sflag:s5] =	ssyncadd.s32 $0xFFFFD000  }
0xeb: {  	[tilespmem:s26], [sflag:$0x2] =	stream.linear.gather [hbm4b:s7+s3], $0x1000, $0x38;
	[tilespmem:$0x15F00] =	vst v63  }
0xec: {  	_ =	swait.ge [sflag:s5], $0x1000  }
0xed: {  	[sflag:s5] =	ssyncset.done $0x0  }
0xee: {  	s7 =	rddreg [dreg:$0x7];
	[sflag:s5] =	ssyncadd.s32 $0xFFFFF000  }
0xef: {  	[tilespmem:s28], [sflag:$0x2] =	stream.linear.gather [hbm4b:s7+s3], $0x100, $0x38;
	[tilespmem:$0x15F00] =	vst v63  }
0xf0: {  	_ =	swait.ge [sflag:s5], $0x100  }
0xf1: {  	[sflag:s5] =	ssyncset.done $0x0  }
0xf2: {  	s7 =	rddreg [dreg:$0x8];
	[sflag:s5] =	ssyncadd.s32 $0xFFFFFF00  }
0xf3: {  	[tilespmem:s29], [sflag:$0x2] =	stream.linear.gather [hbm4b:s7+s3], $0x300, $0x38;
	[tilespmem:$0x15F00] =	vst v63  }
0xf4: {  	_ =	swait.ge [sflag:s5], $0x300  }
0xf5: {  	[sflag:s5] =	ssyncset.done $0x0  }
0xf6: {  	s7 =	rddreg [dreg:$0x9];
	[sflag:s5] =	ssyncadd.s32 $0xFFFFFD00  }
0xf7: {  	[tilespmem:s30], [sflag:$0x2] =	stream.linear.gather [hbm4b:s7+s3], $0x100, $0x38;
	[tilespmem:$0x15F00] =	vst v63  }
0xf8: {  	_ =	swait.ge [sflag:s5], $0x100  }
0xf9: {  	[sflag:s5] =	ssyncset.done $0x0  }
0xfa: {  	[sflag:s5] =	ssyncadd.s32 $0xFFFFFF00  }
0xfb: {  	v7 =	vld [tilespmem:$0x0];
	_ =	sdelay $0x3  }
0xfc: {  	v14 =	vld [tilespmem:$0x1FF60]  }
0xfd: {  	v15 =	vld [tilespmem:$0x1FF70];
	v8 =	vmul.u32 $0x3, v7;
	_ =	sdelay $0x2  }
0xfe: {  	v9 =	vld [tilespmem:$0x100]  }
0xff: {  	v12 =	vld [tilespmem:$0x500];
	v11 =	vadd.s32 $0x1, v8  }
0x100: {  	v63 =	vld.idx.msk [tilespmem:v3+s29+$0x0], $0xffff  }
0x101: {  	v13 =	vadd.s32 $0x2, v8;
	v8 =	vld.idx.msk [tilespmem:v8+s25+$0x0], $0xffff  }
0x102: {  	v14 =	vld.idx.msk [tilespmem:v14+s29+$0x0], $0xffff  }
0x103: {  	v15 =	vld.idx.msk [tilespmem:v15+s29+$0x0], $0xffff  }
0x104: {  	v11 =	vld.idx.msk [tilespmem:v11+s25+$0x0], $0xffff  }
0x105: {  	v10 =	vld.idx.msk [tilespmem:v7+s24+$0x0], $0xffff  }
0x106: {  	v7 =	vld.idx.msk [tilespmem:v7+s26+$0x0], $0xffff;
	v8 =	vsub.f32 v8, v63  }
0x107: {  	v13 =	vld.idx.msk [tilespmem:v13+s25+$0x0], $0xffff  }
0x108: {  	[tilespmem:v5+s31+$0x0] =	vst.idx.msk $0xffff, v8;
	v8 =	vld [tilespmem:$0x1FF80]  }
0x109: {  	vm3 =	vgt.f32 v12, $5.000000000e-01;
	v12 =	vsub.f32 v11, v14;
	v14 =	vld [tilespmem:$0x1FF90];
	_ =	sdelay $0x4  }
0x10a: {  	vm2 =	vlt.f32 v9, $9.999999770e-03;
	vm1 =	veq.f32 v10, v9  }
0x10b: {  	vm1 =	vmand vm2, vm1;
	vm2 =	vgt.f32 v7, $5.000000000e-01;
	v7 =	vsub.f32 v13, v15  }
0x10c: {  	[tilespmem:v8+s31+$0x0] =	vst.idx.msk $0xffff, v12  }
0x10d: {  	[tilespmem:v14+s31+$0x0] =	vst.idx.msk $0xffff, v7;
	v7 =	vld [tilespmem:$0x1FFA0];
	_ =	sdelay $0x4  }
0x10e: {  	vm1 =	vmand vm1, vm3  }
0x10f: {  	vm1 =	vmand vm1, vm2  }
0x110: {  	v8 =	vsel vm1, $0x3F800000, v6  }
0x111: {  	[tilespmem:v7+s31+$0x0] =	vst.idx.msk $0xffff, v8;
	v7 =	vld [tilespmem:$0x1FFB0];
	_ =	sdelay $0x7  }
0x112: {  	[tilespmem:v7+s31+$0x0] =	vst.idx.msk $0xffff, v6;
	v7 =	vld [tilespmem:$0x1FFC0];
	_ =	sdelay $0x7  }
0x113: {  	[tilespmem:v7+s31+$0x0] =	vst.idx.msk $0xffff, v6;
	v7 =	vld [tilespmem:$0x1FFD0];
	_ =	sdelay $0x7  }
0x114: {  	[tilespmem:v7+s31+$0x0] =	vst.idx.msk $0xffff, v6;
	v7 =	vld [tilespmem:$0x1FFE0];
	_ =	sdelay $0x6  }
0x115: {  	v63 =	vld [tilespmem:$0x1FFF0]  }
0x116: {  	[tilespmem:v7+s31+$0x0] =	vst.idx.msk $0xffff, v6  }
0x117: {  	v7 =	vld [tilespmem:$0x10];
	_ =	sdelay $0x3  }
0x118: {  	v9 =	vld [tilespmem:$0x110]  }
0x119: {  	v12 =	vld [tilespmem:$0x510];
	v8 =	vmul.u32 $0x3, v7  }
0x11a: {  	v14 =	vld.idx.msk [tilespmem:v63+s29+$0x0], $0xffff  }
0x11b: {  	v15 =	vld.idx.msk [tilespmem:v17+s29+$0x0], $0xffff;
	v11 =	vadd.s32 $0x1, v8  }
0x11c: {  	v63 =	vld.idx.msk [tilespmem:v18+s29+$0x0], $0xffff;
	v13 =	vadd.s32 $0x2, v8  }
0x11d: {  	v10 =	vld.idx.msk [tilespmem:v7+s24+$0x0], $0xffff  }
0x11e: {  	v7 =	vld.idx.msk [tilespmem:v7+s26+$0x0], $0xffff  }
0x11f: {  	v8 =	vld.idx.msk [tilespmem:v8+s25+$0x0], $0xffff  }
0x120: {  	v11 =	vld.idx.msk [tilespmem:v11+s25+$0x0], $0xffff  }
0x121: {  	v13 =	vld.idx.msk [tilespmem:v13+s25+$0x0], $0xffff;
	_ =	sdelay $0x2  }
0x122: {  	vm2 =	vlt.f32 v9, $9.999999770e-03;
	vm1 =	veq.f32 v10, v9;
	v8 =	vsub.f32 v8, v14  }
0x123: {  	vm3 =	vgt.f32 v12, $5.000000000e-01;
	vm1 =	vmand vm2, vm1;
	v14 =	vsub.f32 v11, v15  }
0x124: {  	vm2 =	vgt.f32 v7, $5.000000000e-01;
	vm1 =	vmand vm1, vm3;
	v7 =	vsub.f32 v13, v63;
	[tilespmem:v19+s31+$0x0] =	vst.idx.msk $0xffff, v8  }
0x125: {  	vm1 =	vmand vm1, vm2;
	[tilespmem:v20+s31+$0x0] =	vst.idx.msk $0xffff, v14  }
0x126: {  	v8 =	vsel vm1, $0x3F800000, v6;
	[tilespmem:v21+s31+$0x0] =	vst.idx.msk $0xffff, v7  }
0x127: {  	[tilespmem:v22+s31+$0x0] =	vst.idx.msk $0xffff, v8  }
0x128: {  	[tilespmem:v23+s31+$0x0] =	vst.idx.msk $0xffff, v6  }
0x129: {  	[tilespmem:v24+s31+$0x0] =	vst.idx.msk $0xffff, v6  }
0x12a: {  	[tilespmem:v25+s31+$0x0] =	vst.idx.msk $0xffff, v6  }
0x12b: {  	[tilespmem:v26+s31+$0x0] =	vst.idx.msk $0xffff, v6  }
0x12c: {  	v7 =	vld [tilespmem:$0x20];
	_ =	sdelay $0x4  }
0x12d: {  	v9 =	vld [tilespmem:$0x120];
	v8 =	vmul.u32 $0x3, v7  }
0x12e: {  	v12 =	vld [tilespmem:$0x520]  }
0x12f: {  	v14 =	vld.idx.msk [tilespmem:v27+s29+$0x0], $0xffff;
	v11 =	vadd.s32 $0x1, v8  }
0x130: {  	v15 =	vld.idx.msk [tilespmem:v28+s29+$0x0], $0xffff;
	v63 =	vadd.s32 $0x2, v8  }
0x131: {  	v10 =	vld.idx.msk [tilespmem:v7+s24+$0x0], $0xffff  }
0x132: {  	v7 =	vld.idx.msk [tilespmem:v7+s26+$0x0], $0xffff  }
0x133: {  	v8 =	vld.idx.msk [tilespmem:v8+s25+$0x0], $0xffff  }
0x134: {  	v11 =	vld.idx.msk [tilespmem:v11+s25+$0x0], $0xffff  }
0x135: {  	v13 =	vld.idx.msk [tilespmem:v63+s25+$0x0], $0xffff  }
0x136: {  	v63 =	vld.idx.msk [tilespmem:v29+s29+$0x0], $0xffff;
	_ =	sdelay $0x2  }
0x137: {  	vm2 =	vlt.f32 v9, $9.999999770e-03;
	vm1 =	veq.f32 v10, v9;
	v8 =	vsub.f32 v8, v14  }
0x138: {  	vm3 =	vgt.f32 v12, $5.000000000e-01;
	vm1 =	vmand vm2, vm1;
	v14 =	vsub.f32 v11, v15  }
0x139: {  	vm2 =	vgt.f32 v7, $5.000000000e-01;
	vm1 =	vmand vm1, vm3;
	v7 =	vsub.f32 v13, v63;
	[tilespmem:v30+s31+$0x0] =	vst.idx.msk $0xffff, v8  }
0x13a: {  	vm1 =	vmand vm1, vm2;
	[tilespmem:v31+s31+$0x0] =	vst.idx.msk $0xffff, v14  }
0x13b: {  	v8 =	vsel vm1, $0x3F800000, v6;
	[tilespmem:v32+s31+$0x0] =	vst.idx.msk $0xffff, v7  }
0x13c: {  	[tilespmem:v33+s31+$0x0] =	vst.idx.msk $0xffff, v8  }
0x13d: {  	[tilespmem:v34+s31+$0x0] =	vst.idx.msk $0xffff, v6  }
0x13e: {  	[tilespmem:v35+s31+$0x0] =	vst.idx.msk $0xffff, v6  }
0x13f: {  	[tilespmem:v36+s31+$0x0] =	vst.idx.msk $0xffff, v6  }
0x140: {  	[tilespmem:v37+s31+$0x0] =	vst.idx.msk $0xffff, v6  }
0x141: {  	v7 =	vld [tilespmem:$0x30];
	_ =	sdelay $0x4  }
0x142: {  	v9 =	vld [tilespmem:$0x130];
	v8 =	vmul.u32 $0x3, v7  }
0x143: {  	v12 =	vld [tilespmem:$0x530]  }
0x144: {  	v14 =	vld.idx.msk [tilespmem:v38+s29+$0x0], $0xffff;
	v11 =	vadd.s32 $0x1, v8  }
0x145: {  	v15 =	vld.idx.msk [tilespmem:v39+s29+$0x0], $0xffff;
	v63 =	vadd.s32 $0x2, v8  }
0x146: {  	v10 =	vld.idx.msk [tilespmem:v7+s24+$0x0], $0xffff  }
0x147: {  	v7 =	vld.idx.msk [tilespmem:v7+s26+$0x0], $0xffff  }
0x148: {  	v8 =	vld.idx.msk [tilespmem:v8+s25+$0x0], $0xffff  }
0x149: {  	v11 =	vld.idx.msk [tilespmem:v11+s25+$0x0], $0xffff  }
0x14a: {  	v13 =	vld.idx.msk [tilespmem:v63+s25+$0x0], $0xffff  }
0x14b: {  	v63 =	vld.idx.msk [tilespmem:v40+s29+$0x0], $0xffff;
	_ =	sdelay $0x2  }
0x14c: {  	vm2 =	vlt.f32 v9, $9.999999770e-03;
	vm1 =	veq.f32 v10, v9;
	v8 =	vsub.f32 v8, v14  }
0x14d: {  	vm3 =	vgt.f32 v12, $5.000000000e-01;
	vm1 =	vmand vm2, vm1;
	v14 =	vsub.f32 v11, v15  }
0x14e: {  	vm2 =	vgt.f32 v7, $5.000000000e-01;
	vm1 =	vmand vm1, vm3;
	v7 =	vsub.f32 v13, v63;
	[tilespmem:v41+s31+$0x0] =	vst.idx.msk $0xffff, v8  }
0x14f: {  	vm1 =	vmand vm1, vm2;
	[tilespmem:v42+s31+$0x0] =	vst.idx.msk $0xffff, v14  }
0x150: {  	v8 =	vsel vm1, $0x3F800000, v6;
	[tilespmem:v43+s31+$0x0] =	vst.idx.msk $0xffff, v7  }
0x151: {  	[tilespmem:v44+s31+$0x0] =	vst.idx.msk $0xffff, v8  }
0x152: {  	[tilespmem:v45+s31+$0x0] =	vst.idx.msk $0xffff, v6  }
0x153: {  	[tilespmem:v46+s31+$0x0] =	vst.idx.msk $0xffff, v6  }
0x154: {  	[tilespmem:v47+s31+$0x0] =	vst.idx.msk $0xffff, v6  }
0x155: {  	[tilespmem:v48+s31+$0x0] =	vst.idx.msk $0xffff, v6  }
0x156: {  	v7 =	vld [tilespmem:$0x40];
	_ =	sdelay $0x4  }
0x157: {  	v9 =	vld [tilespmem:$0x140];
	v8 =	vmul.u32 $0x3, v7  }
0x158: {  	v12 =	vld [tilespmem:$0x540]  }
0x159: {  	v14 =	vld.idx.msk [tilespmem:v49+s29+$0x0], $0xffff;
	v11 =	vadd.s32 $0x1, v8  }
0x15a: {  	v15 =	vld.idx.msk [tilespmem:v50+s29+$0x0], $0xffff;
	v63 =	vadd.s32 $0x2, v8  }
0x15b: {  	v10 =	vld.idx.msk [tilespmem:v7+s24+$0x0], $0xffff  }
0x15c: {  	v7 =	vld.idx.msk [tilespmem:v7+s26+$0x0], $0xffff  }
0x15d: {  	v8 =	vld.idx.msk [tilespmem:v8+s25+$0x0], $0xffff  }
0x15e: {  	v11 =	vld.idx.msk [tilespmem:v11+s25+$0x0], $0xffff  }
0x15f: {  	v13 =	vld.idx.msk [tilespmem:v63+s25+$0x0], $0xffff  }
0x160: {  	v63 =	vld.idx.msk [tilespmem:v51+s29+$0x0], $0xffff;
	_ =	sdelay $0x2  }
0x161: {  	vm2 =	vlt.f32 v9, $9.999999770e-03;
	vm1 =	veq.f32 v10, v9;
	v8 =	vsub.f32 v8, v14  }
0x162: {  	vm3 =	vgt.f32 v12, $5.000000000e-01;
	vm1 =	vmand vm2, vm1;
	v14 =	vsub.f32 v11, v15  }
0x163: {  	vm2 =	vgt.f32 v7, $5.000000000e-01;
	vm1 =	vmand vm1, vm3;
	v7 =	vsub.f32 v13, v63;
	[tilespmem:v52+s31+$0x0] =	vst.idx.msk $0xffff, v8  }
0x164: {  	vm1 =	vmand vm1, vm2;
	[tilespmem:v53+s31+$0x0] =	vst.idx.msk $0xffff, v14  }
0x165: {  	v8 =	vsel vm1, $0x3F800000, v6;
	[tilespmem:v54+s31+$0x0] =	vst.idx.msk $0xffff, v7  }
0x166: {  	[tilespmem:v55+s31+$0x0] =	vst.idx.msk $0xffff, v8  }
0x167: {  	[tilespmem:v56+s31+$0x0] =	vst.idx.msk $0xffff, v6  }
0x168: {  	[tilespmem:v57+s31+$0x0] =	vst.idx.msk $0xffff, v6  }
0x169: {  	[tilespmem:v58+s31+$0x0] =	vst.idx.msk $0xffff, v6  }
0x16a: {  	[tilespmem:v59+s31+$0x0] =	vst.idx.msk $0xffff, v6  }
0x16b: {  	v7 =	vld [tilespmem:$0x50];
	_ =	sdelay $0x4  }
0x16c: {  	v9 =	vld [tilespmem:$0x150];
	v8 =	vmul.u32 $0x3, v7  }
0x16d: {  	v12 =	vld [tilespmem:$0x550]  }
0x16e: {  	v14 =	vld.idx.msk [tilespmem:v60+s29+$0x0], $0xffff;
	v11 =	vadd.s32 $0x1, v8  }
0x16f: {  	v15 =	vld.idx.msk [tilespmem:v61+s29+$0x0], $0xffff;
	v63 =	vadd.s32 $0x2, v8  }
0x170: {  	v10 =	vld.idx.msk [tilespmem:v7+s24+$0x0], $0xffff  }
0x171: {  	v7 =	vld.idx.msk [tilespmem:v7+s26+$0x0], $0xffff  }
0x172: {  	v8 =	vld.idx.msk [tilespmem:v8+s25+$0x0], $0xffff  }
0x173: {  	v11 =	vld.idx.msk [tilespmem:v11+s25+$0x0], $0xffff  }
0x174: {  	v13 =	vld.idx.msk [tilespmem:v63+s25+$0x0], $0xffff  }
0x175: {  	v16 =	vor.u32 $0x280, v5;
	v63 =	vld.idx.msk [tilespmem:v62+s29+$0x0], $0xffff  }
0x176: {  	vm1 =	veq.f32 v10, v9;
	v10 =	vor.u32 $0x281, v5  }
0x177: {  	vm2 =	vlt.f32 v9, $9.999999770e-03;
	vm3 =	vgt.f32 v12, $5.000000000e-01;
	v9 =	vor.u32 $0x282, v5  }
0x178: {  	vm4 =	vgt.f32 v7, $5.000000000e-01;
	v7 =	vsub.f32 v8, v14;
	v8 =	vor.u32 $0x283, v5  }
0x179: {  	v12 =	vor.u32 $0x284, v5;
	vm1 =	vmand vm2, vm1;
	v11 =	vsub.f32 v11, v15  }
0x17a: {  	vm1 =	vmand vm1, vm3;
	v13 =	vsub.f32 v13, v63;
	[tilespmem:v16+s31+$0x0] =	vst.idx.msk $0xffff, v7;
	v7 =	vor.u32 $0x285, v5  }
0x17b: {  	vm1 =	vmand vm1, vm4;
	[tilespmem:v10+s31+$0x0] =	vst.idx.msk $0xffff, v11;
	v10 =	vor.u32 $0x286, v5  }
0x17c: {  	v14 =	vor.u32 $0x287, v5;
	v63 =	vsel vm1, $0x3F800000, v6;
	[tilespmem:v9+s31+$0x0] =	vst.idx.msk $0xffff, v13  }
0x17d: {  	[tilespmem:v8+s31+$0x0] =	vst.idx.msk $0xffff, v63  }
0x17e: {  	[tilespmem:v12+s31+$0x0] =	vst.idx.msk $0xffff, v6  }
0x17f: {  	[tilespmem:v7+s31+$0x0] =	vst.idx.msk $0xffff, v6  }
0x180: {  	[tilespmem:v10+s31+$0x0] =	vst.idx.msk $0xffff, v6  }
0x181: {  	[tilespmem:v14+s31+$0x0] =	vst.idx.msk $0xffff, v6  }
0x182: {  	v7 =	vld [tilespmem:$0x60]  }
0x183: {  	v63 =	vadd.s32 $0x121, v3  }
0x184: {  	v16 =	vadd.s32 $0x122, v3  }
0x185: {  	v10 =	vadd.s32 $0x120, v3  }
0x186: {  	v9 =	vld [tilespmem:$0x160]  }
0x187: {  	v13 =	vld [tilespmem:$0x560];
	v8 =	vmul.u32 $0x3, v7  }
0x188: {  	v14 =	vld.idx.msk [tilespmem:v63+s29+$0x0], $0xffff  }
0x189: {  	v16 =	vld.idx.msk [tilespmem:v16+s29+$0x0], $0xffff;
	v12 =	vadd.s32 $0x1, v8  }
0x18a: {  	v10 =	vld.idx.msk [tilespmem:v10+s29+$0x0], $0xffff;
	v15 =	vadd.s32 $0x2, v8  }
0x18b: {  	v11 =	vld.idx.msk [tilespmem:v7+s24+$0x0], $0xffff  }
0x18c: {  	v7 =	vld.idx.msk [tilespmem:v7+s26+$0x0], $0xffff  }
0x18d: {  	v8 =	vld.idx.msk [tilespmem:v8+s25+$0x0], $0xffff  }
0x18e: {  	v12 =	vld.idx.msk [tilespmem:v12+s25+$0x0], $0xffff  }
0x18f: {  	v63 =	vor.u32 $0x300, v5;
	v15 =	vld.idx.msk [tilespmem:v15+s25+$0x0], $0xffff  }
0x190: {  	vm1 =	veq.f32 v11, v9;
	v11 =	vor.u32 $0x301, v5  }
0x191: {  	vm2 =	vlt.f32 v9, $9.999999770e-03;
	vm3 =	vgt.f32 v13, $5.000000000e-01;
	v9 =	vor.u32 $0x302, v5  }
0x192: {  	vm14 =	vgt.f32 v7, $5.000000000e-01;
	v7 =	vsub.f32 v8, v10;
	v8 =	vor.u32 $0x303, v5  }
0x193: {  	vm1 =	vmand vm2, vm1;
	v10 =	vsub.f32 v12, v14;
	v12 =	vor.u32 $0x304, v5  }
0x194: {  	vm1 =	vmand vm1, vm3;
	v13 =	vsub.f32 v15, v16;
	[tilespmem:v63+s31+$0x0] =	vst.idx.msk $0xffff, v7;
	v7 =	vor.u32 $0x305, v5  }
0x195: {  	vm1 =	vmand vm1, vm14;
	[tilespmem:v11+s31+$0x0] =	vst.idx.msk $0xffff, v10;
	v10 =	vor.u32 $0x306, v5  }
0x196: {  	v14 =	vor.u32 $0x307, v5;
	v63 =	vsel vm1, $0x3F800000, v6;
	[tilespmem:v9+s31+$0x0] =	vst.idx.msk $0xffff, v13  }
0x197: {  	[tilespmem:v8+s31+$0x0] =	vst.idx.msk $0xffff, v63  }
0x198: {  	[tilespmem:v12+s31+$0x0] =	vst.idx.msk $0xffff, v6  }
0x199: {  	[tilespmem:v7+s31+$0x0] =	vst.idx.msk $0xffff, v6  }
0x19a: {  	[tilespmem:v10+s31+$0x0] =	vst.idx.msk $0xffff, v6  }
0x19b: {  	[tilespmem:v14+s31+$0x0] =	vst.idx.msk $0xffff, v6  }
0x19c: {  	v7 =	vld [tilespmem:$0x70]  }
0x19d: {  	v63 =	vadd.s32 $0x151, v3  }
0x19e: {  	v16 =	vadd.s32 $0x152, v3  }
0x19f: {  	v10 =	vadd.s32 $0x150, v3  }
0x1a0: {  	v9 =	vld [tilespmem:$0x170]  }
0x1a1: {  	v13 =	vld [tilespmem:$0x570];
	v8 =	vmul.u32 $0x3, v7  }
0x1a2: {  	v14 =	vld.idx.msk [tilespmem:v63+s29+$0x0], $0xffff  }
0x1a3: {  	v16 =	vld.idx.msk [tilespmem:v16+s29+$0x0], $0xffff;
	v12 =	vadd.s32 $0x1, v8  }
0x1a4: {  	v10 =	vld.idx.msk [tilespmem:v10+s29+$0x0], $0xffff;
	v15 =	vadd.s32 $0x2, v8  }
0x1a5: {  	v11 =	vld.idx.msk [tilespmem:v7+s24+$0x0], $0xffff  }
0x1a6: {  	v7 =	vld.idx.msk [tilespmem:v7+s26+$0x0], $0xffff  }
0x1a7: {  	v8 =	vld.idx.msk [tilespmem:v8+s25+$0x0], $0xffff  }
0x1a8: {  	v12 =	vld.idx.msk [tilespmem:v12+s25+$0x0], $0xffff  }
0x1a9: {  	v63 =	vor.u32 $0x380, v5;
	v15 =	vld.idx.msk [tilespmem:v15+s25+$0x0], $0xffff  }
0x1aa: {  	vm1 =	veq.f32 v11, v9;
	v11 =	vor.u32 $0x381, v5  }
0x1ab: {  	vm2 =	vlt.f32 v9, $9.999999770e-03;
	vm3 =	vgt.f32 v13, $5.000000000e-01;
	v9 =	vor.u32 $0x382, v5  }
0x1ac: {  	vm15 =	vgt.f32 v7, $5.000000000e-01;
	v7 =	vsub.f32 v8, v10;
	v8 =	vor.u32 $0x383, v5  }
0x1ad: {  	vm1 =	vmand vm2, vm1;
	v10 =	vsub.f32 v12, v14;
	v12 =	vor.u32 $0x384, v5  }
0x1ae: {  	vm1 =	vmand vm1, vm3;
	v13 =	vsub.f32 v15, v16;
	[tilespmem:v63+s31+$0x0] =	vst.idx.msk $0xffff, v7;
	v7 =	vor.u32 $0x385, v5  }
0x1af: {  	vm1 =	vmand vm1, vm15;
	[tilespmem:v11+s31+$0x0] =	vst.idx.msk $0xffff, v10;
	v10 =	vor.u32 $0x386, v5  }
0x1b0: {  	v14 =	vor.u32 $0x387, v5;
	v63 =	vsel vm1, $0x3F800000, v6;
	[tilespmem:v9+s31+$0x0] =	vst.idx.msk $0xffff, v13  }
0x1b1: {  	[tilespmem:v8+s31+$0x0] =	vst.idx.msk $0xffff, v63  }
0x1b2: {  	[tilespmem:v12+s31+$0x0] =	vst.idx.msk $0xffff, v6  }
0x1b3: {  	[tilespmem:v7+s31+$0x0] =	vst.idx.msk $0xffff, v6  }
0x1b4: {  	[tilespmem:v10+s31+$0x0] =	vst.idx.msk $0xffff, v6  }
0x1b5: {  	[tilespmem:v14+s31+$0x0] =	vst.idx.msk $0xffff, v6  }
0x1b6: {  	v7 =	vld [tilespmem:$0x80]  }
0x1b7: {  	v63 =	vadd.s32 $0x181, v3  }
0x1b8: {  	v16 =	vadd.s32 $0x182, v3  }
0x1b9: {  	v10 =	vor.u32 $0x180, v3  }
0x1ba: {  	v9 =	vld [tilespmem:$0x180]  }
0x1bb: {  	v13 =	vld [tilespmem:$0x580];
	v8 =	vmul.u32 $0x3, v7  }
0x1bc: {  	v14 =	vld.idx.msk [tilespmem:v63+s29+$0x0], $0xffff  }
0x1bd: {  	v16 =	vld.idx.msk [tilespmem:v16+s29+$0x0], $0xffff;
	v12 =	vadd.s32 $0x1, v8  }
0x1be: {  	v10 =	vld.idx.msk [tilespmem:v10+s29+$0x0], $0xffff;
	v15 =	vadd.s32 $0x2, v8  }
0x1bf: {  	v11 =	vld.idx.msk [tilespmem:v7+s24+$0x0], $0xffff  }
0x1c0: {  	v7 =	vld.idx.msk [tilespmem:v7+s26+$0x0], $0xffff  }
0x1c1: {  	v8 =	vld.idx.msk [tilespmem:v8+s25+$0x0], $0xffff  }
0x1c2: {  	v12 =	vld.idx.msk [tilespmem:v12+s25+$0x0], $0xffff  }
0x1c3: {  	v63 =	vor.u32 $0x400, v5;
	v15 =	vld.idx.msk [tilespmem:v15+s25+$0x0], $0xffff  }
0x1c4: {  	vm1 =	veq.f32 v11, v9;
	v11 =	vor.u32 $0x401, v5  }
0x1c5: {  	vm2 =	vlt.f32 v9, $9.999999770e-03;
	vm3 =	vgt.f32 v13, $5.000000000e-01;
	v9 =	vor.u32 $0x402, v5  }
0x1c6: {  	vm8 =	vgt.f32 v7, $5.000000000e-01;
	v7 =	vsub.f32 v8, v10;
	v8 =	vor.u32 $0x403, v5  }
0x1c7: {  	vm1 =	vmand vm2, vm1;
	v10 =	vsub.f32 v12, v14;
	v12 =	vor.u32 $0x404, v5  }
0x1c8: {  	vm1 =	vmand vm1, vm3;
	v13 =	vsub.f32 v15, v16;
	[tilespmem:v63+s31+$0x0] =	vst.idx.msk $0xffff, v7;
	v7 =	vor.u32 $0x405, v5  }
0x1c9: {  	vm1 =	vmand vm1, vm8;
	[tilespmem:v11+s31+$0x0] =	vst.idx.msk $0xffff, v10;
	v10 =	vor.u32 $0x406, v5  }
0x1ca: {  	v14 =	vor.u32 $0x407, v5;
	v63 =	vsel vm1, $0x3F800000, v6;
	[tilespmem:v9+s31+$0x0] =	vst.idx.msk $0xffff, v13  }
0x1cb: {  	[tilespmem:v8+s31+$0x0] =	vst.idx.msk $0xffff, v63  }
0x1cc: {  	[tilespmem:v12+s31+$0x0] =	vst.idx.msk $0xffff, v6  }
0x1cd: {  	[tilespmem:v7+s31+$0x0] =	vst.idx.msk $0xffff, v6  }
0x1ce: {  	[tilespmem:v10+s31+$0x0] =	vst.idx.msk $0xffff, v6  }
0x1cf: {  	[tilespmem:v14+s31+$0x0] =	vst.idx.msk $0xffff, v6  }
0x1d0: {  	v7 =	vld [tilespmem:$0x90]  }
0x1d1: {  	v63 =	vadd.s32 $0x1B1, v3  }
0x1d2: {  	v16 =	vadd.s32 $0x1B2, v3  }
0x1d3: {  	v10 =	vadd.s32 $0x1B0, v3  }
0x1d4: {  	v9 =	vld [tilespmem:$0x190]  }
0x1d5: {  	v13 =	vld [tilespmem:$0x590];
	v8 =	vmul.u32 $0x3, v7  }
0x1d6: {  	v14 =	vld.idx.msk [tilespmem:v63+s29+$0x0], $0xffff  }
0x1d7: {  	v16 =	vld.idx.msk [tilespmem:v16+s29+$0x0], $0xffff;
	v12 =	vadd.s32 $0x1, v8  }
0x1d8: {  	v10 =	vld.idx.msk [tilespmem:v10+s29+$0x0], $0xffff;
	v15 =	vadd.s32 $0x2, v8  }
0x1d9: {  	v11 =	vld.idx.msk [tilespmem:v7+s24+$0x0], $0xffff  }
0x1da: {  	v7 =	vld.idx.msk [tilespmem:v7+s26+$0x0], $0xffff  }
0x1db: {  	v8 =	vld.idx.msk [tilespmem:v8+s25+$0x0], $0xffff  }
0x1dc: {  	v12 =	vld.idx.msk [tilespmem:v12+s25+$0x0], $0xffff  }
0x1dd: {  	v63 =	vor.u32 $0x480, v5;
	v15 =	vld.idx.msk [tilespmem:v15+s25+$0x0], $0xffff  }
0x1de: {  	vm1 =	veq.f32 v11, v9;
	v11 =	vor.u32 $0x481, v5  }
0x1df: {  	vm2 =	vlt.f32 v9, $9.999999770e-03;
	vm3 =	vgt.f32 v13, $5.000000000e-01;
	v9 =	vor.u32 $0x482, v5  }
0x1e0: {  	vm9 =	vgt.f32 v7, $5.000000000e-01;
	v7 =	vsub.f32 v8, v10;
	v8 =	vor.u32 $0x483, v5  }
0x1e1: {  	vm1 =	vmand vm2, vm1;
	v10 =	vsub.f32 v12, v14;
	v12 =	vor.u32 $0x484, v5  }
0x1e2: {  	vm1 =	vmand vm1, vm3;
	v13 =	vsub.f32 v15, v16;
	[tilespmem:v63+s31+$0x0] =	vst.idx.msk $0xffff, v7;
	v7 =	vor.u32 $0x485, v5  }
0x1e3: {  	vm1 =	vmand vm1, vm9;
	[tilespmem:v11+s31+$0x0] =	vst.idx.msk $0xffff, v10;
	v10 =	vor.u32 $0x486, v5  }
0x1e4: {  	v14 =	vor.u32 $0x487, v5;
	v63 =	vsel vm1, $0x3F800000, v6;
	[tilespmem:v9+s31+$0x0] =	vst.idx.msk $0xffff, v13  }
0x1e5: {  	[tilespmem:v8+s31+$0x0] =	vst.idx.msk $0xffff, v63  }
0x1e6: {  	[tilespmem:v12+s31+$0x0] =	vst.idx.msk $0xffff, v6  }
0x1e7: {  	[tilespmem:v7+s31+$0x0] =	vst.idx.msk $0xffff, v6  }
0x1e8: {  	[tilespmem:v10+s31+$0x0] =	vst.idx.msk $0xffff, v6  }
0x1e9: {  	[tilespmem:v14+s31+$0x0] =	vst.idx.msk $0xffff, v6  }
0x1ea: {  	v7 =	vld [tilespmem:$0xA0]  }
0x1eb: {  	v63 =	vadd.s32 $0x1E1, v3  }
0x1ec: {  	v16 =	vadd.s32 $0x1E2, v3  }
0x1ed: {  	v10 =	vadd.s32 $0x1E0, v3  }
0x1ee: {  	v9 =	vld [tilespmem:$0x1A0]  }
0x1ef: {  	v13 =	vld [tilespmem:$0x5A0];
	v8 =	vmul.u32 $0x3, v7  }
0x1f0: {  	v14 =	vld.idx.msk [tilespmem:v63+s29+$0x0], $0xffff  }
0x1f1: {  	v16 =	vld.idx.msk [tilespmem:v16+s29+$0x0], $0xffff;
	v12 =	vadd.s32 $0x1, v8  }
0x1f2: {  	v10 =	vld.idx.msk [tilespmem:v10+s29+$0x0], $0xffff;
	v15 =	vadd.s32 $0x2, v8  }
0x1f3: {  	v11 =	vld.idx.msk [tilespmem:v7+s24+$0x0], $0xffff  }
0x1f4: {  	v7 =	vld.idx.msk [tilespmem:v7+s26+$0x0], $0xffff  }
0x1f5: {  	v8 =	vld.idx.msk [tilespmem:v8+s25+$0x0], $0xffff  }
0x1f6: {  	v12 =	vld.idx.msk [tilespmem:v12+s25+$0x0], $0xffff  }
0x1f7: {  	v63 =	vor.u32 $0x500, v5;
	v15 =	vld.idx.msk [tilespmem:v15+s25+$0x0], $0xffff  }
0x1f8: {  	vm1 =	veq.f32 v11, v9;
	v11 =	vor.u32 $0x501, v5  }
0x1f9: {  	vm2 =	vlt.f32 v9, $9.999999770e-03;
	vm3 =	vgt.f32 v13, $5.000000000e-01;
	v9 =	vor.u32 $0x502, v5  }
0x1fa: {  	vm10 =	vgt.f32 v7, $5.000000000e-01;
	v7 =	vsub.f32 v8, v10;
	v8 =	vor.u32 $0x503, v5  }
0x1fb: {  	vm1 =	vmand vm2, vm1;
	v10 =	vsub.f32 v12, v14;
	v12 =	vor.u32 $0x504, v5  }
0x1fc: {  	vm1 =	vmand vm1, vm3;
	v13 =	vsub.f32 v15, v16;
	[tilespmem:v63+s31+$0x0] =	vst.idx.msk $0xffff, v7;
	v7 =	vor.u32 $0x505, v5  }
0x1fd: {  	vm1 =	vmand vm1, vm10;
	[tilespmem:v11+s31+$0x0] =	vst.idx.msk $0xffff, v10;
	v10 =	vor.u32 $0x506, v5  }
0x1fe: {  	v14 =	vor.u32 $0x507, v5;
	v63 =	vsel vm1, $0x3F800000, v6;
	[tilespmem:v9+s31+$0x0] =	vst.idx.msk $0xffff, v13  }
0x1ff: {  	[tilespmem:v8+s31+$0x0] =	vst.idx.msk $0xffff, v63  }
0x200: {  	[tilespmem:v12+s31+$0x0] =	vst.idx.msk $0xffff, v6  }
0x201: {  	[tilespmem:v7+s31+$0x0] =	vst.idx.msk $0xffff, v6  }
0x202: {  	[tilespmem:v10+s31+$0x0] =	vst.idx.msk $0xffff, v6  }
0x203: {  	[tilespmem:v14+s31+$0x0] =	vst.idx.msk $0xffff, v6  }
0x204: {  	v7 =	vld [tilespmem:$0xB0]  }
0x205: {  	v63 =	vadd.s32 $0x211, v3  }
0x206: {  	v16 =	vadd.s32 $0x212, v3  }
0x207: {  	v10 =	vadd.s32 $0x210, v3  }
0x208: {  	v9 =	vld [tilespmem:$0x1B0]  }
0x209: {  	v13 =	vld [tilespmem:$0x5B0];
	v8 =	vmul.u32 $0x3, v7  }
0x20a: {  	v14 =	vld.idx.msk [tilespmem:v63+s29+$0x0], $0xffff  }
0x20b: {  	v16 =	vld.idx.msk [tilespmem:v16+s29+$0x0], $0xffff;
	v12 =	vadd.s32 $0x1, v8  }
0x20c: {  	v10 =	vld.idx.msk [tilespmem:v10+s29+$0x0], $0xffff;
	v15 =	vadd.s32 $0x2, v8  }
0x20d: {  	v11 =	vld.idx.msk [tilespmem:v7+s24+$0x0], $0xffff  }
0x20e: {  	v7 =	vld.idx.msk [tilespmem:v7+s26+$0x0], $0xffff  }
0x20f: {  	v8 =	vld.idx.msk [tilespmem:v8+s25+$0x0], $0xffff  }
0x210: {  	v12 =	vld.idx.msk [tilespmem:v12+s25+$0x0], $0xffff  }
0x211: {  	v63 =	vor.u32 $0x580, v5;
	v15 =	vld.idx.msk [tilespmem:v15+s25+$0x0], $0xffff  }
0x212: {  	vm1 =	veq.f32 v11, v9;
	v11 =	vor.u32 $0x581, v5  }
0x213: {  	vm2 =	vlt.f32 v9, $9.999999770e-03;
	vm3 =	vgt.f32 v13, $5.000000000e-01;
	v9 =	vor.u32 $0x582, v5  }
0x214: {  	vm11 =	vgt.f32 v7, $5.000000000e-01;
	v7 =	vsub.f32 v8, v10;
	v8 =	vor.u32 $0x583, v5  }
0x215: {  	vm1 =	vmand vm2, vm1;
	v10 =	vsub.f32 v12, v14;
	v12 =	vor.u32 $0x584, v5  }
0x216: {  	vm1 =	vmand vm1, vm3;
	v13 =	vsub.f32 v15, v16;
	[tilespmem:v63+s31+$0x0] =	vst.idx.msk $0xffff, v7;
	v7 =	vor.u32 $0x585, v5  }
0x217: {  	vm1 =	vmand vm1, vm11;
	[tilespmem:v11+s31+$0x0] =	vst.idx.msk $0xffff, v10;
	v10 =	vor.u32 $0x586, v5  }
0x218: {  	v14 =	vor.u32 $0x587, v5;
	v63 =	vsel vm1, $0x3F800000, v6;
	[tilespmem:v9+s31+$0x0] =	vst.idx.msk $0xffff, v13  }
0x219: {  	[tilespmem:v8+s31+$0x0] =	vst.idx.msk $0xffff, v63  }
0x21a: {  	[tilespmem:v12+s31+$0x0] =	vst.idx.msk $0xffff, v6  }
0x21b: {  	[tilespmem:v7+s31+$0x0] =	vst.idx.msk $0xffff, v6  }
0x21c: {  	[tilespmem:v10+s31+$0x0] =	vst.idx.msk $0xffff, v6  }
0x21d: {  	[tilespmem:v14+s31+$0x0] =	vst.idx.msk $0xffff, v6  }
0x21e: {  	v7 =	vld [tilespmem:$0xC0]  }
0x21f: {  	v63 =	vadd.s32 $0x241, v3  }
0x220: {  	v16 =	vadd.s32 $0x242, v3  }
0x221: {  	v10 =	vor.u32 $0x240, v3  }
0x222: {  	v9 =	vld [tilespmem:$0x1C0]  }
0x223: {  	v13 =	vld [tilespmem:$0x5C0];
	v8 =	vmul.u32 $0x3, v7  }
0x224: {  	v14 =	vld.idx.msk [tilespmem:v63+s29+$0x0], $0xffff  }
0x225: {  	v16 =	vld.idx.msk [tilespmem:v16+s29+$0x0], $0xffff;
	v12 =	vadd.s32 $0x1, v8  }
0x226: {  	v10 =	vld.idx.msk [tilespmem:v10+s29+$0x0], $0xffff;
	v15 =	vadd.s32 $0x2, v8  }
0x227: {  	v11 =	vld.idx.msk [tilespmem:v7+s24+$0x0], $0xffff  }
0x228: {  	v7 =	vld.idx.msk [tilespmem:v7+s26+$0x0], $0xffff  }
0x229: {  	v8 =	vld.idx.msk [tilespmem:v8+s25+$0x0], $0xffff  }
0x22a: {  	v12 =	vld.idx.msk [tilespmem:v12+s25+$0x0], $0xffff  }
0x22b: {  	v63 =	vor.u32 $0x600, v5;
	v15 =	vld.idx.msk [tilespmem:v15+s25+$0x0], $0xffff  }
0x22c: {  	vm1 =	veq.f32 v11, v9;
	v11 =	vor.u32 $0x601, v5  }
0x22d: {  	vm2 =	vlt.f32 v9, $9.999999770e-03;
	vm3 =	vgt.f32 v13, $5.000000000e-01;
	v9 =	vor.u32 $0x602, v5  }
0x22e: {  	vm12 =	vgt.f32 v7, $5.000000000e-01;
	v7 =	vsub.f32 v8, v10;
	v8 =	vor.u32 $0x603, v5  }
0x22f: {  	vm1 =	vmand vm2, vm1;
	v10 =	vsub.f32 v12, v14;
	v12 =	vor.u32 $0x604, v5  }
0x230: {  	vm1 =	vmand vm1, vm3;
	v13 =	vsub.f32 v15, v16;
	[tilespmem:v63+s31+$0x0] =	vst.idx.msk $0xffff, v7;
	v7 =	vor.u32 $0x605, v5  }
0x231: {  	vm1 =	vmand vm1, vm12;
	[tilespmem:v11+s31+$0x0] =	vst.idx.msk $0xffff, v10;
	v10 =	vor.u32 $0x606, v5  }
0x232: {  	v14 =	vor.u32 $0x607, v5;
	v63 =	vsel vm1, $0x3F800000, v6;
	[tilespmem:v9+s31+$0x0] =	vst.idx.msk $0xffff, v13  }
0x233: {  	[tilespmem:v8+s31+$0x0] =	vst.idx.msk $0xffff, v63  }
0x234: {  	[tilespmem:v12+s31+$0x0] =	vst.idx.msk $0xffff, v6  }
0x235: {  	[tilespmem:v7+s31+$0x0] =	vst.idx.msk $0xffff, v6  }
0x236: {  	[tilespmem:v10+s31+$0x0] =	vst.idx.msk $0xffff, v6  }
0x237: {  	[tilespmem:v14+s31+$0x0] =	vst.idx.msk $0xffff, v6  }
0x238: {  	v7 =	vld [tilespmem:$0xD0]  }
0x239: {  	v63 =	vadd.s32 $0x271, v3  }
0x23a: {  	v16 =	vadd.s32 $0x272, v3  }
0x23b: {  	v10 =	vadd.s32 $0x270, v3  }
0x23c: {  	v9 =	vld [tilespmem:$0x1D0]  }
0x23d: {  	v13 =	vld [tilespmem:$0x5D0];
	v8 =	vmul.u32 $0x3, v7  }
0x23e: {  	v14 =	vld.idx.msk [tilespmem:v63+s29+$0x0], $0xffff  }
0x23f: {  	v16 =	vld.idx.msk [tilespmem:v16+s29+$0x0], $0xffff;
	v12 =	vadd.s32 $0x1, v8  }
0x240: {  	v10 =	vld.idx.msk [tilespmem:v10+s29+$0x0], $0xffff;
	v15 =	vadd.s32 $0x2, v8  }
0x241: {  	v11 =	vld.idx.msk [tilespmem:v7+s24+$0x0], $0xffff  }
0x242: {  	v7 =	vld.idx.msk [tilespmem:v7+s26+$0x0], $0xffff  }
0x243: {  	v8 =	vld.idx.msk [tilespmem:v8+s25+$0x0], $0xffff  }
0x244: {  	v12 =	vld.idx.msk [tilespmem:v12+s25+$0x0], $0xffff  }
0x245: {  	v63 =	vor.u32 $0x680, v5;
	v15 =	vld.idx.msk [tilespmem:v15+s25+$0x0], $0xffff  }
0x246: {  	vm1 =	veq.f32 v11, v9;
	v11 =	vor.u32 $0x681, v5  }
0x247: {  	vm2 =	vlt.f32 v9, $9.999999770e-03;
	vm3 =	vgt.f32 v13, $5.000000000e-01;
	v9 =	vor.u32 $0x682, v5  }
0x248: {  	vm13 =	vgt.f32 v7, $5.000000000e-01;
	v7 =	vsub.f32 v8, v10;
	v8 =	vor.u32 $0x683, v5  }
0x249: {  	vm1 =	vmand vm2, vm1;
	v10 =	vsub.f32 v12, v14;
	v12 =	vor.u32 $0x684, v5  }
0x24a: {  	vm1 =	vmand vm1, vm3;
	v13 =	vsub.f32 v15, v16;
	[tilespmem:v63+s31+$0x0] =	vst.idx.msk $0xffff, v7;
	v7 =	vor.u32 $0x685, v5  }
0x24b: {  	vm1 =	vmand vm1, vm13;
	[tilespmem:v11+s31+$0x0] =	vst.idx.msk $0xffff, v10;
	v10 =	vor.u32 $0x686, v5  }
0x24c: {  	v14 =	vor.u32 $0x687, v5;
	v63 =	vsel vm1, $0x3F800000, v6;
	[tilespmem:v9+s31+$0x0] =	vst.idx.msk $0xffff, v13  }
0x24d: {  	[tilespmem:v8+s31+$0x0] =	vst.idx.msk $0xffff, v63  }
0x24e: {  	[tilespmem:v12+s31+$0x0] =	vst.idx.msk $0xffff, v6  }
0x24f: {  	[tilespmem:v7+s31+$0x0] =	vst.idx.msk $0xffff, v6  }
0x250: {  	[tilespmem:v10+s31+$0x0] =	vst.idx.msk $0xffff, v6  }
0x251: {  	[tilespmem:v14+s31+$0x0] =	vst.idx.msk $0xffff, v6  }
0x252: {  	v7 =	vld [tilespmem:$0xE0]  }
0x253: {  	v63 =	vadd.s32 $0x2A1, v3  }
0x254: {  	v16 =	vadd.s32 $0x2A2, v3  }
0x255: {  	v10 =	vadd.s32 $0x2A0, v3  }
0x256: {  	v9 =	vld [tilespmem:$0x1E0]  }
0x257: {  	v13 =	vld [tilespmem:$0x5E0];
	v8 =	vmul.u32 $0x3, v7  }
0x258: {  	v14 =	vld.idx.msk [tilespmem:v63+s29+$0x0], $0xffff  }
0x259: {  	v16 =	vld.idx.msk [tilespmem:v16+s29+$0x0], $0xffff;
	v12 =	vadd.s32 $0x1, v8  }
0x25a: {  	v10 =	vld.idx.msk [tilespmem:v10+s29+$0x0], $0xffff;
	v15 =	vadd.s32 $0x2, v8  }
0x25b: {  	v11 =	vld.idx.msk [tilespmem:v7+s24+$0x0], $0xffff  }
0x25c: {  	v7 =	vld.idx.msk [tilespmem:v7+s26+$0x0], $0xffff  }
0x25d: {  	v8 =	vld.idx.msk [tilespmem:v8+s25+$0x0], $0xffff  }
0x25e: {  	v12 =	vld.idx.msk [tilespmem:v12+s25+$0x0], $0xffff  }
0x25f: {  	v63 =	vor.u32 $0x700, v5;
	v15 =	vld.idx.msk [tilespmem:v15+s25+$0x0], $0xffff  }
0x260: {  	vm1 =	veq.f32 v11, v9;
	v11 =	vor.u32 $0x701, v5  }
0x261: {  	vm2 =	vlt.f32 v9, $9.999999770e-03;
	vm3 =	vgt.f32 v13, $5.000000000e-01;
	v9 =	vor.u32 $0x702, v5  }
0x262: {  	vm14 =	vgt.f32 v7, $5.000000000e-01;
	v7 =	vsub.f32 v8, v10;
	v8 =	vor.u32 $0x703, v5  }
0x263: {  	vm1 =	vmand vm2, vm1;
	v10 =	vsub.f32 v12, v14;
	v12 =	vor.u32 $0x704, v5  }
0x264: {  	vm1 =	vmand vm1, vm3;
	v13 =	vsub.f32 v15, v16;
	[tilespmem:v63+s31+$0x0] =	vst.idx.msk $0xffff, v7;
	v7 =	vor.u32 $0x705, v5  }
0x265: {  	vm1 =	vmand vm1, vm14;
	[tilespmem:v11+s31+$0x0] =	vst.idx.msk $0xffff, v10;
	v10 =	vor.u32 $0x706, v5  }
0x266: {  	v14 =	vor.u32 $0x707, v5;
	v63 =	vsel vm1, $0x3F800000, v6;
	[tilespmem:v9+s31+$0x0] =	vst.idx.msk $0xffff, v13  }
0x267: {  	[tilespmem:v8+s31+$0x0] =	vst.idx.msk $0xffff, v63  }
0x268: {  	[tilespmem:v12+s31+$0x0] =	vst.idx.msk $0xffff, v6  }
0x269: {  	[tilespmem:v7+s31+$0x0] =	vst.idx.msk $0xffff, v6  }
0x26a: {  	[tilespmem:v10+s31+$0x0] =	vst.idx.msk $0xffff, v6  }
0x26b: {  	[tilespmem:v14+s31+$0x0] =	vst.idx.msk $0xffff, v6  }
0x26c: {  	v7 =	vld [tilespmem:$0xF0]  }
0x26d: {  	v63 =	vadd.s32 $0x2D1, v3  }
0x26e: {  	v16 =	vadd.s32 $0x2D2, v3  }
0x26f: {  	v10 =	vadd.s32 $0x2D0, v3  }
0x270: {  	v9 =	vld [tilespmem:$0x1F0]  }
0x271: {  	v13 =	vld [tilespmem:$0x5F0];
	v8 =	vmul.u32 $0x3, v7  }
0x272: {  	v14 =	vld.idx.msk [tilespmem:v63+s29+$0x0], $0xffff  }
0x273: {  	v16 =	vld.idx.msk [tilespmem:v16+s29+$0x0], $0xffff;
	v12 =	vadd.s32 $0x1, v8  }
0x274: {  	v10 =	vld.idx.msk [tilespmem:v10+s29+$0x0], $0xffff;
	v15 =	vadd.s32 $0x2, v8  }
0x275: {  	v11 =	vld.idx.msk [tilespmem:v7+s24+$0x0], $0xffff  }
0x276: {  	v7 =	vld.idx.msk [tilespmem:v7+s26+$0x0], $0xffff  }
0x277: {  	v8 =	vld.idx.msk [tilespmem:v8+s25+$0x0], $0xffff  }
0x278: {  	v12 =	vld.idx.msk [tilespmem:v12+s25+$0x0], $0xffff  }
0x279: {  	v63 =	vor.u32 $0x780, v5;
	v15 =	vld.idx.msk [tilespmem:v15+s25+$0x0], $0xffff  }
0x27a: {  	vm1 =	veq.f32 v11, v9;
	v11 =	vor.u32 $0x781, v5  }
0x27b: {  	vm2 =	vlt.f32 v9, $9.999999770e-03;
	vm3 =	vgt.f32 v13, $5.000000000e-01;
	v9 =	vor.u32 $0x782, v5  }
0x27c: {  	vm15 =	vgt.f32 v7, $5.000000000e-01;
	v7 =	vsub.f32 v8, v10;
	v8 =	vor.u32 $0x783, v5  }
0x27d: {  	vm1 =	vmand vm2, vm1;
	v10 =	vsub.f32 v12, v14;
	v12 =	vor.u32 $0x784, v5  }
0x27e: {  	v13 =	vor.u32 $0x785, v5;
	vm1 =	vmand vm1, vm3;
	[tilespmem:v63+s31+$0x0] =	vst.idx.msk $0xffff, v7;
	v7 =	vsub.f32 v15, v16  }
0x27f: {  	vm1 =	vmand vm1, vm15;
	v14 =	vor.u32 $0x786, v5;
	[tilespmem:v11+s31+$0x0] =	vst.idx.msk $0xffff, v10  }
0x280: {  	v63 =	vor.u32 $0x787, v5;
	[tilespmem:v9+s31+$0x0] =	vst.idx.msk $0xffff, v7;
	v7 =	vsel vm1, $0x3F800000, v6  }
0x281: {  	[tilespmem:v8+s31+$0x0] =	vst.idx.msk $0xffff, v7  }
0x282: {  	[tilespmem:v12+s31+$0x0] =	vst.idx.msk $0xffff, v6  }
0x283: {  	[tilespmem:v13+s31+$0x0] =	vst.idx.msk $0xffff, v6  }
0x284: {  	[tilespmem:v14+s31+$0x0] =	vst.idx.msk $0xffff, v6  }
0x285: {  	[tilespmem:v63+s31+$0x0] =	vst.idx.msk $0xffff, v6  }
0x286: {  	_ =	swait.ge [sflag:s0], $0x8000  }
0x287: {  	[sflag:s0] =	ssyncset.done $0x0  }
0x288: {  	[sflag:s0] =	ssyncadd.s32 $0xFFFF8000  }
0x289: {  	_ =	swait.ge [sflag:s0], $0x8000  }
0x28a: {  	[sflag:s0] =	ssyncset.done $0x0  }
0x28b: {  	s7 =	rddreg [dreg:$0xa];
	[sflag:s0] =	ssyncadd.s32 $0xFFFF8000  }
0x28c: {  	[hbm4b:s7+s3] =	stream.linear.scatter [tilespmem:s6], [sflag:$0x2], $0x8000, $0x38;
	[tilespmem:$0x15F00] =	vst v63  }
0x28d: {  	_ =	swait.ge [sflag:s5], $0x8000  }
0x28e: {  	[sflag:s5] =	ssyncset.done $0x0  }
0x28f: {  	s7 =	rddreg [dreg:$0xb];
	[sflag:s5] =	ssyncadd.s32 $0xFFFF8000  }
0x290: {  	[hbm4b:s7+s3] =	stream.linear.scatter [tilespmem:s8], [sflag:$0x2], $0x8000, $0x38;
	[tilespmem:$0x15F00] =	vst v63  }
0x291: {  	_ =	swait.ge [sflag:s5], $0x8000  }
0x292: {  	p0 =	sne.s32 s4, $0x1;
	[sflag:s5] =	ssyncset.done $0x0  }
.Ltmp0:
0x293: {  	s7 =	rddreg [dreg:$0xc];
	[sflag:s5] =	ssyncadd.s32 $0xFFFF8000;
	(pc) =	sbr.rel @p0 .LBB2_1-.Ltmp0, $4  }
0x294: {  	[hbm4b:s7+s3] =	stream.linear.scatter [tilespmem:s31], [sflag:$0x2], $0x800, $0x38;
	[tilespmem:$0x15F00] =	vst v63  }
0x295: {  	_ =	swait.ge [sflag:s5], $0x800  }
0x296: {  	[sflag:s5] =	ssyncset.done $0x0  }
0x297: {  	s4 =	sadd.s32 $0xFFFFFFFF, s4;
	[sflag:s5] =	ssyncadd.s32 $0xFFFFF800  }
0x298: {  	_ =	sfence.sel $0x180000  }
0x299: {  	[bflag:$0x0] =	sbarrier.arrive $0xFFFF  }
0x29a: {  	_ =	strace $0x90000047  }
0x29b: {  	s0 =	stileid.u32;
	[bflag:$0x2] =	sbarrier.arrive $0xFFFF  }
0x29c: {  	p0 =	sne.s32 s0, $0x0;
	s0 =	rddreg [dreg:$0x2]  }
0x29d: {  	s0 =	sadd.s32 @!p0 $0x100000, s0  }
0x29e: {  	[sflag:s0] =	ssyncadd.tile.s32 @!p0 $0x1;
	_ =	shalt  }
.Lfunc_end2:
_tile_overlayer_lowered:
.L_overlay_start_2:
0x29f: {  	(tag) =	ssettag $0x2  }
0x2a0: {  	s0 =	rddreg [dreg:$0x0];
	s2 =	stileid.u32  }
0x2a1: {  	s1 =	rddreg [dreg:$0x1];
	p0 =	sne.s32 s2, $0x0  }
0x2a2: {  	s3 =	rddreg [dreg:$0x2];
	[bflag:$0x3] =	sbarrier.arrive $0xFFFF;
	s2 =	simm.s32 @!p0 $0x1C02  }
0x2a3: {  	[timem:s3], [sflag:s2] =	dma.local @!p0 [hbm:s0], s1  }
0x2a4: {  	s0 =	simm.s32 @!p0 $0x2  }
0x2a5: {  	_ =	swait.ge @!p0 [sflag:s0], s1  }
0x2a6: {  	s1 =	ssub.s32 @!p0 $0x0, s1;
	[sflag:s0] =	ssyncset.done @!p0 $0x0  }
0x2a7: {  	[sflag:s0] =	ssyncadd.s32 @!p0 s1  }
0x2a8: {  	[bflag:$0x3] =	sbarrier.arrive $0xFFFF  }
0x2a9: {  	_ =	shalt  }

</sc_bundles>
